<compile_context>
chip_gen: v7x
topology: tpu7x:2x2x1
jax: 0.10.2.dev20260603
libtpu: 0.0.44.dev20260713+nightly
codegen_flags: <defaults>
</compile_context>

<pallas_src>
import functools

import jax
import jax.numpy as jnp
from jax import lax
from jax.experimental import pallas as pl
from jax.experimental.pallas import tpu as pltpu
from jax.experimental.pallas import tpu_sc as plsc

N_NODES = 50000
D = 512
B = 1024
S1 = 25
S2 = 10

NG = B + B * S2
NW = 32
PER_W = NG // NW
GCHUNK = 88
SGRP = 4
SROWS = SGRP * S1
PAD = 104
NSC = PER_W // SGRP


def _sc_gather_sum(xi, gidx, sidx_pad):
  mesh = plsc.VectorSubcoreMesh(
      core_axis_name="c", subcore_axis_name="s", num_cores=2, num_subcores=16)

  @functools.partial(
      pl.kernel,
      out_type=(
          jax.ShapeDtypeStruct((NG, D), jnp.float32),
          jax.ShapeDtypeStruct((NG, D), jnp.float32),
      ),
      mesh=mesh,
      scratch_types=[
          pltpu.VMEM((PER_W,), jnp.int32),
          pltpu.VMEM((NSC * PAD,), jnp.int32),
          pltpu.VMEM((PAD, D), jnp.float32),
          pltpu.VMEM((PAD, D), jnp.float32),
          pltpu.VMEM((2 * SGRP, D), jnp.float32),
          pltpu.SemaphoreType.DMA,
          pltpu.SemaphoreType.DMA,
          pltpu.SemaphoreType.DMA,
          pltpu.SemaphoreType.DMA,
      ],
  )
  def k(xi_hbm, gidx_hbm, sidx_hbm, gout_hbm, sout_hbm,
        gi_v, si_v, buf0, buf1, sums0, gsem0, gsem1, fsem0, fsem1):
    wid = lax.axis_index("s") * 2 + lax.axis_index("c")
    wbase = wid * PER_W
    bufs = (buf0, buf1)
    gsems = (gsem0, gsem1)
    fsems = (fsem0, fsem1)

    pltpu.sync_copy(gidx_hbm.at[pl.ds(wbase, PER_W)], gi_v)
    pltpu.sync_copy(sidx_hbm.at[pl.ds(wid * (NSC * PAD), NSC * PAD)], si_v)

    def gstart(c, b):
      return pltpu.async_copy(
          xi_hbm.at[gi_v.at[pl.ds(c * GCHUNK, GCHUNK)]],
          bufs[b].at[pl.ds(0, GCHUNK)], gsems[b])

    def gout_flush(c, b):
      return pltpu.async_copy(
          bufs[b].at[pl.ds(0, GCHUNK)],
          gout_hbm.at[pl.ds(wbase + c * GCHUNK, GCHUNK)], fsems[b])

    d0 = gstart(0, 0)
    d1 = gstart(1, 1)
    d0.wait()
    f0 = gout_flush(0, 0)
    d1.wait()
    f1 = gout_flush(1, 1)
    f0.wait()
    d2 = gstart(2, 0)
    f1.wait()
    d3 = gstart(3, 1)
    d2.wait()
    f2 = gout_flush(2, 0)
    d3.wait()
    f3 = gout_flush(3, 1)
    f2.wait()
    f3.wait()

    def sgather(c, b):
      return pltpu.async_copy(
          xi_hbm.at[si_v.at[pl.ds(c * PAD, PAD)]], bufs[b], gsems[b])

    def swait(q2, b):
      pltpu.make_async_copy(
          xi_hbm.at[si_v.at[pl.ds(q2 * PAD, PAD)]], bufs[b],
          gsems[b]).wait()

    def accum(b, half):
      buf = bufs[b]
      for g in range(SGRP):
        def col_chunk(c, _, g=g, buf=buf, half=half):
          col = pl.ds(c * 16, 16)
          a = [buf[g * S1 + 5 * kk, col] for kk in range(5)]
          for r in range(1, 5):
            for kk in range(5):
              a[kk] = a[kk] + buf[g * S1 + 5 * kk + r, col]
          row = half * SGRP + g
          sums0[row, col] = ((a[0] + a[1]) + (a[2] + a[3])) + a[4]
          return 0
        lax.fori_loop(0, D // 16, col_chunk, 0)

    def fwait():
      pltpu.make_async_copy(
          sums0, sout_hbm.at[pl.ds(wbase, 2 * SGRP)], fsem0).wait()

    sgather(0, 0)
    sgather(1, 1)

    def body(q, _):
      swait(2 * q, 0)

      @pl.when(q >= 1)
      def _():
        fwait()

      accum(0, 0)

      @pl.when(q < NSC // 2 - 1)
      def _():
        sgather(2 * q + 2, 0)

      swait(2 * q + 1, 1)
      accum(1, 1)

      @pl.when(q < NSC // 2 - 1)
      def _():
        sgather(2 * q + 3, 1)

      pltpu.async_copy(
          sums0, sout_hbm.at[pl.ds(wbase + 8 * q, 2 * SGRP)], fsem0)
      return 0

    lax.fori_loop(0, NSC // 2, body, 0)
    fwait()

  return k(xi, gidx, sidx_pad)


def _l2norm(h):
  n2 = jnp.sum(h * h, axis=-1, keepdims=True)
  return h * jnp.where(n2 > 0, lax.rsqrt(n2), 1.0)


def _tc_layers(h0_t, sum_t, h0_n, sum_n, W0a, W0b, W1a, W1b, b0, b1):
  BLK = 128
  NBLK = B // BLK

  def body(h0t_r, st_r, h0n_r, sn_r, w0a_r, w0b_r, w1a_r, w1b_r,
           b0_r, b1_r, z_r):
    inv_s1 = 1.0 / S1
    w0a = w0a_r[...]
    w0b = w0b_r[...]
    h1t = h0t_r[...] @ w0a + (st_r[...] * inv_s1) @ w0b + b0_r[...]
    h1t = _l2norm(jnp.maximum(h1t, 0.0))
    h1n = h0n_r[...] @ w0a + (sn_r[...] * inv_s1) @ w0b + b0_r[...]
    h1n = _l2norm(jnp.maximum(h1n, 0.0))
    agg2 = jnp.mean(h1n.reshape(BLK, S2, D), axis=1)
    z = h1t @ w1a_r[...] + agg2 @ w1b_r[...] + b1_r[...]
    z_r[...] = _l2norm(jnp.maximum(z, 0.0))

  full = lambda i: (0, 0)
  return pl.pallas_call(
      body,
      grid=(NBLK,),
      in_specs=[
          pl.BlockSpec((BLK, D), lambda i: (i, 0)),
          pl.BlockSpec((BLK, D), lambda i: (i, 0)),
          pl.BlockSpec((BLK * S2, D), lambda i: (i, 0)),
          pl.BlockSpec((BLK * S2, D), lambda i: (i, 0)),
          pl.BlockSpec((D, D), full),
          pl.BlockSpec((D, D), full),
          pl.BlockSpec((D, D), full),
          pl.BlockSpec((D, D), full),
          pl.BlockSpec((1, D), full),
          pl.BlockSpec((1, D), full),
      ],
      out_specs=pl.BlockSpec((BLK, D), lambda i: (i, 0)),
      out_shape=jax.ShapeDtypeStruct((B, D), jnp.float32),
  )(h0_t, sum_t, h0_n, sum_n, W0a, W0b, W1a, W1b, b0, b1)


def kernel(x, nodes, nb1, nb0_t, nb0_n, W0, b0, W1, b1):
  gidx = jnp.concatenate([nodes, nb1.reshape(-1)]).astype(jnp.int32)
  sidx = jnp.concatenate(
      [nb0_t.reshape(-1), nb0_n.reshape(-1)]).astype(jnp.int32)
  sidx2d = sidx.reshape(NW * NSC, SROWS)
  padv = (jnp.arange(NW * NSC, dtype=jnp.int32)[:, None] * (PAD - SROWS)
          + jnp.arange(PAD - SROWS, dtype=jnp.int32)[None, :]) % N_NODES
  sidx_pad = jnp.concatenate([sidx2d, padv], axis=1).reshape(-1)

  gout, sout = _sc_gather_sum(x, gidx, sidx_pad)

  h0_t, h0_n = gout[:B], gout[B:]
  sum_t, sum_n = sout[:B], sout[B:]

  z = _tc_layers(
      h0_t, sum_t, h0_n, sum_n,
      W0[:D], W0[D:], W1[:D], W1[D:],
      b0.reshape(1, D), b1.reshape(1, D),
  )
  return z

# --- scband reference (transcript-rebuilt; emitter-appended) ---
"""Pipeline reference for scband-algo-mini-batch-82059645157376 (READ-ONLY COPY).

The authoritative reference and input builder live on the scoring server;
editing this copy changes nothing except your own understanding.
"""

import jax, jax.numpy as jnp
import numpy as np

N_NODES = 50000
D_FEAT = 512
HIDDEN = 512
B = 1024
S1 = 25
S2 = 10

def setup_inputs(seed: int = 0) -> dict:
    key = jax.random.key(seed)
    ks = jax.random.split(key, 10)
    x = jax.random.normal(ks[0], (N_NODES, D_FEAT), dtype=jnp.float32)
    nodes = jax.random.randint(ks[1], (B,), 0, N_NODES, dtype=jnp.int64 if jax.config.jax_enable_x64 else jnp.int32)
    nb1 = jax.random.randint(ks[2], (B, S2), 0, N_NODES, dtype=nodes.dtype)
    nb0_t = jax.random.randint(ks[3], (B, S1), 0, N_NODES, dtype=nodes.dtype)
    nb0_n = jax.random.randint(ks[4], (B, S2, S1), 0, N_NODES, dtype=nodes.dtype)
    # learned params: W^k = Linear(2*d, hidden) for k=0,1
    W0 = jax.random.normal(ks[5], (2 * D_FEAT, HIDDEN), dtype=jnp.float32) * (1.0 / np.sqrt(2 * D_FEAT))
    b0 = jnp.zeros((HIDDEN,), dtype=jnp.float32)
    W1 = jax.random.normal(ks[6], (2 * HIDDEN, HIDDEN), dtype=jnp.float32) * (1.0 / np.sqrt(2 * HIDDEN))
    b1 = jnp.zeros((HIDDEN,), dtype=jnp.float32)
    return {"x": x, "nodes": nodes, "nb1": nb1, "nb0_t": nb0_t, "nb0_n": nb0_n,
            "W0": W0, "b0": b0, "W1": W1, "b1": b1}

def _l2norm(h):
    n = jnp.linalg.norm(h, ord=2, axis=-1, keepdims=True)
    denom = jnp.where(n > 0, n, 1.0)
    return h / denom

def reference(x, nodes, nb1, nb0_t, nb0_n, W0, b0, W1, b1):
    # Layer 1 (k=0 -> h^1) for target nodes B[1]
    h0_t = jnp.take(x, nodes, axis=0)              # [B, d]
    h0_tn = jnp.take(x, nb0_t, axis=0)             # [B, S1, d] sampled neighbor feats
    agg_t = jnp.mean(h0_tn, axis=1)                # mean aggregator
    h1_t = _l2norm(jax.nn.relu(jnp.concatenate([h0_t, agg_t], axis=-1) @ W0 + b0))
    # Layer 1 for the layer-2 sampled neighbors of each target
    h0_n = jnp.take(x, nb1, axis=0)                # [B, S2, d]
    h0_nn = jnp.take(x, nb0_n, axis=0)             # [B, S2, S1, d]
    agg_n = jnp.mean(h0_nn, axis=2)                # [B, S2, d]
    h1_n = _l2norm(jax.nn.relu(jnp.concatenate([h0_n, agg_n], axis=-1) @ W0 + b0))
    # Layer 2 (k=1 -> h^2) for target nodes B[2]
    agg2 = jnp.mean(h1_n, axis=1)                  # [B, hidden]
    z = _l2norm(jax.nn.relu(jnp.concatenate([h1_t, agg2], axis=-1) @ W1 + b1))
    return z

if __name__ == "__main__":
    import jax
    _d = setup_inputs()
    print(jax.jit(kernel)(*tuple(_d.values())))

</pallas_src>

<mosaic_0001>
#map = affine_map<(d0, d1) -> (0, 0)>
#map1 = affine_map<(d0, d1) -> (0)>
module attributes {stable_mosaic.version = 14 : i64} {
  func.func @k(%arg0: i32, %arg1: i32, %arg2: memref<50000x512xf32, #tpu.memory_space<hbm>>, %arg3: memref<11264xi32, #tpu.memory_space<hbm>>, %arg4: memref<292864xi32, #tpu.memory_space<hbm>>, %arg5: memref<11264x512xf32, #tpu.memory_space<hbm>>, %arg6: memref<11264x512xf32, #tpu.memory_space<hbm>>, %arg7: memref<352xi32, #tpu.memory_space<vmem>>, %arg8: memref<9152xi32, #tpu.memory_space<vmem>>, %arg9: memref<104x512xf32, #tpu.memory_space<vmem>>, %arg10: memref<104x512xf32, #tpu.memory_space<vmem>>, %arg11: memref<8x512xf32, #tpu.memory_space<vmem>>, %arg12: memref<!tpu.dma_semaphore, #tpu.memory_space<semaphore_mem>>, %arg13: memref<!tpu.dma_semaphore, #tpu.memory_space<semaphore_mem>>, %arg14: memref<!tpu.dma_semaphore, #tpu.memory_space<semaphore_mem>>, %arg15: memref<!tpu.dma_semaphore, #tpu.memory_space<semaphore_mem>>) attributes {dimension_semantics = [#tpu.dimension_semantics<core_parallel>, #tpu.dimension_semantics<subcore_parallel>], iteration_bounds = array<i64: 2, 16>, scalar_prefetch = 0 : i64, scratch_operands = 9 : i64, tpu.core_type = #tpu.core_type<sc_vector_subcore>, window_params = [{transform_indices = #map}, {transform_indices = #map1}, {transform_indices = #map1}, {transform_indices = #map}, {transform_indices = #map}]} {
    %mul3A = arith.constant 2 : i32
    %mul3A_0 = arith.muli %arg1, %mul3A : i32
    %add3A = arith.addi %mul3A_0, %arg0 : i32
    %mul3A_1 = arith.constant 352 : i32
    %mul3A_2 = arith.muli %add3A, %mul3A_1 : i32
    "tpu.region"() ({
      %run_scoped3A = tpu.sem_alloc : memref<!tpu.dma_semaphore, #tpu.memory_space<semaphore_mem>>
      %dma_start3A_175 = tpu.memref_slice %arg3[%mul3A_2] : memref<11264xi32, #tpu.memory_space<hbm>> -> memref<352xi32, #tpu.memory_space<hbm>>
      %dma_start3A_176 = tpu.memref_slice %arg3[%mul3A_2] : memref<11264xi32, #tpu.memory_space<hbm>> -> memref<352xi32, #tpu.memory_space<hbm>>
      tpu.enqueue_dma source(%dma_start3A_176 : memref<352xi32, #tpu.memory_space<hbm>>) target(%arg7 : memref<352xi32, #tpu.memory_space<vmem>>) target_semaphore(%run_scoped3A : memref<!tpu.dma_semaphore, #tpu.memory_space<semaphore_mem>>)
      %dma_wait3A_177 = tpu.memref_slice %arg3[%mul3A_2] : memref<11264xi32, #tpu.memory_space<hbm>> -> memref<352xi32, #tpu.memory_space<hbm>>
      %dma_wait3A_178 = tpu.memref_slice %arg3[%mul3A_2] : memref<11264xi32, #tpu.memory_space<hbm>> -> memref<352xi32, #tpu.memory_space<hbm>>
      tpu.wait_dma2 semaphore(%run_scoped3A : memref<!tpu.dma_semaphore, #tpu.memory_space<semaphore_mem>>) src(%dma_wait3A_178 : memref<352xi32, #tpu.memory_space<hbm>>) dst(%arg7 : memref<352xi32, #tpu.memory_space<vmem>>)
      tpu.yield
    }) : () -> ()
    %mul3A_3 = arith.constant 9152 : i32
    %mul3A_4 = arith.muli %add3A, %mul3A_3 : i32
    "tpu.region"() ({
      %run_scoped3A = tpu.sem_alloc : memref<!tpu.dma_semaphore, #tpu.memory_space<semaphore_mem>>
      %dma_start3A_175 = tpu.memref_slice %arg4[%mul3A_4] : memref<292864xi32, #tpu.memory_space<hbm>> -> memref<9152xi32, #tpu.memory_space<hbm>>
      %dma_start3A_176 = tpu.memref_slice %arg4[%mul3A_4] : memref<292864xi32, #tpu.memory_space<hbm>> -> memref<9152xi32, #tpu.memory_space<hbm>>
      tpu.enqueue_dma source(%dma_start3A_176 : memref<9152xi32, #tpu.memory_space<hbm>>) target(%arg8 : memref<9152xi32, #tpu.memory_space<vmem>>) target_semaphore(%run_scoped3A : memref<!tpu.dma_semaphore, #tpu.memory_space<semaphore_mem>>)
      %dma_wait3A_177 = tpu.memref_slice %arg4[%mul3A_4] : memref<292864xi32, #tpu.memory_space<hbm>> -> memref<9152xi32, #tpu.memory_space<hbm>>
      %dma_wait3A_178 = tpu.memref_slice %arg4[%mul3A_4] : memref<292864xi32, #tpu.memory_space<hbm>> -> memref<9152xi32, #tpu.memory_space<hbm>>
      tpu.wait_dma2 semaphore(%run_scoped3A : memref<!tpu.dma_semaphore, #tpu.memory_space<semaphore_mem>>) src(%dma_wait3A_178 : memref<9152xi32, #tpu.memory_space<hbm>>) dst(%arg8 : memref<9152xi32, #tpu.memory_space<vmem>>)
      tpu.yield
    }) : () -> ()
    %dma_start3A = arith.constant 0 : i32
    %dma_start3A_5 = arith.constant 0 : i32
    %dma_start3A_6 = tpu.memref_slice %arg9[%dma_start3A, %dma_start3A_5] : memref<104x512xf32, #tpu.memory_space<vmem>> -> memref<88x512xf32, #tpu.memory_space<vmem>>
    %dma_start3A_7 = arith.constant 0 : i32
    %dma_start3A_8 = tpu.memref_slice %arg7[%dma_start3A_7] : memref<352xi32, #tpu.memory_space<vmem>> -> memref<88xi32, #tpu.memory_space<vmem>>
    %dma_start3A_9 = arith.constant 0 : i32
    %dma_start3A_10 = arith.constant 0 : i32
    %dma_start3A_11 = tpu.memref_slice %arg2[%dma_start3A_9, %dma_start3A_10] : memref<50000x512xf32, #tpu.memory_space<hbm>> -> memref<50000x512xf32, #tpu.memory_space<hbm>>
    tpu.enqueue_indirect_dma source(%dma_start3A_11 : memref<50000x512xf32, #tpu.memory_space<hbm>>) target(%dma_start3A_6 : memref<88x512xf32, #tpu.memory_space<vmem>>) offsets(%dma_start3A_8 : memref<88xi32, #tpu.memory_space<vmem>>) semaphore(%arg12 : memref<!tpu.dma_semaphore, #tpu.memory_space<semaphore_mem>>)
    %dma_start3A_12 = arith.constant 0 : i32
    %dma_start3A_13 = arith.constant 0 : i32
    %dma_start3A_14 = tpu.memref_slice %arg10[%dma_start3A_12, %dma_start3A_13] : memref<104x512xf32, #tpu.memory_space<vmem>> -> memref<88x512xf32, #tpu.memory_space<vmem>>
    %dma_start3A_15 = arith.constant 88 : i32
    %dma_start3A_16 = tpu.memref_slice %arg7[%dma_start3A_15] : memref<352xi32, #tpu.memory_space<vmem>> -> memref<88xi32, #tpu.memory_space<vmem>>
    %dma_start3A_17 = arith.constant 0 : i32
    %dma_start3A_18 = arith.constant 0 : i32
    %dma_start3A_19 = tpu.memref_slice %arg2[%dma_start3A_17, %dma_start3A_18] : memref<50000x512xf32, #tpu.memory_space<hbm>> -> memref<50000x512xf32, #tpu.memory_space<hbm>>
    tpu.enqueue_indirect_dma source(%dma_start3A_19 : memref<50000x512xf32, #tpu.memory_space<hbm>>) target(%dma_start3A_14 : memref<88x512xf32, #tpu.memory_space<vmem>>) offsets(%dma_start3A_16 : memref<88xi32, #tpu.memory_space<vmem>>) semaphore(%arg13 : memref<!tpu.dma_semaphore, #tpu.memory_space<semaphore_mem>>)
    %dma_wait3A = arith.constant 0 : i32
    %dma_wait3A_20 = arith.constant 0 : i32
    %dma_wait3A_21 = tpu.memref_slice %arg9[%dma_wait3A, %dma_wait3A_20] : memref<104x512xf32, #tpu.memory_space<vmem>> -> memref<88x512xf32, #tpu.memory_space<vmem>>
    %dma_wait3A_22 = arith.constant 0 : i32
    %dma_wait3A_23 = tpu.memref_slice %arg7[%dma_wait3A_22] : memref<352xi32, #tpu.memory_space<vmem>> -> memref<88xi32, #tpu.memory_space<vmem>>
    %dma_wait3A_24 = arith.constant 0 : i32
    %dma_wait3A_25 = arith.constant 0 : i32
    %dma_wait3A_26 = tpu.memref_slice %arg2[%dma_wait3A_24, %dma_wait3A_25] : memref<50000x512xf32, #tpu.memory_space<hbm>> -> memref<50000x512xf32, #tpu.memory_space<hbm>>
    tpu.wait_indirect_dma semaphore(%arg12 : memref<!tpu.dma_semaphore, #tpu.memory_space<semaphore_mem>>) src(%dma_wait3A_26 : memref<50000x512xf32, #tpu.memory_space<hbm>>) dst(%dma_wait3A_21 : memref<88x512xf32, #tpu.memory_space<vmem>>)
    %add3A_27 = arith.constant 0 : i32
    %add3A_28 = arith.addi %mul3A_2, %add3A_27 : i32
    %dma_start3A_29 = arith.constant 0 : i32
    %dma_start3A_30 = arith.constant 0 : i32
    %dma_start3A_31 = tpu.memref_slice %arg9[%dma_start3A_29, %dma_start3A_30] : memref<104x512xf32, #tpu.memory_space<vmem>> -> memref<88x512xf32, #tpu.memory_space<vmem>>
    %dma_start3A_32 = arith.constant 0 : i32
    %dma_start3A_33 = tpu.memref_slice %arg5[%add3A_28, %dma_start3A_32] : memref<11264x512xf32, #tpu.memory_space<hbm>> -> memref<88x512xf32, #tpu.memory_space<hbm>>
    %dma_start3A_34 = arith.constant 0 : i32
    %dma_start3A_35 = tpu.memref_slice %arg5[%add3A_28, %dma_start3A_34] : memref<11264x512xf32, #tpu.memory_space<hbm>> -> memref<88x512xf32, #tpu.memory_space<hbm>>
    %dma_start3A_36 = arith.constant 0 : i32
    %dma_start3A_37 = arith.constant 0 : i32
    %dma_start3A_38 = tpu.memref_slice %arg9[%dma_start3A_36, %dma_start3A_37] : memref<104x512xf32, #tpu.memory_space<vmem>> -> memref<88x512xf32, #tpu.memory_space<vmem>>
    tpu.enqueue_dma source(%dma_start3A_38 : memref<88x512xf32, #tpu.memory_space<vmem>>) target(%dma_start3A_35 : memref<88x512xf32, #tpu.memory_space<hbm>>) target_semaphore(%arg14 : memref<!tpu.dma_semaphore, #tpu.memory_space<semaphore_mem>>)
    %dma_wait3A_39 = arith.constant 0 : i32
    %dma_wait3A_40 = arith.constant 0 : i32
    %dma_wait3A_41 = tpu.memref_slice %arg10[%dma_wait3A_39, %dma_wait3A_40] : memref<104x512xf32, #tpu.memory_space<vmem>> -> memref<88x512xf32, #tpu.memory_space<vmem>>
    %dma_wait3A_42 = arith.constant 88 : i32
    %dma_wait3A_43 = tpu.memref_slice %arg7[%dma_wait3A_42] : memref<352xi32, #tpu.memory_space<vmem>> -> memref<88xi32, #tpu.memory_space<vmem>>
    %dma_wait3A_44 = arith.constant 0 : i32
    %dma_wait3A_45 = arith.constant 0 : i32
    %dma_wait3A_46 = tpu.memref_slice %arg2[%dma_wait3A_44, %dma_wait3A_45] : memref<50000x512xf32, #tpu.memory_space<hbm>> -> memref<50000x512xf32, #tpu.memory_space<hbm>>
    tpu.wait_indirect_dma semaphore(%arg13 : memref<!tpu.dma_semaphore, #tpu.memory_space<semaphore_mem>>) src(%dma_wait3A_46 : memref<50000x512xf32, #tpu.memory_space<hbm>>) dst(%dma_wait3A_41 : memref<88x512xf32, #tpu.memory_space<vmem>>)
    %add3A_47 = arith.constant 88 : i32
    %add3A_48 = arith.addi %mul3A_2, %add3A_47 : i32
    %dma_start3A_49 = arith.constant 0 : i32
    %dma_start3A_50 = arith.constant 0 : i32
    %dma_start3A_51 = tpu.memref_slice %arg10[%dma_start3A_49, %dma_start3A_50] : memref<104x512xf32, #tpu.memory_space<vmem>> -> memref<88x512xf32, #tpu.memory_space<vmem>>
    %dma_start3A_52 = arith.constant 0 : i32
    %dma_start3A_53 = tpu.memref_slice %arg5[%add3A_48, %dma_start3A_52] : memref<11264x512xf32, #tpu.memory_space<hbm>> -> memref<88x512xf32, #tpu.memory_space<hbm>>
    %dma_start3A_54 = arith.constant 0 : i32
    %dma_start3A_55 = tpu.memref_slice %arg5[%add3A_48, %dma_start3A_54] : memref<11264x512xf32, #tpu.memory_space<hbm>> -> memref<88x512xf32, #tpu.memory_space<hbm>>
    %dma_start3A_56 = arith.constant 0 : i32
    %dma_start3A_57 = arith.constant 0 : i32
    %dma_start3A_58 = tpu.memref_slice %arg10[%dma_start3A_56, %dma_start3A_57] : memref<104x512xf32, #tpu.memory_space<vmem>> -> memref<88x512xf32, #tpu.memory_space<vmem>>
    tpu.enqueue_dma source(%dma_start3A_58 : memref<88x512xf32, #tpu.memory_space<vmem>>) target(%dma_start3A_55 : memref<88x512xf32, #tpu.memory_space<hbm>>) target_semaphore(%arg15 : memref<!tpu.dma_semaphore, #tpu.memory_space<semaphore_mem>>)
    %dma_wait3A_59 = arith.constant 0 : i32
    %dma_wait3A_60 = arith.constant 0 : i32
    %dma_wait3A_61 = tpu.memref_slice %arg9[%dma_wait3A_59, %dma_wait3A_60] : memref<104x512xf32, #tpu.memory_space<vmem>> -> memref<88x512xf32, #tpu.memory_space<vmem>>
    %dma_wait3A_62 = arith.constant 0 : i32
    %dma_wait3A_63 = tpu.memref_slice %arg5[%add3A_28, %dma_wait3A_62] : memref<11264x512xf32, #tpu.memory_space<hbm>> -> memref<88x512xf32, #tpu.memory_space<hbm>>
    %dma_wait3A_64 = arith.constant 0 : i32
    %dma_wait3A_65 = tpu.memref_slice %arg5[%add3A_28, %dma_wait3A_64] : memref<11264x512xf32, #tpu.memory_space<hbm>> -> memref<88x512xf32, #tpu.memory_space<hbm>>
    %dma_wait3A_66 = arith.constant 0 : i32
    %dma_wait3A_67 = arith.constant 0 : i32
    %dma_wait3A_68 = tpu.memref_slice %arg9[%dma_wait3A_66, %dma_wait3A_67] : memref<104x512xf32, #tpu.memory_space<vmem>> -> memref<88x512xf32, #tpu.memory_space<vmem>>
    tpu.wait_dma2 semaphore(%arg14 : memref<!tpu.dma_semaphore, #tpu.memory_space<semaphore_mem>>) src(%dma_wait3A_68 : memref<88x512xf32, #tpu.memory_space<vmem>>) dst(%dma_wait3A_65 : memref<88x512xf32, #tpu.memory_space<hbm>>)
    %dma_start3A_69 = arith.constant 0 : i32
    %dma_start3A_70 = arith.constant 0 : i32
    %dma_start3A_71 = tpu.memref_slice %arg9[%dma_start3A_69, %dma_start3A_70] : memref<104x512xf32, #tpu.memory_space<vmem>> -> memref<88x512xf32, #tpu.memory_space<vmem>>
    %dma_start3A_72 = arith.constant 176 : i32
    %dma_start3A_73 = tpu.memref_slice %arg7[%dma_start3A_72] : memref<352xi32, #tpu.memory_space<vmem>> -> memref<88xi32, #tpu.memory_space<vmem>>
    %dma_start3A_74 = arith.constant 0 : i32
    %dma_start3A_75 = arith.constant 0 : i32
    %dma_start3A_76 = tpu.memref_slice %arg2[%dma_start3A_74, %dma_start3A_75] : memref<50000x512xf32, #tpu.memory_space<hbm>> -> memref<50000x512xf32, #tpu.memory_space<hbm>>
    tpu.enqueue_indirect_dma source(%dma_start3A_76 : memref<50000x512xf32, #tpu.memory_space<hbm>>) target(%dma_start3A_71 : memref<88x512xf32, #tpu.memory_space<vmem>>) offsets(%dma_start3A_73 : memref<88xi32, #tpu.memory_space<vmem>>) semaphore(%arg12 : memref<!tpu.dma_semaphore, #tpu.memory_space<semaphore_mem>>)
    %dma_wait3A_77 = arith.constant 0 : i32
    %dma_wait3A_78 = arith.constant 0 : i32
    %dma_wait3A_79 = tpu.memref_slice %arg10[%dma_wait3A_77, %dma_wait3A_78] : memref<104x512xf32, #tpu.memory_space<vmem>> -> memref<88x512xf32, #tpu.memory_space<vmem>>
    %dma_wait3A_80 = arith.constant 0 : i32
    %dma_wait3A_81 = tpu.memref_slice %arg5[%add3A_48, %dma_wait3A_80] : memref<11264x512xf32, #tpu.memory_space<hbm>> -> memref<88x512xf32, #tpu.memory_space<hbm>>
    %dma_wait3A_82 = arith.constant 0 : i32
    %dma_wait3A_83 = tpu.memref_slice %arg5[%add3A_48, %dma_wait3A_82] : memref<11264x512xf32, #tpu.memory_space<hbm>> -> memref<88x512xf32, #tpu.memory_space<hbm>>
    %dma_wait3A_84 = arith.constant 0 : i32
    %dma_wait3A_85 = arith.constant 0 : i32
    %dma_wait3A_86 = tpu.memref_slice %arg10[%dma_wait3A_84, %dma_wait3A_85] : memref<104x512xf32, #tpu.memory_space<vmem>> -> memref<88x512xf32, #tpu.memory_space<vmem>>
    tpu.wait_dma2 semaphore(%arg15 : memref<!tpu.dma_semaphore, #tpu.memory_space<semaphore_mem>>) src(%dma_wait3A_86 : memref<88x512xf32, #tpu.memory_space<vmem>>) dst(%dma_wait3A_83 : memref<88x512xf32, #tpu.memory_space<hbm>>)
    %dma_start3A_87 = arith.constant 0 : i32
    %dma_start3A_88 = arith.constant 0 : i32
    %dma_start3A_89 = tpu.memref_slice %arg10[%dma_start3A_87, %dma_start3A_88] : memref<104x512xf32, #tpu.memory_space<vmem>> -> memref<88x512xf32, #tpu.memory_space<vmem>>
    %dma_start3A_90 = arith.constant 264 : i32
    %dma_start3A_91 = tpu.memref_slice %arg7[%dma_start3A_90] : memref<352xi32, #tpu.memory_space<vmem>> -> memref<88xi32, #tpu.memory_space<vmem>>
    %dma_start3A_92 = arith.constant 0 : i32
    %dma_start3A_93 = arith.constant 0 : i32
    %dma_start3A_94 = tpu.memref_slice %arg2[%dma_start3A_92, %dma_start3A_93] : memref<50000x512xf32, #tpu.memory_space<hbm>> -> memref<50000x512xf32, #tpu.memory_space<hbm>>
    tpu.enqueue_indirect_dma source(%dma_start3A_94 : memref<50000x512xf32, #tpu.memory_space<hbm>>) target(%dma_start3A_89 : memref<88x512xf32, #tpu.memory_space<vmem>>) offsets(%dma_start3A_91 : memref<88xi32, #tpu.memory_space<vmem>>) semaphore(%arg13 : memref<!tpu.dma_semaphore, #tpu.memory_space<semaphore_mem>>)
    %dma_wait3A_95 = arith.constant 0 : i32
    %dma_wait3A_96 = arith.constant 0 : i32
    %dma_wait3A_97 = tpu.memref_slice %arg9[%dma_wait3A_95, %dma_wait3A_96] : memref<104x512xf32, #tpu.memory_space<vmem>> -> memref<88x512xf32, #tpu.memory_space<vmem>>
    %dma_wait3A_98 = arith.constant 176 : i32
    %dma_wait3A_99 = tpu.memref_slice %arg7[%dma_wait3A_98] : memref<352xi32, #tpu.memory_space<vmem>> -> memref<88xi32, #tpu.memory_space<vmem>>
    %dma_wait3A_100 = arith.constant 0 : i32
    %dma_wait3A_101 = arith.constant 0 : i32
    %dma_wait3A_102 = tpu.memref_slice %arg2[%dma_wait3A_100, %dma_wait3A_101] : memref<50000x512xf32, #tpu.memory_space<hbm>> -> memref<50000x512xf32, #tpu.memory_space<hbm>>
    tpu.wait_indirect_dma semaphore(%arg12 : memref<!tpu.dma_semaphore, #tpu.memory_space<semaphore_mem>>) src(%dma_wait3A_102 : memref<50000x512xf32, #tpu.memory_space<hbm>>) dst(%dma_wait3A_97 : memref<88x512xf32, #tpu.memory_space<vmem>>)
    %add3A_103 = arith.constant 176 : i32
    %add3A_104 = arith.addi %mul3A_2, %add3A_103 : i32
    %dma_start3A_105 = arith.constant 0 : i32
    %dma_start3A_106 = arith.constant 0 : i32
    %dma_start3A_107 = tpu.memref_slice %arg9[%dma_start3A_105, %dma_start3A_106] : memref<104x512xf32, #tpu.memory_space<vmem>> -> memref<88x512xf32, #tpu.memory_space<vmem>>
    %dma_start3A_108 = arith.constant 0 : i32
    %dma_start3A_109 = tpu.memref_slice %arg5[%add3A_104, %dma_start3A_108] : memref<11264x512xf32, #tpu.memory_space<hbm>> -> memref<88x512xf32, #tpu.memory_space<hbm>>
    %dma_start3A_110 = arith.constant 0 : i32
    %dma_start3A_111 = tpu.memref_slice %arg5[%add3A_104, %dma_start3A_110] : memref<11264x512xf32, #tpu.memory_space<hbm>> -> memref<88x512xf32, #tpu.memory_space<hbm>>
    %dma_start3A_112 = arith.constant 0 : i32
    %dma_start3A_113 = arith.constant 0 : i32
    %dma_start3A_114 = tpu.memref_slice %arg9[%dma_start3A_112, %dma_start3A_113] : memref<104x512xf32, #tpu.memory_space<vmem>> -> memref<88x512xf32, #tpu.memory_space<vmem>>
    tpu.enqueue_dma source(%dma_start3A_114 : memref<88x512xf32, #tpu.memory_space<vmem>>) target(%dma_start3A_111 : memref<88x512xf32, #tpu.memory_space<hbm>>) target_semaphore(%arg14 : memref<!tpu.dma_semaphore, #tpu.memory_space<semaphore_mem>>)
    %dma_wait3A_115 = arith.constant 0 : i32
    %dma_wait3A_116 = arith.constant 0 : i32
    %dma_wait3A_117 = tpu.memref_slice %arg10[%dma_wait3A_115, %dma_wait3A_116] : memref<104x512xf32, #tpu.memory_space<vmem>> -> memref<88x512xf32, #tpu.memory_space<vmem>>
    %dma_wait3A_118 = arith.constant 264 : i32
    %dma_wait3A_119 = tpu.memref_slice %arg7[%dma_wait3A_118] : memref<352xi32, #tpu.memory_space<vmem>> -> memref<88xi32, #tpu.memory_space<vmem>>
    %dma_wait3A_120 = arith.constant 0 : i32
    %dma_wait3A_121 = arith.constant 0 : i32
    %dma_wait3A_122 = tpu.memref_slice %arg2[%dma_wait3A_120, %dma_wait3A_121] : memref<50000x512xf32, #tpu.memory_space<hbm>> -> memref<50000x512xf32, #tpu.memory_space<hbm>>
    tpu.wait_indirect_dma semaphore(%arg13 : memref<!tpu.dma_semaphore, #tpu.memory_space<semaphore_mem>>) src(%dma_wait3A_122 : memref<50000x512xf32, #tpu.memory_space<hbm>>) dst(%dma_wait3A_117 : memref<88x512xf32, #tpu.memory_space<vmem>>)
    %add3A_123 = arith.constant 264 : i32
    %add3A_124 = arith.addi %mul3A_2, %add3A_123 : i32
    %dma_start3A_125 = arith.constant 0 : i32
    %dma_start3A_126 = arith.constant 0 : i32
    %dma_start3A_127 = tpu.memref_slice %arg10[%dma_start3A_125, %dma_start3A_126] : memref<104x512xf32, #tpu.memory_space<vmem>> -> memref<88x512xf32, #tpu.memory_space<vmem>>
    %dma_start3A_128 = arith.constant 0 : i32
    %dma_start3A_129 = tpu.memref_slice %arg5[%add3A_124, %dma_start3A_128] : memref<11264x512xf32, #tpu.memory_space<hbm>> -> memref<88x512xf32, #tpu.memory_space<hbm>>
    %dma_start3A_130 = arith.constant 0 : i32
    %dma_start3A_131 = tpu.memref_slice %arg5[%add3A_124, %dma_start3A_130] : memref<11264x512xf32, #tpu.memory_space<hbm>> -> memref<88x512xf32, #tpu.memory_space<hbm>>
    %dma_start3A_132 = arith.constant 0 : i32
    %dma_start3A_133 = arith.constant 0 : i32
    %dma_start3A_134 = tpu.memref_slice %arg10[%dma_start3A_132, %dma_start3A_133] : memref<104x512xf32, #tpu.memory_space<vmem>> -> memref<88x512xf32, #tpu.memory_space<vmem>>
    tpu.enqueue_dma source(%dma_start3A_134 : memref<88x512xf32, #tpu.memory_space<vmem>>) target(%dma_start3A_131 : memref<88x512xf32, #tpu.memory_space<hbm>>) target_semaphore(%arg15 : memref<!tpu.dma_semaphore, #tpu.memory_space<semaphore_mem>>)
    %dma_wait3A_135 = arith.constant 0 : i32
    %dma_wait3A_136 = arith.constant 0 : i32
    %dma_wait3A_137 = tpu.memref_slice %arg9[%dma_wait3A_135, %dma_wait3A_136] : memref<104x512xf32, #tpu.memory_space<vmem>> -> memref<88x512xf32, #tpu.memory_space<vmem>>
    %dma_wait3A_138 = arith.constant 0 : i32
    %dma_wait3A_139 = tpu.memref_slice %arg5[%add3A_104, %dma_wait3A_138] : memref<11264x512xf32, #tpu.memory_space<hbm>> -> memref<88x512xf32, #tpu.memory_space<hbm>>
    %dma_wait3A_140 = arith.constant 0 : i32
    %dma_wait3A_141 = tpu.memref_slice %arg5[%add3A_104, %dma_wait3A_140] : memref<11264x512xf32, #tpu.memory_space<hbm>> -> memref<88x512xf32, #tpu.memory_space<hbm>>
    %dma_wait3A_142 = arith.constant 0 : i32
    %dma_wait3A_143 = arith.constant 0 : i32
    %dma_wait3A_144 = tpu.memref_slice %arg9[%dma_wait3A_142, %dma_wait3A_143] : memref<104x512xf32, #tpu.memory_space<vmem>> -> memref<88x512xf32, #tpu.memory_space<vmem>>
    tpu.wait_dma2 semaphore(%arg14 : memref<!tpu.dma_semaphore, #tpu.memory_space<semaphore_mem>>) src(%dma_wait3A_144 : memref<88x512xf32, #tpu.memory_space<vmem>>) dst(%dma_wait3A_141 : memref<88x512xf32, #tpu.memory_space<hbm>>)
    %dma_wait3A_145 = arith.constant 0 : i32
    %dma_wait3A_146 = arith.constant 0 : i32
    %dma_wait3A_147 = tpu.memref_slice %arg10[%dma_wait3A_145, %dma_wait3A_146] : memref<104x512xf32, #tpu.memory_space<vmem>> -> memref<88x512xf32, #tpu.memory_space<vmem>>
    %dma_wait3A_148 = arith.constant 0 : i32
    %dma_wait3A_149 = tpu.memref_slice %arg5[%add3A_124, %dma_wait3A_148] : memref<11264x512xf32, #tpu.memory_space<hbm>> -> memref<88x512xf32, #tpu.memory_space<hbm>>
    %dma_wait3A_150 = arith.constant 0 : i32
    %dma_wait3A_151 = tpu.memref_slice %arg5[%add3A_124, %dma_wait3A_150] : memref<11264x512xf32, #tpu.memory_space<hbm>> -> memref<88x512xf32, #tpu.memory_space<hbm>>
    %dma_wait3A_152 = arith.constant 0 : i32
    %dma_wait3A_153 = arith.constant 0 : i32
    %dma_wait3A_154 = tpu.memref_slice %arg10[%dma_wait3A_152, %dma_wait3A_153] : memref<104x512xf32, #tpu.memory_space<vmem>> -> memref<88x512xf32, #tpu.memory_space<vmem>>
    tpu.wait_dma2 semaphore(%arg15 : memref<!tpu.dma_semaphore, #tpu.memory_space<semaphore_mem>>) src(%dma_wait3A_154 : memref<88x512xf32, #tpu.memory_space<vmem>>) dst(%dma_wait3A_151 : memref<88x512xf32, #tpu.memory_space<hbm>>)
    %dma_start3A_155 = arith.constant 0 : i32
    %dma_start3A_156 = tpu.memref_slice %arg8[%dma_start3A_155] : memref<9152xi32, #tpu.memory_space<vmem>> -> memref<104xi32, #tpu.memory_space<vmem>>
    %dma_start3A_157 = arith.constant 0 : i32
    %dma_start3A_158 = arith.constant 0 : i32
    %dma_start3A_159 = tpu.memref_slice %arg2[%dma_start3A_157, %dma_start3A_158] : memref<50000x512xf32, #tpu.memory_space<hbm>> -> memref<50000x512xf32, #tpu.memory_space<hbm>>
    tpu.enqueue_indirect_dma source(%dma_start3A_159 : memref<50000x512xf32, #tpu.memory_space<hbm>>) target(%arg9 : memref<104x512xf32, #tpu.memory_space<vmem>>) offsets(%dma_start3A_156 : memref<104xi32, #tpu.memory_space<vmem>>) semaphore(%arg12 : memref<!tpu.dma_semaphore, #tpu.memory_space<semaphore_mem>>)
    %dma_start3A_160 = arith.constant 104 : i32
    %dma_start3A_161 = tpu.memref_slice %arg8[%dma_start3A_160] : memref<9152xi32, #tpu.memory_space<vmem>> -> memref<104xi32, #tpu.memory_space<vmem>>
    %dma_start3A_162 = arith.constant 0 : i32
    %dma_start3A_163 = arith.constant 0 : i32
    %dma_start3A_164 = tpu.memref_slice %arg2[%dma_start3A_162, %dma_start3A_163] : memref<50000x512xf32, #tpu.memory_space<hbm>> -> memref<50000x512xf32, #tpu.memory_space<hbm>>
    tpu.enqueue_indirect_dma source(%dma_start3A_164 : memref<50000x512xf32, #tpu.memory_space<hbm>>) target(%arg10 : memref<104x512xf32, #tpu.memory_space<vmem>>) offsets(%dma_start3A_161 : memref<104xi32, #tpu.memory_space<vmem>>) semaphore(%arg13 : memref<!tpu.dma_semaphore, #tpu.memory_space<semaphore_mem>>)
    %scan3A = arith.constant 0 : i32
    %scan3A_165 = arith.constant 0 : i32
    %scan3A_166 = arith.constant 44 : i32
    %scan3A_167 = arith.addi %scan3A_165, %scan3A_166 : i32
    %scan3A_168 = arith.constant 1 : i32
    %scan3A_169 = scf.for %scan3A_175 = %scan3A_165 to %scan3A_167 step %scan3A_168 iter_args(%scan3A_176 = %scan3A) -> (i32)  : i32 {
      %mul3A_177 = arith.constant 2 : i32
      %mul3A_178 = arith.muli %mul3A_177, %scan3A_175 : i32
      %mul3A_179 = arith.constant 104 : i32
      %mul3A_180 = arith.muli %mul3A_178, %mul3A_179 : i32
      %dma_wait3A_181 = tpu.memref_slice %arg8[%mul3A_180] : memref<9152xi32, #tpu.memory_space<vmem>> -> memref<104xi32, #tpu.memory_space<vmem>>
      %dma_wait3A_182 = arith.constant 0 : i32
      %dma_wait3A_183 = arith.constant 0 : i32
      %dma_wait3A_184 = tpu.memref_slice %arg2[%dma_wait3A_182, %dma_wait3A_183] : memref<50000x512xf32, #tpu.memory_space<hbm>> -> memref<50000x512xf32, #tpu.memory_space<hbm>>
      tpu.wait_indirect_dma semaphore(%arg12 : memref<!tpu.dma_semaphore, #tpu.memory_space<semaphore_mem>>) src(%dma_wait3A_184 : memref<50000x512xf32, #tpu.memory_space<hbm>>) dst(%arg9 : memref<104x512xf32, #tpu.memory_space<vmem>>)
      %ge3A = arith.constant 1 : i32
      %ge3A_185 = arith.cmpi sge, %scan3A_175, %ge3A : i32
      %convert_element_type3A = arith.extui %ge3A_185 : i1 to i32
      %cond3A = arith.constant 0 : i32
      %cond3A_186 = arith.cmpi ne, %convert_element_type3A, %cond3A : i32
      scf.if %cond3A_186 {
        %dma_wait3A_270 = arith.constant 0 : i32
        %dma_wait3A_271 = tpu.memref_slice %arg6[%mul3A_2, %dma_wait3A_270] : memref<11264x512xf32, #tpu.memory_space<hbm>> -> memref<8x512xf32, #tpu.memory_space<hbm>>
        %dma_wait3A_272 = arith.constant 0 : i32
        %dma_wait3A_273 = tpu.memref_slice %arg6[%mul3A_2, %dma_wait3A_272] : memref<11264x512xf32, #tpu.memory_space<hbm>> -> memref<8x512xf32, #tpu.memory_space<hbm>>
        tpu.wait_dma2 semaphore(%arg14 : memref<!tpu.dma_semaphore, #tpu.memory_space<semaphore_mem>>) src(%arg11 : memref<8x512xf32, #tpu.memory_space<vmem>>) dst(%dma_wait3A_273 : memref<8x512xf32, #tpu.memory_space<hbm>>)
      } else {
      }
      %scan3A_187 = arith.constant 0 : i32
      %scan3A_188 = arith.constant 0 : i32
      %scan3A_189 = arith.constant 32 : i32
      %scan3A_190 = arith.addi %scan3A_188, %scan3A_189 : i32
      %scan3A_191 = arith.constant 1 : i32
      %scan3A_192 = scf.for %scan3A_270 = %scan3A_188 to %scan3A_190 step %scan3A_191 iter_args(%scan3A_271 = %scan3A_187) -> (i32)  : i32 {
        %mul3A_272 = arith.constant 16 : i32
        %mul3A_273 = arith.muli %scan3A_270, %mul3A_272 : i32
        %get3A = arith.constant 0 : i32
        %get3A_274 = arith.index_cast %get3A : i32 to index
        %get3A_275 = arith.index_cast %mul3A_273 : i32 to index
        %get3A_276 = tpu.vector_load %arg9[%get3A_274, %get3A_275] {strides = array<i32>} : memref<104x512xf32, #tpu.memory_space<vmem>>, vector<1x16xf32>,
        %get3A_277 = vector.shape_cast %get3A_276 : vector<1x16xf32> to vector<16xf32>
        %get3A_278 = arith.constant 5 : i32
        %get3A_279 = arith.index_cast %get3A_278 : i32 to index
        %get3A_280 = arith.index_cast %mul3A_273 : i32 to index
        %get3A_281 = tpu.vector_load %arg9[%get3A_279, %get3A_280] {strides = array<i32>} : memref<104x512xf32, #tpu.memory_space<vmem>>, vector<1x16xf32>,
        %get3A_282 = vector.shape_cast %get3A_281 : vector<1x16xf32> to vector<16xf32>
        %get3A_283 = arith.constant 10 : i32
        %get3A_284 = arith.index_cast %get3A_283 : i32 to index
        %get3A_285 = arith.index_cast %mul3A_273 : i32 to index
        %get3A_286 = tpu.vector_load %arg9[%get3A_284, %get3A_285] {strides = array<i32>} : memref<104x512xf32, #tpu.memory_space<vmem>>, vector<1x16xf32>,
        %get3A_287 = vector.shape_cast %get3A_286 : vector<1x16xf32> to vector<16xf32>
        %get3A_288 = arith.constant 15 : i32
        %get3A_289 = arith.index_cast %get3A_288 : i32 to index
        %get3A_290 = arith.index_cast %mul3A_273 : i32 to index
        %get3A_291 = tpu.vector_load %arg9[%get3A_289, %get3A_290] {strides = array<i32>} : memref<104x512xf32, #tpu.memory_space<vmem>>, vector<1x16xf32>,
        %get3A_292 = vector.shape_cast %get3A_291 : vector<1x16xf32> to vector<16xf32>
        %get3A_293 = arith.constant 20 : i32
        %get3A_294 = arith.index_cast %get3A_293 : i32 to index
        %get3A_295 = arith.index_cast %mul3A_273 : i32 to index
        %get3A_296 = tpu.vector_load %arg9[%get3A_294, %get3A_295] {strides = array<i32>} : memref<104x512xf32, #tpu.memory_space<vmem>>, vector<1x16xf32>,
        %get3A_297 = vector.shape_cast %get3A_296 : vector<1x16xf32> to vector<16xf32>
        %get3A_298 = arith.constant 1 : i32
        %get3A_299 = arith.index_cast %get3A_298 : i32 to index
        %get3A_300 = arith.index_cast %mul3A_273 : i32 to index
        %get3A_301 = tpu.vector_load %arg9[%get3A_299, %get3A_300] {strides = array<i32>} : memref<104x512xf32, #tpu.memory_space<vmem>>, vector<1x16xf32>,
        %get3A_302 = vector.shape_cast %get3A_301 : vector<1x16xf32> to vector<16xf32>
        %add3A_303 = arith.addf %get3A_277, %get3A_302 : vector<16xf32>
        %get3A_304 = arith.constant 6 : i32
        %get3A_305 = arith.index_cast %get3A_304 : i32 to index
        %get3A_306 = arith.index_cast %mul3A_273 : i32 to index
        %get3A_307 = tpu.vector_load %arg9[%get3A_305, %get3A_306] {strides = array<i32>} : memref<104x512xf32, #tpu.memory_space<vmem>>, vector<1x16xf32>,
        %get3A_308 = vector.shape_cast %get3A_307 : vector<1x16xf32> to vector<16xf32>
        %add3A_309 = arith.addf %get3A_282, %get3A_308 : vector<16xf32>
        %get3A_310 = arith.constant 11 : i32
        %get3A_311 = arith.index_cast %get3A_310 : i32 to index
        %get3A_312 = arith.index_cast %mul3A_273 : i32 to index
        %get3A_313 = tpu.vector_load %arg9[%get3A_311, %get3A_312] {strides = array<i32>} : memref<104x512xf32, #tpu.memory_space<vmem>>, vector<1x16xf32>,
        %get3A_314 = vector.shape_cast %get3A_313 : vector<1x16xf32> to vector<16xf32>
        %add3A_315 = arith.addf %get3A_287, %get3A_314 : vector<16xf32>
        %get3A_316 = arith.constant 16 : i32
        %get3A_317 = arith.index_cast %get3A_316 : i32 to index
        %get3A_318 = arith.index_cast %mul3A_273 : i32 to index
        %get3A_319 = tpu.vector_load %arg9[%get3A_317, %get3A_318] {strides = array<i32>} : memref<104x512xf32, #tpu.memory_space<vmem>>, vector<1x16xf32>,
        %get3A_320 = vector.shape_cast %get3A_319 : vector<1x16xf32> to vector<16xf32>
        %add3A_321 = arith.addf %get3A_292, %get3A_320 : vector<16xf32>
        %get3A_322 = arith.constant 21 : i32
        %get3A_323 = arith.index_cast %get3A_322 : i32 to index
        %get3A_324 = arith.index_cast %mul3A_273 : i32 to index
        %get3A_325 = tpu.vector_load %arg9[%get3A_323, %get3A_324] {strides = array<i32>} : memref<104x512xf32, #tpu.memory_space<vmem>>, vector<1x16xf32>,
        %get3A_326 = vector.shape_cast %get3A_325 : vector<1x16xf32> to vector<16xf32>
        %add3A_327 = arith.addf %get3A_297, %get3A_326 : vector<16xf32>
        %get3A_328 = arith.constant 2 : i32
        %get3A_329 = arith.index_cast %get3A_328 : i32 to index
        %get3A_330 = arith.index_cast %mul3A_273 : i32 to index
        %get3A_331 = tpu.vector_load %arg9[%get3A_329, %get3A_330] {strides = array<i32>} : memref<104x512xf32, #tpu.memory_space<vmem>>, vector<1x16xf32>,
        %get3A_332 = vector.shape_cast %get3A_331 : vector<1x16xf32> to vector<16xf32>
        %add3A_333 = arith.addf %add3A_303, %get3A_332 : vector<16xf32>
        %get3A_334 = arith.constant 7 : i32
        %get3A_335 = arith.index_cast %get3A_334 : i32 to index
        %get3A_336 = arith.index_cast %mul3A_273 : i32 to index
        %get3A_337 = tpu.vector_load %arg9[%get3A_335, %get3A_336] {strides = array<i32>} : memref<104x512xf32, #tpu.memory_space<vmem>>, vector<1x16xf32>,
        %get3A_338 = vector.shape_cast %get3A_337 : vector<1x16xf32> to vector<16xf32>
        %add3A_339 = arith.addf %add3A_309, %get3A_338 : vector<16xf32>
        %get3A_340 = arith.constant 12 : i32
        %get3A_341 = arith.index_cast %get3A_340 : i32 to index
        %get3A_342 = arith.index_cast %mul3A_273 : i32 to index
        %get3A_343 = tpu.vector_load %arg9[%get3A_341, %get3A_342] {strides = array<i32>} : memref<104x512xf32, #tpu.memory_space<vmem>>, vector<1x16xf32>,
        %get3A_344 = vector.shape_cast %get3A_343 : vector<1x16xf32> to vector<16xf32>
        %add3A_345 = arith.addf %add3A_315, %get3A_344 : vector<16xf32>
        %get3A_346 = arith.constant 17 : i32
        %get3A_347 = arith.index_cast %get3A_346 : i32 to index
        %get3A_348 = arith.index_cast %mul3A_273 : i32 to index
        %get3A_349 = tpu.vector_load %arg9[%get3A_347, %get3A_348] {strides = array<i32>} : memref<104x512xf32, #tpu.memory_space<vmem>>, vector<1x16xf32>,
        %get3A_350 = vector.shape_cast %get3A_349 : vector<1x16xf32> to vector<16xf32>
        %add3A_351 = arith.addf %add3A_321, %get3A_350 : vector<16xf32>
        %get3A_352 = arith.constant 22 : i32
        %get3A_353 = arith.index_cast %get3A_352 : i32 to index
        %get3A_354 = arith.index_cast %mul3A_273 : i32 to index
        %get3A_355 = tpu.vector_load %arg9[%get3A_353, %get3A_354] {strides = array<i32>} : memref<104x512xf32, #tpu.memory_space<vmem>>, vector<1x16xf32>,
        %get3A_356 = vector.shape_cast %get3A_355 : vector<1x16xf32> to vector<16xf32>
        %add3A_357 = arith.addf %add3A_327, %get3A_356 : vector<16xf32>
        %get3A_358 = arith.constant 3 : i32
        %get3A_359 = arith.index_cast %get3A_358 : i32 to index
        %get3A_360 = arith.index_cast %mul3A_273 : i32 to index
        %get3A_361 = tpu.vector_load %arg9[%get3A_359, %get3A_360] {strides = array<i32>} : memref<104x512xf32, #tpu.memory_space<vmem>>, vector<1x16xf32>,
        %get3A_362 = vector.shape_cast %get3A_361 : vector<1x16xf32> to vector<16xf32>
        %add3A_363 = arith.addf %add3A_333, %get3A_362 : vector<16xf32>
        %get3A_364 = arith.constant 8 : i32
        %get3A_365 = arith.index_cast %get3A_364 : i32 to index
        %get3A_366 = arith.index_cast %mul3A_273 : i32 to index
        %get3A_367 = tpu.vector_load %arg9[%get3A_365, %get3A_366] {strides = array<i32>} : memref<104x512xf32, #tpu.memory_space<vmem>>, vector<1x16xf32>,
        %get3A_368 = vector.shape_cast %get3A_367 : vector<1x16xf32> to vector<16xf32>
        %add3A_369 = arith.addf %add3A_339, %get3A_368 : vector<16xf32>
        %get3A_370 = arith.constant 13 : i32
        %get3A_371 = arith.index_cast %get3A_370 : i32 to index
        %get3A_372 = arith.index_cast %mul3A_273 : i32 to index
        %get3A_373 = tpu.vector_load %arg9[%get3A_371, %get3A_372] {strides = array<i32>} : memref<104x512xf32, #tpu.memory_space<vmem>>, vector<1x16xf32>,
        %get3A_374 = vector.shape_cast %get3A_373 : vector<1x16xf32> to vector<16xf32>
        %add3A_375 = arith.addf %add3A_345, %get3A_374 : vector<16xf32>
        %get3A_376 = arith.constant 18 : i32
        %get3A_377 = arith.index_cast %get3A_376 : i32 to index
        %get3A_378 = arith.index_cast %mul3A_273 : i32 to index
        %get3A_379 = tpu.vector_load %arg9[%get3A_377, %get3A_378] {strides = array<i32>} : memref<104x512xf32, #tpu.memory_space<vmem>>, vector<1x16xf32>,
        %get3A_380 = vector.shape_cast %get3A_379 : vector<1x16xf32> to vector<16xf32>
        %add3A_381 = arith.addf %add3A_351, %get3A_380 : vector<16xf32>
        %get3A_382 = arith.constant 23 : i32
        %get3A_383 = arith.index_cast %get3A_382 : i32 to index
        %get3A_384 = arith.index_cast %mul3A_273 : i32 to index
        %get3A_385 = tpu.vector_load %arg9[%get3A_383, %get3A_384] {strides = array<i32>} : memref<104x512xf32, #tpu.memory_space<vmem>>, vector<1x16xf32>,
        %get3A_386 = vector.shape_cast %get3A_385 : vector<1x16xf32> to vector<16xf32>
        %add3A_387 = arith.addf %add3A_357, %get3A_386 : vector<16xf32>
        %get3A_388 = arith.constant 4 : i32
        %get3A_389 = arith.index_cast %get3A_388 : i32 to index
        %get3A_390 = arith.index_cast %mul3A_273 : i32 to index
        %get3A_391 = tpu.vector_load %arg9[%get3A_389, %get3A_390] {strides = array<i32>} : memref<104x512xf32, #tpu.memory_space<vmem>>, vector<1x16xf32>,
        %get3A_392 = vector.shape_cast %get3A_391 : vector<1x16xf32> to vector<16xf32>
        %add3A_393 = arith.addf %add3A_363, %get3A_392 : vector<16xf32>
        %get3A_394 = arith.constant 9 : i32
        %get3A_395 = arith.index_cast %get3A_394 : i32 to index
        %get3A_396 = arith.index_cast %mul3A_273 : i32 to index
        %get3A_397 = tpu.vector_load %arg9[%get3A_395, %get3A_396] {strides = array<i32>} : memref<104x512xf32, #tpu.memory_space<vmem>>, vector<1x16xf32>,
        %get3A_398 = vector.shape_cast %get3A_397 : vector<1x16xf32> to vector<16xf32>
        %add3A_399 = arith.addf %add3A_369, %get3A_398 : vector<16xf32>
        %get3A_400 = arith.constant 14 : i32
        %get3A_401 = arith.index_cast %get3A_400 : i32 to index
        %get3A_402 = arith.index_cast %mul3A_273 : i32 to index
        %get3A_403 = tpu.vector_load %arg9[%get3A_401, %get3A_402] {strides = array<i32>} : memref<104x512xf32, #tpu.memory_space<vmem>>, vector<1x16xf32>,
        %get3A_404 = vector.shape_cast %get3A_403 : vector<1x16xf32> to vector<16xf32>
        %add3A_405 = arith.addf %add3A_375, %get3A_404 : vector<16xf32>
        %get3A_406 = arith.constant 19 : i32
        %get3A_407 = arith.index_cast %get3A_406 : i32 to index
        %get3A_408 = arith.index_cast %mul3A_273 : i32 to index
        %get3A_409 = tpu.vector_load %arg9[%get3A_407, %get3A_408] {strides = array<i32>} : memref<104x512xf32, #tpu.memory_space<vmem>>, vector<1x16xf32>,
        %get3A_410 = vector.shape_cast %get3A_409 : vector<1x16xf32> to vector<16xf32>
        %add3A_411 = arith.addf %add3A_381, %get3A_410 : vector<16xf32>
        %get3A_412 = arith.constant 24 : i32
        %get3A_413 = arith.index_cast %get3A_412 : i32 to index
        %get3A_414 = arith.index_cast %mul3A_273 : i32 to index
        %get3A_415 = tpu.vector_load %arg9[%get3A_413, %get3A_414] {strides = array<i32>} : memref<104x512xf32, #tpu.memory_space<vmem>>, vector<1x16xf32>,
        %get3A_416 = vector.shape_cast %get3A_415 : vector<1x16xf32> to vector<16xf32>
        %add3A_417 = arith.addf %add3A_387, %get3A_416 : vector<16xf32>
        %add3A_418 = arith.addf %add3A_393, %add3A_399 : vector<16xf32>
        %add3A_419 = arith.addf %add3A_405, %add3A_411 : vector<16xf32>
        %add3A_420 = arith.addf %add3A_418, %add3A_419 : vector<16xf32>
        %add3A_421 = arith.addf %add3A_420, %add3A_417 : vector<16xf32>
        %swap3A = arith.constant 0 : i32
        %swap3A_422 = arith.index_cast %swap3A : i32 to index
        %swap3A_423 = arith.index_cast %mul3A_273 : i32 to index
        %swap3A_424 = tpu.vector_load %arg11[%swap3A_422, %swap3A_423] {strides = array<i32>} : memref<8x512xf32, #tpu.memory_space<vmem>>, vector<1x16xf32>,
        %swap3A_425 = vector.shape_cast %swap3A_424 : vector<1x16xf32> to vector<16xf32>
        %swap3A_426 = vector.shape_cast %add3A_421 : vector<16xf32> to vector<1x16xf32>
        tpu.vector_store %arg11[%swap3A_422, %swap3A_423], %swap3A_426 {strides = array<i32>} : memref<8x512xf32, #tpu.memory_space<vmem>>, vector<1x16xf32>,
        %scan3A_427 = arith.constant 0 : i32
        scf.yield %scan3A_427 : i32
      }
      %scan3A_193 = arith.constant 32 : i32
      %scan3A_194 = arith.constant 0 : i32
      %scan3A_195 = arith.constant 0 : i32
      %scan3A_196 = arith.constant 32 : i32
      %scan3A_197 = arith.addi %scan3A_195, %scan3A_196 : i32
      %scan3A_198 = arith.constant 1 : i32
      %scan3A_199 = scf.for %scan3A_270 = %scan3A_195 to %scan3A_197 step %scan3A_198 iter_args(%scan3A_271 = %scan3A_194) -> (i32)  : i32 {
        %mul3A_272 = arith.constant 16 : i32
        %mul3A_273 = arith.muli %scan3A_270, %mul3A_272 : i32
        %get3A = arith.constant 25 : i32
        %get3A_274 = arith.index_cast %get3A : i32 to index
        %get3A_275 = arith.index_cast %mul3A_273 : i32 to index
        %get3A_276 = tpu.vector_load %arg9[%get3A_274, %get3A_275] {strides = array<i32>} : memref<104x512xf32, #tpu.memory_space<vmem>>, vector<1x16xf32>,
        %get3A_277 = vector.shape_cast %get3A_276 : vector<1x16xf32> to vector<16xf32>
        %get3A_278 = arith.constant 30 : i32
        %get3A_279 = arith.index_cast %get3A_278 : i32 to index
        %get3A_280 = arith.index_cast %mul3A_273 : i32 to index
        %get3A_281 = tpu.vector_load %arg9[%get3A_279, %get3A_280] {strides = array<i32>} : memref<104x512xf32, #tpu.memory_space<vmem>>, vector<1x16xf32>,
        %get3A_282 = vector.shape_cast %get3A_281 : vector<1x16xf32> to vector<16xf32>
        %get3A_283 = arith.constant 35 : i32
        %get3A_284 = arith.index_cast %get3A_283 : i32 to index
        %get3A_285 = arith.index_cast %mul3A_273 : i32 to index
        %get3A_286 = tpu.vector_load %arg9[%get3A_284, %get3A_285] {strides = array<i32>} : memref<104x512xf32, #tpu.memory_space<vmem>>, vector<1x16xf32>,
        %get3A_287 = vector.shape_cast %get3A_286 : vector<1x16xf32> to vector<16xf32>
        %get3A_288 = arith.constant 40 : i32
        %get3A_289 = arith.index_cast %get3A_288 : i32 to index
        %get3A_290 = arith.index_cast %mul3A_273 : i32 to index
        %get3A_291 = tpu.vector_load %arg9[%get3A_289, %get3A_290] {strides = array<i32>} : memref<104x512xf32, #tpu.memory_space<vmem>>, vector<1x16xf32>,
        %get3A_292 = vector.shape_cast %get3A_291 : vector<1x16xf32> to vector<16xf32>
        %get3A_293 = arith.constant 45 : i32
        %get3A_294 = arith.index_cast %get3A_293 : i32 to index
        %get3A_295 = arith.index_cast %mul3A_273 : i32 to index
        %get3A_296 = tpu.vector_load %arg9[%get3A_294, %get3A_295] {strides = array<i32>} : memref<104x512xf32, #tpu.memory_space<vmem>>, vector<1x16xf32>,
        %get3A_297 = vector.shape_cast %get3A_296 : vector<1x16xf32> to vector<16xf32>
        %get3A_298 = arith.constant 26 : i32
        %get3A_299 = arith.index_cast %get3A_298 : i32 to index
        %get3A_300 = arith.index_cast %mul3A_273 : i32 to index
        %get3A_301 = tpu.vector_load %arg9[%get3A_299, %get3A_300] {strides = array<i32>} : memref<104x512xf32, #tpu.memory_space<vmem>>, vector<1x16xf32>,
        %get3A_302 = vector.shape_cast %get3A_301 : vector<1x16xf32> to vector<16xf32>
        %add3A_303 = arith.addf %get3A_277, %get3A_302 : vector<16xf32>
        %get3A_304 = arith.constant 31 : i32
        %get3A_305 = arith.index_cast %get3A_304 : i32 to index
        %get3A_306 = arith.index_cast %mul3A_273 : i32 to index
        %get3A_307 = tpu.vector_load %arg9[%get3A_305, %get3A_306] {strides = array<i32>} : memref<104x512xf32, #tpu.memory_space<vmem>>, vector<1x16xf32>,
        %get3A_308 = vector.shape_cast %get3A_307 : vector<1x16xf32> to vector<16xf32>
        %add3A_309 = arith.addf %get3A_282, %get3A_308 : vector<16xf32>
        %get3A_310 = arith.constant 36 : i32
        %get3A_311 = arith.index_cast %get3A_310 : i32 to index
        %get3A_312 = arith.index_cast %mul3A_273 : i32 to index
        %get3A_313 = tpu.vector_load %arg9[%get3A_311, %get3A_312] {strides = array<i32>} : memref<104x512xf32, #tpu.memory_space<vmem>>, vector<1x16xf32>,
        %get3A_314 = vector.shape_cast %get3A_313 : vector<1x16xf32> to vector<16xf32>
        %add3A_315 = arith.addf %get3A_287, %get3A_314 : vector<16xf32>
        %get3A_316 = arith.constant 41 : i32
        %get3A_317 = arith.index_cast %get3A_316 : i32 to index
        %get3A_318 = arith.index_cast %mul3A_273 : i32 to index
        %get3A_319 = tpu.vector_load %arg9[%get3A_317, %get3A_318] {strides = array<i32>} : memref<104x512xf32, #tpu.memory_space<vmem>>, vector<1x16xf32>,
        %get3A_320 = vector.shape_cast %get3A_319 : vector<1x16xf32> to vector<16xf32>
        %add3A_321 = arith.addf %get3A_292, %get3A_320 : vector<16xf32>
        %get3A_322 = arith.constant 46 : i32
        %get3A_323 = arith.index_cast %get3A_322 : i32 to index
        %get3A_324 = arith.index_cast %mul3A_273 : i32 to index
        %get3A_325 = tpu.vector_load %arg9[%get3A_323, %get3A_324] {strides = array<i32>} : memref<104x512xf32, #tpu.memory_space<vmem>>, vector<1x16xf32>,
        %get3A_326 = vector.shape_cast %get3A_325 : vector<1x16xf32> to vector<16xf32>
        %add3A_327 = arith.addf %get3A_297, %get3A_326 : vector<16xf32>
        %get3A_328 = arith.constant 27 : i32
        %get3A_329 = arith.index_cast %get3A_328 : i32 to index
        %get3A_330 = arith.index_cast %mul3A_273 : i32 to index
        %get3A_331 = tpu.vector_load %arg9[%get3A_329, %get3A_330] {strides = array<i32>} : memref<104x512xf32, #tpu.memory_space<vmem>>, vector<1x16xf32>,
        %get3A_332 = vector.shape_cast %get3A_331 : vector<1x16xf32> to vector<16xf32>
        %add3A_333 = arith.addf %add3A_303, %get3A_332 : vector<16xf32>
        %get3A_334 = arith.constant 32 : i32
        %get3A_335 = arith.index_cast %get3A_334 : i32 to index
        %get3A_336 = arith.index_cast %mul3A_273 : i32 to index
        %get3A_337 = tpu.vector_load %arg9[%get3A_335, %get3A_336] {strides = array<i32>} : memref<104x512xf32, #tpu.memory_space<vmem>>, vector<1x16xf32>,
        %get3A_338 = vector.shape_cast %get3A_337 : vector<1x16xf32> to vector<16xf32>
        %add3A_339 = arith.addf %add3A_309, %get3A_338 : vector<16xf32>
        %get3A_340 = arith.constant 37 : i32
        %get3A_341 = arith.index_cast %get3A_340 : i32 to index
        %get3A_342 = arith.index_cast %mul3A_273 : i32 to index
        %get3A_343 = tpu.vector_load %arg9[%get3A_341, %get3A_342] {strides = array<i32>} : memref<104x512xf32, #tpu.memory_space<vmem>>, vector<1x16xf32>,
        %get3A_344 = vector.shape_cast %get3A_343 : vector<1x16xf32> to vector<16xf32>
        %add3A_345 = arith.addf %add3A_315, %get3A_344 : vector<16xf32>
        %get3A_346 = arith.constant 42 : i32
        %get3A_347 = arith.index_cast %get3A_346 : i32 to index
        %get3A_348 = arith.index_cast %mul3A_273 : i32 to index
        %get3A_349 = tpu.vector_load %arg9[%get3A_347, %get3A_348] {strides = array<i32>} : memref<104x512xf32, #tpu.memory_space<vmem>>, vector<1x16xf32>,
        %get3A_350 = vector.shape_cast %get3A_349 : vector<1x16xf32> to vector<16xf32>
        %add3A_351 = arith.addf %add3A_321, %get3A_350 : vector<16xf32>
        %get3A_352 = arith.constant 47 : i32
        %get3A_353 = arith.index_cast %get3A_352 : i32 to index
        %get3A_354 = arith.index_cast %mul3A_273 : i32 to index
        %get3A_355 = tpu.vector_load %arg9[%get3A_353, %get3A_354] {strides = array<i32>} : memref<104x512xf32, #tpu.memory_space<vmem>>, vector<1x16xf32>,
        %get3A_356 = vector.shape_cast %get3A_355 : vector<1x16xf32> to vector<16xf32>
        %add3A_357 = arith.addf %add3A_327, %get3A_356 : vector<16xf32>
        %get3A_358 = arith.constant 28 : i32
        %get3A_359 = arith.index_cast %get3A_358 : i32 to index
        %get3A_360 = arith.index_cast %mul3A_273 : i32 to index
        %get3A_361 = tpu.vector_load %arg9[%get3A_359, %get3A_360] {strides = array<i32>} : memref<104x512xf32, #tpu.memory_space<vmem>>, vector<1x16xf32>,
        %get3A_362 = vector.shape_cast %get3A_361 : vector<1x16xf32> to vector<16xf32>
        %add3A_363 = arith.addf %add3A_333, %get3A_362 : vector<16xf32>
        %get3A_364 = arith.constant 33 : i32
        %get3A_365 = arith.index_cast %get3A_364 : i32 to index
        %get3A_366 = arith.index_cast %mul3A_273 : i32 to index
        %get3A_367 = tpu.vector_load %arg9[%get3A_365, %get3A_366] {strides = array<i32>} : memref<104x512xf32, #tpu.memory_space<vmem>>, vector<1x16xf32>,
        %get3A_368 = vector.shape_cast %get3A_367 : vector<1x16xf32> to vector<16xf32>
        %add3A_369 = arith.addf %add3A_339, %get3A_368 : vector<16xf32>
        %get3A_370 = arith.constant 38 : i32
        %get3A_371 = arith.index_cast %get3A_370 : i32 to index
        %get3A_372 = arith.index_cast %mul3A_273 : i32 to index
        %get3A_373 = tpu.vector_load %arg9[%get3A_371, %get3A_372] {strides = array<i32>} : memref<104x512xf32, #tpu.memory_space<vmem>>, vector<1x16xf32>,
        %get3A_374 = vector.shape_cast %get3A_373 : vector<1x16xf32> to vector<16xf32>
        %add3A_375 = arith.addf %add3A_345, %get3A_374 : vector<16xf32>
        %get3A_376 = arith.constant 43 : i32
        %get3A_377 = arith.index_cast %get3A_376 : i32 to index
        %get3A_378 = arith.index_cast %mul3A_273 : i32 to index
        %get3A_379 = tpu.vector_load %arg9[%get3A_377, %get3A_378] {strides = array<i32>} : memref<104x512xf32, #tpu.memory_space<vmem>>, vector<1x16xf32>,
        %get3A_380 = vector.shape_cast %get3A_379 : vector<1x16xf32> to vector<16xf32>
        %add3A_381 = arith.addf %add3A_351, %get3A_380 : vector<16xf32>
        %get3A_382 = arith.constant 48 : i32
        %get3A_383 = arith.index_cast %get3A_382 : i32 to index
        %get3A_384 = arith.index_cast %mul3A_273 : i32 to index
        %get3A_385 = tpu.vector_load %arg9[%get3A_383, %get3A_384] {strides = array<i32>} : memref<104x512xf32, #tpu.memory_space<vmem>>, vector<1x16xf32>,
        %get3A_386 = vector.shape_cast %get3A_385 : vector<1x16xf32> to vector<16xf32>
        %add3A_387 = arith.addf %add3A_357, %get3A_386 : vector<16xf32>
        %get3A_388 = arith.constant 29 : i32
        %get3A_389 = arith.index_cast %get3A_388 : i32 to index
        %get3A_390 = arith.index_cast %mul3A_273 : i32 to index
        %get3A_391 = tpu.vector_load %arg9[%get3A_389, %get3A_390] {strides = array<i32>} : memref<104x512xf32, #tpu.memory_space<vmem>>, vector<1x16xf32>,
        %get3A_392 = vector.shape_cast %get3A_391 : vector<1x16xf32> to vector<16xf32>
        %add3A_393 = arith.addf %add3A_363, %get3A_392 : vector<16xf32>
        %get3A_394 = arith.constant 34 : i32
        %get3A_395 = arith.index_cast %get3A_394 : i32 to index
        %get3A_396 = arith.index_cast %mul3A_273 : i32 to index
        %get3A_397 = tpu.vector_load %arg9[%get3A_395, %get3A_396] {strides = array<i32>} : memref<104x512xf32, #tpu.memory_space<vmem>>, vector<1x16xf32>,
        %get3A_398 = vector.shape_cast %get3A_397 : vector<1x16xf32> to vector<16xf32>
        %add3A_399 = arith.addf %add3A_369, %get3A_398 : vector<16xf32>
        %get3A_400 = arith.constant 39 : i32
        %get3A_401 = arith.index_cast %get3A_400 : i32 to index
        %get3A_402 = arith.index_cast %mul3A_273 : i32 to index
        %get3A_403 = tpu.vector_load %arg9[%get3A_401, %get3A_402] {strides = array<i32>} : memref<104x512xf32, #tpu.memory_space<vmem>>, vector<1x16xf32>,
        %get3A_404 = vector.shape_cast %get3A_403 : vector<1x16xf32> to vector<16xf32>
        %add3A_405 = arith.addf %add3A_375, %get3A_404 : vector<16xf32>
        %get3A_406 = arith.constant 44 : i32
        %get3A_407 = arith.index_cast %get3A_406 : i32 to index
        %get3A_408 = arith.index_cast %mul3A_273 : i32 to index
        %get3A_409 = tpu.vector_load %arg9[%get3A_407, %get3A_408] {strides = array<i32>} : memref<104x512xf32, #tpu.memory_space<vmem>>, vector<1x16xf32>,
        %get3A_410 = vector.shape_cast %get3A_409 : vector<1x16xf32> to vector<16xf32>
        %add3A_411 = arith.addf %add3A_381, %get3A_410 : vector<16xf32>
        %get3A_412 = arith.constant 49 : i32
        %get3A_413 = arith.index_cast %get3A_412 : i32 to index
        %get3A_414 = arith.index_cast %mul3A_273 : i32 to index
        %get3A_415 = tpu.vector_load %arg9[%get3A_413, %get3A_414] {strides = array<i32>} : memref<104x512xf32, #tpu.memory_space<vmem>>, vector<1x16xf32>,
        %get3A_416 = vector.shape_cast %get3A_415 : vector<1x16xf32> to vector<16xf32>
        %add3A_417 = arith.addf %add3A_387, %get3A_416 : vector<16xf32>
        %add3A_418 = arith.addf %add3A_393, %add3A_399 : vector<16xf32>
        %add3A_419 = arith.addf %add3A_405, %add3A_411 : vector<16xf32>
        %add3A_420 = arith.addf %add3A_418, %add3A_419 : vector<16xf32>
        %add3A_421 = arith.addf %add3A_420, %add3A_417 : vector<16xf32>
        %swap3A = arith.constant 1 : i32
        %swap3A_422 = arith.index_cast %swap3A : i32 to index
        %swap3A_423 = arith.index_cast %mul3A_273 : i32 to index
        %swap3A_424 = tpu.vector_load %arg11[%swap3A_422, %swap3A_423] {strides = array<i32>} : memref<8x512xf32, #tpu.memory_space<vmem>>, vector<1x16xf32>,
        %swap3A_425 = vector.shape_cast %swap3A_424 : vector<1x16xf32> to vector<16xf32>
        %swap3A_426 = vector.shape_cast %add3A_421 : vector<16xf32> to vector<1x16xf32>
        tpu.vector_store %arg11[%swap3A_422, %swap3A_423], %swap3A_426 {strides = array<i32>} : memref<8x512xf32, #tpu.memory_space<vmem>>, vector<1x16xf32>,
        %scan3A_427 = arith.constant 0 : i32
        scf.yield %scan3A_427 : i32
      }
      %scan3A_200 = arith.constant 32 : i32
      %scan3A_201 = arith.constant 0 : i32
      %scan3A_202 = arith.constant 0 : i32
      %scan3A_203 = arith.constant 32 : i32
      %scan3A_204 = arith.addi %scan3A_202, %scan3A_203 : i32
      %scan3A_205 = arith.constant 1 : i32
      %scan3A_206 = scf.for %scan3A_270 = %scan3A_202 to %scan3A_204 step %scan3A_205 iter_args(%scan3A_271 = %scan3A_201) -> (i32)  : i32 {
        %mul3A_272 = arith.constant 16 : i32
        %mul3A_273 = arith.muli %scan3A_270, %mul3A_272 : i32
        %get3A = arith.constant 50 : i32
        %get3A_274 = arith.index_cast %get3A : i32 to index
        %get3A_275 = arith.index_cast %mul3A_273 : i32 to index
        %get3A_276 = tpu.vector_load %arg9[%get3A_274, %get3A_275] {strides = array<i32>} : memref<104x512xf32, #tpu.memory_space<vmem>>, vector<1x16xf32>,
        %get3A_277 = vector.shape_cast %get3A_276 : vector<1x16xf32> to vector<16xf32>
        %get3A_278 = arith.constant 55 : i32
        %get3A_279 = arith.index_cast %get3A_278 : i32 to index
        %get3A_280 = arith.index_cast %mul3A_273 : i32 to index
        %get3A_281 = tpu.vector_load %arg9[%get3A_279, %get3A_280] {strides = array<i32>} : memref<104x512xf32, #tpu.memory_space<vmem>>, vector<1x16xf32>,
        %get3A_282 = vector.shape_cast %get3A_281 : vector<1x16xf32> to vector<16xf32>
        %get3A_283 = arith.constant 60 : i32
        %get3A_284 = arith.index_cast %get3A_283 : i32 to index
        %get3A_285 = arith.index_cast %mul3A_273 : i32 to index
        %get3A_286 = tpu.vector_load %arg9[%get3A_284, %get3A_285] {strides = array<i32>} : memref<104x512xf32, #tpu.memory_space<vmem>>, vector<1x16xf32>,
        %get3A_287 = vector.shape_cast %get3A_286 : vector<1x16xf32> to vector<16xf32>
        %get3A_288 = arith.constant 65 : i32
        %get3A_289 = arith.index_cast %get3A_288 : i32 to index
        %get3A_290 = arith.index_cast %mul3A_273 : i32 to index
        %get3A_291 = tpu.vector_load %arg9[%get3A_289, %get3A_290] {strides = array<i32>} : memref<104x512xf32, #tpu.memory_space<vmem>>, vector<1x16xf32>,
        %get3A_292 = vector.shape_cast %get3A_291 : vector<1x16xf32> to vector<16xf32>
        %get3A_293 = arith.constant 70 : i32
        %get3A_294 = arith.index_cast %get3A_293 : i32 to index
        %get3A_295 = arith.index_cast %mul3A_273 : i32 to index
        %get3A_296 = tpu.vector_load %arg9[%get3A_294, %get3A_295] {strides = array<i32>} : memref<104x512xf32, #tpu.memory_space<vmem>>, vector<1x16xf32>,
        %get3A_297 = vector.shape_cast %get3A_296 : vector<1x16xf32> to vector<16xf32>
        %get3A_298 = arith.constant 51 : i32
        %get3A_299 = arith.index_cast %get3A_298 : i32 to index
        %get3A_300 = arith.index_cast %mul3A_273 : i32 to index
        %get3A_301 = tpu.vector_load %arg9[%get3A_299, %get3A_300] {strides = array<i32>} : memref<104x512xf32, #tpu.memory_space<vmem>>, vector<1x16xf32>,
        %get3A_302 = vector.shape_cast %get3A_301 : vector<1x16xf32> to vector<16xf32>
        %add3A_303 = arith.addf %get3A_277, %get3A_302 : vector<16xf32>
        %get3A_304 = arith.constant 56 : i32
        %get3A_305 = arith.index_cast %get3A_304 : i32 to index
        %get3A_306 = arith.index_cast %mul3A_273 : i32 to index
        %get3A_307 = tpu.vector_load %arg9[%get3A_305, %get3A_306] {strides = array<i32>} : memref<104x512xf32, #tpu.memory_space<vmem>>, vector<1x16xf32>,
        %get3A_308 = vector.shape_cast %get3A_307 : vector<1x16xf32> to vector<16xf32>
        %add3A_309 = arith.addf %get3A_282, %get3A_308 : vector<16xf32>
        %get3A_310 = arith.constant 61 : i32
        %get3A_311 = arith.index_cast %get3A_310 : i32 to index
        %get3A_312 = arith.index_cast %mul3A_273 : i32 to index
        %get3A_313 = tpu.vector_load %arg9[%get3A_311, %get3A_312] {strides = array<i32>} : memref<104x512xf32, #tpu.memory_space<vmem>>, vector<1x16xf32>,
        %get3A_314 = vector.shape_cast %get3A_313 : vector<1x16xf32> to vector<16xf32>
        %add3A_315 = arith.addf %get3A_287, %get3A_314 : vector<16xf32>
        %get3A_316 = arith.constant 66 : i32
        %get3A_317 = arith.index_cast %get3A_316 : i32 to index
        %get3A_318 = arith.index_cast %mul3A_273 : i32 to index
        %get3A_319 = tpu.vector_load %arg9[%get3A_317, %get3A_318] {strides = array<i32>} : memref<104x512xf32, #tpu.memory_space<vmem>>, vector<1x16xf32>,
        %get3A_320 = vector.shape_cast %get3A_319 : vector<1x16xf32> to vector<16xf32>
        %add3A_321 = arith.addf %get3A_292, %get3A_320 : vector<16xf32>
        %get3A_322 = arith.constant 71 : i32
        %get3A_323 = arith.index_cast %get3A_322 : i32 to index
        %get3A_324 = arith.index_cast %mul3A_273 : i32 to index
        %get3A_325 = tpu.vector_load %arg9[%get3A_323, %get3A_324] {strides = array<i32>} : memref<104x512xf32, #tpu.memory_space<vmem>>, vector<1x16xf32>,
        %get3A_326 = vector.shape_cast %get3A_325 : vector<1x16xf32> to vector<16xf32>
        %add3A_327 = arith.addf %get3A_297, %get3A_326 : vector<16xf32>
        %get3A_328 = arith.constant 52 : i32
        %get3A_329 = arith.index_cast %get3A_328 : i32 to index
        %get3A_330 = arith.index_cast %mul3A_273 : i32 to index
        %get3A_331 = tpu.vector_load %arg9[%get3A_329, %get3A_330] {strides = array<i32>} : memref<104x512xf32, #tpu.memory_space<vmem>>, vector<1x16xf32>,
        %get3A_332 = vector.shape_cast %get3A_331 : vector<1x16xf32> to vector<16xf32>
        %add3A_333 = arith.addf %add3A_303, %get3A_332 : vector<16xf32>
        %get3A_334 = arith.constant 57 : i32
        %get3A_335 = arith.index_cast %get3A_334 : i32 to index
        %get3A_336 = arith.index_cast %mul3A_273 : i32 to index
        %get3A_337 = tpu.vector_load %arg9[%get3A_335, %get3A_336] {strides = array<i32>} : memref<104x512xf32, #tpu.memory_space<vmem>>, vector<1x16xf32>,
        %get3A_338 = vector.shape_cast %get3A_337 : vector<1x16xf32> to vector<16xf32>
        %add3A_339 = arith.addf %add3A_309, %get3A_338 : vector<16xf32>
        %get3A_340 = arith.constant 62 : i32
        %get3A_341 = arith.index_cast %get3A_340 : i32 to index
        %get3A_342 = arith.index_cast %mul3A_273 : i32 to index
        %get3A_343 = tpu.vector_load %arg9[%get3A_341, %get3A_342] {strides = array<i32>} : memref<104x512xf32, #tpu.memory_space<vmem>>, vector<1x16xf32>,
        %get3A_344 = vector.shape_cast %get3A_343 : vector<1x16xf32> to vector<16xf32>
        %add3A_345 = arith.addf %add3A_315, %get3A_344 : vector<16xf32>
        %get3A_346 = arith.constant 67 : i32
        %get3A_347 = arith.index_cast %get3A_346 : i32 to index
        %get3A_348 = arith.index_cast %mul3A_273 : i32 to index
        %get3A_349 = tpu.vector_load %arg9[%get3A_347, %get3A_348] {strides = array<i32>} : memref<104x512xf32, #tpu.memory_space<vmem>>, vector<1x16xf32>,
        %get3A_350 = vector.shape_cast %get3A_349 : vector<1x16xf32> to vector<16xf32>
        %add3A_351 = arith.addf %add3A_321, %get3A_350 : vector<16xf32>
        %get3A_352 = arith.constant 72 : i32
        %get3A_353 = arith.index_cast %get3A_352 : i32 to index
        %get3A_354 = arith.index_cast %mul3A_273 : i32 to index
        %get3A_355 = tpu.vector_load %arg9[%get3A_353, %get3A_354] {strides = array<i32>} : memref<104x512xf32, #tpu.memory_space<vmem>>, vector<1x16xf32>,
        %get3A_356 = vector.shape_cast %get3A_355 : vector<1x16xf32> to vector<16xf32>
        %add3A_357 = arith.addf %add3A_327, %get3A_356 : vector<16xf32>
        %get3A_358 = arith.constant 53 : i32
        %get3A_359 = arith.index_cast %get3A_358 : i32 to index
        %get3A_360 = arith.index_cast %mul3A_273 : i32 to index
        %get3A_361 = tpu.vector_load %arg9[%get3A_359, %get3A_360] {strides = array<i32>} : memref<104x512xf32, #tpu.memory_space<vmem>>, vector<1x16xf32>,
        %get3A_362 = vector.shape_cast %get3A_361 : vector<1x16xf32> to vector<16xf32>
        %add3A_363 = arith.addf %add3A_333, %get3A_362 : vector<16xf32>
        %get3A_364 = arith.constant 58 : i32
        %get3A_365 = arith.index_cast %get3A_364 : i32 to index
        %get3A_366 = arith.index_cast %mul3A_273 : i32 to index
        %get3A_367 = tpu.vector_load %arg9[%get3A_365, %get3A_366] {strides = array<i32>} : memref<104x512xf32, #tpu.memory_space<vmem>>, vector<1x16xf32>,
        %get3A_368 = vector.shape_cast %get3A_367 : vector<1x16xf32> to vector<16xf32>
        %add3A_369 = arith.addf %add3A_339, %get3A_368 : vector<16xf32>
        %get3A_370 = arith.constant 63 : i32
        %get3A_371 = arith.index_cast %get3A_370 : i32 to index
        %get3A_372 = arith.index_cast %mul3A_273 : i32 to index
        %get3A_373 = tpu.vector_load %arg9[%get3A_371, %get3A_372] {strides = array<i32>} : memref<104x512xf32, #tpu.memory_space<vmem>>, vector<1x16xf32>,
        %get3A_374 = vector.shape_cast %get3A_373 : vector<1x16xf32> to vector<16xf32>
        %add3A_375 = arith.addf %add3A_345, %get3A_374 : vector<16xf32>
        %get3A_376 = arith.constant 68 : i32
        %get3A_377 = arith.index_cast %get3A_376 : i32 to index
        %get3A_378 = arith.index_cast %mul3A_273 : i32 to index
        %get3A_379 = tpu.vector_load %arg9[%get3A_377, %get3A_378] {strides = array<i32>} : memref<104x512xf32, #tpu.memory_space<vmem>>, vector<1x16xf32>,
        %get3A_380 = vector.shape_cast %get3A_379 : vector<1x16xf32> to vector<16xf32>
        %add3A_381 = arith.addf %add3A_351, %get3A_380 : vector<16xf32>
        %get3A_382 = arith.constant 73 : i32
        %get3A_383 = arith.index_cast %get3A_382 : i32 to index
        %get3A_384 = arith.index_cast %mul3A_273 : i32 to index
        %get3A_385 = tpu.vector_load %arg9[%get3A_383, %get3A_384] {strides = array<i32>} : memref<104x512xf32, #tpu.memory_space<vmem>>, vector<1x16xf32>,
        %get3A_386 = vector.shape_cast %get3A_385 : vector<1x16xf32> to vector<16xf32>
        %add3A_387 = arith.addf %add3A_357, %get3A_386 : vector<16xf32>
        %get3A_388 = arith.constant 54 : i32
        %get3A_389 = arith.index_cast %get3A_388 : i32 to index
        %get3A_390 = arith.index_cast %mul3A_273 : i32 to index
        %get3A_391 = tpu.vector_load %arg9[%get3A_389, %get3A_390] {strides = array<i32>} : memref<104x512xf32, #tpu.memory_space<vmem>>, vector<1x16xf32>,
        %get3A_392 = vector.shape_cast %get3A_391 : vector<1x16xf32> to vector<16xf32>
        %add3A_393 = arith.addf %add3A_363, %get3A_392 : vector<16xf32>
        %get3A_394 = arith.constant 59 : i32
        %get3A_395 = arith.index_cast %get3A_394 : i32 to index
        %get3A_396 = arith.index_cast %mul3A_273 : i32 to index
        %get3A_397 = tpu.vector_load %arg9[%get3A_395, %get3A_396] {strides = array<i32>} : memref<104x512xf32, #tpu.memory_space<vmem>>, vector<1x16xf32>,
        %get3A_398 = vector.shape_cast %get3A_397 : vector<1x16xf32> to vector<16xf32>
        %add3A_399 = arith.addf %add3A_369, %get3A_398 : vector<16xf32>
        %get3A_400 = arith.constant 64 : i32
        %get3A_401 = arith.index_cast %get3A_400 : i32 to index
        %get3A_402 = arith.index_cast %mul3A_273 : i32 to index
        %get3A_403 = tpu.vector_load %arg9[%get3A_401, %get3A_402] {strides = array<i32>} : memref<104x512xf32, #tpu.memory_space<vmem>>, vector<1x16xf32>,
        %get3A_404 = vector.shape_cast %get3A_403 : vector<1x16xf32> to vector<16xf32>
        %add3A_405 = arith.addf %add3A_375, %get3A_404 : vector<16xf32>
        %get3A_406 = arith.constant 69 : i32
        %get3A_407 = arith.index_cast %get3A_406 : i32 to index
        %get3A_408 = arith.index_cast %mul3A_273 : i32 to index
        %get3A_409 = tpu.vector_load %arg9[%get3A_407, %get3A_408] {strides = array<i32>} : memref<104x512xf32, #tpu.memory_space<vmem>>, vector<1x16xf32>,
        %get3A_410 = vector.shape_cast %get3A_409 : vector<1x16xf32> to vector<16xf32>
        %add3A_411 = arith.addf %add3A_381, %get3A_410 : vector<16xf32>
        %get3A_412 = arith.constant 74 : i32
        %get3A_413 = arith.index_cast %get3A_412 : i32 to index
        %get3A_414 = arith.index_cast %mul3A_273 : i32 to index
        %get3A_415 = tpu.vector_load %arg9[%get3A_413, %get3A_414] {strides = array<i32>} : memref<104x512xf32, #tpu.memory_space<vmem>>, vector<1x16xf32>,
        %get3A_416 = vector.shape_cast %get3A_415 : vector<1x16xf32> to vector<16xf32>
        %add3A_417 = arith.addf %add3A_387, %get3A_416 : vector<16xf32>
        %add3A_418 = arith.addf %add3A_393, %add3A_399 : vector<16xf32>
        %add3A_419 = arith.addf %add3A_405, %add3A_411 : vector<16xf32>
        %add3A_420 = arith.addf %add3A_418, %add3A_419 : vector<16xf32>
        %add3A_421 = arith.addf %add3A_420, %add3A_417 : vector<16xf32>
        %swap3A = arith.constant 2 : i32
        %swap3A_422 = arith.index_cast %swap3A : i32 to index
        %swap3A_423 = arith.index_cast %mul3A_273 : i32 to index
        %swap3A_424 = tpu.vector_load %arg11[%swap3A_422, %swap3A_423] {strides = array<i32>} : memref<8x512xf32, #tpu.memory_space<vmem>>, vector<1x16xf32>,
        %swap3A_425 = vector.shape_cast %swap3A_424 : vector<1x16xf32> to vector<16xf32>
        %swap3A_426 = vector.shape_cast %add3A_421 : vector<16xf32> to vector<1x16xf32>
        tpu.vector_store %arg11[%swap3A_422, %swap3A_423], %swap3A_426 {strides = array<i32>} : memref<8x512xf32, #tpu.memory_space<vmem>>, vector<1x16xf32>,
        %scan3A_427 = arith.constant 0 : i32
        scf.yield %scan3A_427 : i32
      }
      %scan3A_207 = arith.constant 32 : i32
      %scan3A_208 = arith.constant 0 : i32
      %scan3A_209 = arith.constant 0 : i32
      %scan3A_210 = arith.constant 32 : i32
      %scan3A_211 = arith.addi %scan3A_209, %scan3A_210 : i32
      %scan3A_212 = arith.constant 1 : i32
      %scan3A_213 = scf.for %scan3A_270 = %scan3A_209 to %scan3A_211 step %scan3A_212 iter_args(%scan3A_271 = %scan3A_208) -> (i32)  : i32 {
        %mul3A_272 = arith.constant 16 : i32
        %mul3A_273 = arith.muli %scan3A_270, %mul3A_272 : i32
        %get3A = arith.constant 75 : i32
        %get3A_274 = arith.index_cast %get3A : i32 to index
        %get3A_275 = arith.index_cast %mul3A_273 : i32 to index
        %get3A_276 = tpu.vector_load %arg9[%get3A_274, %get3A_275] {strides = array<i32>} : memref<104x512xf32, #tpu.memory_space<vmem>>, vector<1x16xf32>,
        %get3A_277 = vector.shape_cast %get3A_276 : vector<1x16xf32> to vector<16xf32>
        %get3A_278 = arith.constant 80 : i32
        %get3A_279 = arith.index_cast %get3A_278 : i32 to index
        %get3A_280 = arith.index_cast %mul3A_273 : i32 to index
        %get3A_281 = tpu.vector_load %arg9[%get3A_279, %get3A_280] {strides = array<i32>} : memref<104x512xf32, #tpu.memory_space<vmem>>, vector<1x16xf32>,
        %get3A_282 = vector.shape_cast %get3A_281 : vector<1x16xf32> to vector<16xf32>
        %get3A_283 = arith.constant 85 : i32
        %get3A_284 = arith.index_cast %get3A_283 : i32 to index
        %get3A_285 = arith.index_cast %mul3A_273 : i32 to index
        %get3A_286 = tpu.vector_load %arg9[%get3A_284, %get3A_285] {strides = array<i32>} : memref<104x512xf32, #tpu.memory_space<vmem>>, vector<1x16xf32>,
        %get3A_287 = vector.shape_cast %get3A_286 : vector<1x16xf32> to vector<16xf32>
        %get3A_288 = arith.constant 90 : i32
        %get3A_289 = arith.index_cast %get3A_288 : i32 to index
        %get3A_290 = arith.index_cast %mul3A_273 : i32 to index
        %get3A_291 = tpu.vector_load %arg9[%get3A_289, %get3A_290] {strides = array<i32>} : memref<104x512xf32, #tpu.memory_space<vmem>>, vector<1x16xf32>,
        %get3A_292 = vector.shape_cast %get3A_291 : vector<1x16xf32> to vector<16xf32>
        %get3A_293 = arith.constant 95 : i32
        %get3A_294 = arith.index_cast %get3A_293 : i32 to index
        %get3A_295 = arith.index_cast %mul3A_273 : i32 to index
        %get3A_296 = tpu.vector_load %arg9[%get3A_294, %get3A_295] {strides = array<i32>} : memref<104x512xf32, #tpu.memory_space<vmem>>, vector<1x16xf32>,
        %get3A_297 = vector.shape_cast %get3A_296 : vector<1x16xf32> to vector<16xf32>
        %get3A_298 = arith.constant 76 : i32
        %get3A_299 = arith.index_cast %get3A_298 : i32 to index
        %get3A_300 = arith.index_cast %mul3A_273 : i32 to index
        %get3A_301 = tpu.vector_load %arg9[%get3A_299, %get3A_300] {strides = array<i32>} : memref<104x512xf32, #tpu.memory_space<vmem>>, vector<1x16xf32>,
        %get3A_302 = vector.shape_cast %get3A_301 : vector<1x16xf32> to vector<16xf32>
        %add3A_303 = arith.addf %get3A_277, %get3A_302 : vector<16xf32>
        %get3A_304 = arith.constant 81 : i32
        %get3A_305 = arith.index_cast %get3A_304 : i32 to index
        %get3A_306 = arith.index_cast %mul3A_273 : i32 to index
        %get3A_307 = tpu.vector_load %arg9[%get3A_305, %get3A_306] {strides = array<i32>} : memref<104x512xf32, #tpu.memory_space<vmem>>, vector<1x16xf32>,
        %get3A_308 = vector.shape_cast %get3A_307 : vector<1x16xf32> to vector<16xf32>
        %add3A_309 = arith.addf %get3A_282, %get3A_308 : vector<16xf32>
        %get3A_310 = arith.constant 86 : i32
        %get3A_311 = arith.index_cast %get3A_310 : i32 to index
        %get3A_312 = arith.index_cast %mul3A_273 : i32 to index
        %get3A_313 = tpu.vector_load %arg9[%get3A_311, %get3A_312] {strides = array<i32>} : memref<104x512xf32, #tpu.memory_space<vmem>>, vector<1x16xf32>,
        %get3A_314 = vector.shape_cast %get3A_313 : vector<1x16xf32> to vector<16xf32>
        %add3A_315 = arith.addf %get3A_287, %get3A_314 : vector<16xf32>
        %get3A_316 = arith.constant 91 : i32
        %get3A_317 = arith.index_cast %get3A_316 : i32 to index
        %get3A_318 = arith.index_cast %mul3A_273 : i32 to index
        %get3A_319 = tpu.vector_load %arg9[%get3A_317, %get3A_318] {strides = array<i32>} : memref<104x512xf32, #tpu.memory_space<vmem>>, vector<1x16xf32>,
        %get3A_320 = vector.shape_cast %get3A_319 : vector<1x16xf32> to vector<16xf32>
        %add3A_321 = arith.addf %get3A_292, %get3A_320 : vector<16xf32>
        %get3A_322 = arith.constant 96 : i32
        %get3A_323 = arith.index_cast %get3A_322 : i32 to index
        %get3A_324 = arith.index_cast %mul3A_273 : i32 to index
        %get3A_325 = tpu.vector_load %arg9[%get3A_323, %get3A_324] {strides = array<i32>} : memref<104x512xf32, #tpu.memory_space<vmem>>, vector<1x16xf32>,
        %get3A_326 = vector.shape_cast %get3A_325 : vector<1x16xf32> to vector<16xf32>
        %add3A_327 = arith.addf %get3A_297, %get3A_326 : vector<16xf32>
        %get3A_328 = arith.constant 77 : i32
        %get3A_329 = arith.index_cast %get3A_328 : i32 to index
        %get3A_330 = arith.index_cast %mul3A_273 : i32 to index
        %get3A_331 = tpu.vector_load %arg9[%get3A_329, %get3A_330] {strides = array<i32>} : memref<104x512xf32, #tpu.memory_space<vmem>>, vector<1x16xf32>,
        %get3A_332 = vector.shape_cast %get3A_331 : vector<1x16xf32> to vector<16xf32>
        %add3A_333 = arith.addf %add3A_303, %get3A_332 : vector<16xf32>
        %get3A_334 = arith.constant 82 : i32
        %get3A_335 = arith.index_cast %get3A_334 : i32 to index
        %get3A_336 = arith.index_cast %mul3A_273 : i32 to index
        %get3A_337 = tpu.vector_load %arg9[%get3A_335, %get3A_336] {strides = array<i32>} : memref<104x512xf32, #tpu.memory_space<vmem>>, vector<1x16xf32>,
        %get3A_338 = vector.shape_cast %get3A_337 : vector<1x16xf32> to vector<16xf32>
        %add3A_339 = arith.addf %add3A_309, %get3A_338 : vector<16xf32>
        %get3A_340 = arith.constant 87 : i32
        %get3A_341 = arith.index_cast %get3A_340 : i32 to index
        %get3A_342 = arith.index_cast %mul3A_273 : i32 to index
        %get3A_343 = tpu.vector_load %arg9[%get3A_341, %get3A_342] {strides = array<i32>} : memref<104x512xf32, #tpu.memory_space<vmem>>, vector<1x16xf32>,
        %get3A_344 = vector.shape_cast %get3A_343 : vector<1x16xf32> to vector<16xf32>
        %add3A_345 = arith.addf %add3A_315, %get3A_344 : vector<16xf32>
        %get3A_346 = arith.constant 92 : i32
        %get3A_347 = arith.index_cast %get3A_346 : i32 to index
        %get3A_348 = arith.index_cast %mul3A_273 : i32 to index
        %get3A_349 = tpu.vector_load %arg9[%get3A_347, %get3A_348] {strides = array<i32>} : memref<104x512xf32, #tpu.memory_space<vmem>>, vector<1x16xf32>,
        %get3A_350 = vector.shape_cast %get3A_349 : vector<1x16xf32> to vector<16xf32>
        %add3A_351 = arith.addf %add3A_321, %get3A_350 : vector<16xf32>
        %get3A_352 = arith.constant 97 : i32
        %get3A_353 = arith.index_cast %get3A_352 : i32 to index
        %get3A_354 = arith.index_cast %mul3A_273 : i32 to index
        %get3A_355 = tpu.vector_load %arg9[%get3A_353, %get3A_354] {strides = array<i32>} : memref<104x512xf32, #tpu.memory_space<vmem>>, vector<1x16xf32>,
        %get3A_356 = vector.shape_cast %get3A_355 : vector<1x16xf32> to vector<16xf32>
        %add3A_357 = arith.addf %add3A_327, %get3A_356 : vector<16xf32>
        %get3A_358 = arith.constant 78 : i32
        %get3A_359 = arith.index_cast %get3A_358 : i32 to index
        %get3A_360 = arith.index_cast %mul3A_273 : i32 to index
        %get3A_361 = tpu.vector_load %arg9[%get3A_359, %get3A_360] {strides = array<i32>} : memref<104x512xf32, #tpu.memory_space<vmem>>, vector<1x16xf32>,
        %get3A_362 = vector.shape_cast %get3A_361 : vector<1x16xf32> to vector<16xf32>
        %add3A_363 = arith.addf %add3A_333, %get3A_362 : vector<16xf32>
        %get3A_364 = arith.constant 83 : i32
        %get3A_365 = arith.index_cast %get3A_364 : i32 to index
        %get3A_366 = arith.index_cast %mul3A_273 : i32 to index
        %get3A_367 = tpu.vector_load %arg9[%get3A_365, %get3A_366] {strides = array<i32>} : memref<104x512xf32, #tpu.memory_space<vmem>>, vector<1x16xf32>,
        %get3A_368 = vector.shape_cast %get3A_367 : vector<1x16xf32> to vector<16xf32>
        %add3A_369 = arith.addf %add3A_339, %get3A_368 : vector<16xf32>
        %get3A_370 = arith.constant 88 : i32
        %get3A_371 = arith.index_cast %get3A_370 : i32 to index
        %get3A_372 = arith.index_cast %mul3A_273 : i32 to index
        %get3A_373 = tpu.vector_load %arg9[%get3A_371, %get3A_372] {strides = array<i32>} : memref<104x512xf32, #tpu.memory_space<vmem>>, vector<1x16xf32>,
        %get3A_374 = vector.shape_cast %get3A_373 : vector<1x16xf32> to vector<16xf32>
        %add3A_375 = arith.addf %add3A_345, %get3A_374 : vector<16xf32>
        %get3A_376 = arith.constant 93 : i32
        %get3A_377 = arith.index_cast %get3A_376 : i32 to index
        %get3A_378 = arith.index_cast %mul3A_273 : i32 to index
        %get3A_379 = tpu.vector_load %arg9[%get3A_377, %get3A_378] {strides = array<i32>} : memref<104x512xf32, #tpu.memory_space<vmem>>, vector<1x16xf32>,
        %get3A_380 = vector.shape_cast %get3A_379 : vector<1x16xf32> to vector<16xf32>
        %add3A_381 = arith.addf %add3A_351, %get3A_380 : vector<16xf32>
        %get3A_382 = arith.constant 98 : i32
        %get3A_383 = arith.index_cast %get3A_382 : i32 to index
        %get3A_384 = arith.index_cast %mul3A_273 : i32 to index
        %get3A_385 = tpu.vector_load %arg9[%get3A_383, %get3A_384] {strides = array<i32>} : memref<104x512xf32, #tpu.memory_space<vmem>>, vector<1x16xf32>,
        %get3A_386 = vector.shape_cast %get3A_385 : vector<1x16xf32> to vector<16xf32>
        %add3A_387 = arith.addf %add3A_357, %get3A_386 : vector<16xf32>
        %get3A_388 = arith.constant 79 : i32
        %get3A_389 = arith.index_cast %get3A_388 : i32 to index
        %get3A_390 = arith.index_cast %mul3A_273 : i32 to index
        %get3A_391 = tpu.vector_load %arg9[%get3A_389, %get3A_390] {strides = array<i32>} : memref<104x512xf32, #tpu.memory_space<vmem>>, vector<1x16xf32>,
        %get3A_392 = vector.shape_cast %get3A_391 : vector<1x16xf32> to vector<16xf32>
        %add3A_393 = arith.addf %add3A_363, %get3A_392 : vector<16xf32>
        %get3A_394 = arith.constant 84 : i32
        %get3A_395 = arith.index_cast %get3A_394 : i32 to index
        %get3A_396 = arith.index_cast %mul3A_273 : i32 to index
        %get3A_397 = tpu.vector_load %arg9[%get3A_395, %get3A_396] {strides = array<i32>} : memref<104x512xf32, #tpu.memory_space<vmem>>, vector<1x16xf32>,
        %get3A_398 = vector.shape_cast %get3A_397 : vector<1x16xf32> to vector<16xf32>
        %add3A_399 = arith.addf %add3A_369, %get3A_398 : vector<16xf32>
        %get3A_400 = arith.constant 89 : i32
        %get3A_401 = arith.index_cast %get3A_400 : i32 to index
        %get3A_402 = arith.index_cast %mul3A_273 : i32 to index
        %get3A_403 = tpu.vector_load %arg9[%get3A_401, %get3A_402] {strides = array<i32>} : memref<104x512xf32, #tpu.memory_space<vmem>>, vector<1x16xf32>,
        %get3A_404 = vector.shape_cast %get3A_403 : vector<1x16xf32> to vector<16xf32>
        %add3A_405 = arith.addf %add3A_375, %get3A_404 : vector<16xf32>
        %get3A_406 = arith.constant 94 : i32
        %get3A_407 = arith.index_cast %get3A_406 : i32 to index
        %get3A_408 = arith.index_cast %mul3A_273 : i32 to index
        %get3A_409 = tpu.vector_load %arg9[%get3A_407, %get3A_408] {strides = array<i32>} : memref<104x512xf32, #tpu.memory_space<vmem>>, vector<1x16xf32>,
        %get3A_410 = vector.shape_cast %get3A_409 : vector<1x16xf32> to vector<16xf32>
        %add3A_411 = arith.addf %add3A_381, %get3A_410 : vector<16xf32>
        %get3A_412 = arith.constant 99 : i32
        %get3A_413 = arith.index_cast %get3A_412 : i32 to index
        %get3A_414 = arith.index_cast %mul3A_273 : i32 to index
        %get3A_415 = tpu.vector_load %arg9[%get3A_413, %get3A_414] {strides = array<i32>} : memref<104x512xf32, #tpu.memory_space<vmem>>, vector<1x16xf32>,
        %get3A_416 = vector.shape_cast %get3A_415 : vector<1x16xf32> to vector<16xf32>
        %add3A_417 = arith.addf %add3A_387, %get3A_416 : vector<16xf32>
        %add3A_418 = arith.addf %add3A_393, %add3A_399 : vector<16xf32>
        %add3A_419 = arith.addf %add3A_405, %add3A_411 : vector<16xf32>
        %add3A_420 = arith.addf %add3A_418, %add3A_419 : vector<16xf32>
        %add3A_421 = arith.addf %add3A_420, %add3A_417 : vector<16xf32>
        %swap3A = arith.constant 3 : i32
        %swap3A_422 = arith.index_cast %swap3A : i32 to index
        %swap3A_423 = arith.index_cast %mul3A_273 : i32 to index
        %swap3A_424 = tpu.vector_load %arg11[%swap3A_422, %swap3A_423] {strides = array<i32>} : memref<8x512xf32, #tpu.memory_space<vmem>>, vector<1x16xf32>,
        %swap3A_425 = vector.shape_cast %swap3A_424 : vector<1x16xf32> to vector<16xf32>
        %swap3A_426 = vector.shape_cast %add3A_421 : vector<16xf32> to vector<1x16xf32>
        tpu.vector_store %arg11[%swap3A_422, %swap3A_423], %swap3A_426 {strides = array<i32>} : memref<8x512xf32, #tpu.memory_space<vmem>>, vector<1x16xf32>,
        %scan3A_427 = arith.constant 0 : i32
        scf.yield %scan3A_427 : i32
      }
      %scan3A_214 = arith.constant 32 : i32
      %lt3A = arith.constant 43 : i32
      %lt3A_215 = arith.cmpi slt, %scan3A_175, %lt3A : i32
      %convert_element_type3A_216 = arith.extui %lt3A_215 : i1 to i32
      %cond3A_217 = arith.constant 0 : i32
      %cond3A_218 = arith.cmpi ne, %convert_element_type3A_216, %cond3A_217 : i32
      scf.if %cond3A_218 {
        %mul3A_270 = arith.constant 2 : i32
        %mul3A_271 = arith.muli %mul3A_270, %scan3A_175 : i32
        %add3A_272 = arith.constant 2 : i32
        %add3A_273 = arith.addi %mul3A_271, %add3A_272 : i32
        %mul3A_274 = arith.constant 104 : i32
        %mul3A_275 = arith.muli %add3A_273, %mul3A_274 : i32
        %dma_start3A_276 = tpu.memref_slice %arg8[%mul3A_275] : memref<9152xi32, #tpu.memory_space<vmem>> -> memref<104xi32, #tpu.memory_space<vmem>>
        %dma_start3A_277 = arith.constant 0 : i32
        %dma_start3A_278 = arith.constant 0 : i32
        %dma_start3A_279 = tpu.memref_slice %arg2[%dma_start3A_277, %dma_start3A_278] : memref<50000x512xf32, #tpu.memory_space<hbm>> -> memref<50000x512xf32, #tpu.memory_space<hbm>>
        tpu.enqueue_indirect_dma source(%dma_start3A_279 : memref<50000x512xf32, #tpu.memory_space<hbm>>) target(%arg9 : memref<104x512xf32, #tpu.memory_space<vmem>>) offsets(%dma_start3A_276 : memref<104xi32, #tpu.memory_space<vmem>>) semaphore(%arg12 : memref<!tpu.dma_semaphore, #tpu.memory_space<semaphore_mem>>)
      } else {
      }
      %mul3A_219 = arith.constant 2 : i32
      %mul3A_220 = arith.muli %mul3A_219, %scan3A_175 : i32
      %add3A_221 = arith.constant 1 : i32
      %add3A_222 = arith.addi %mul3A_220, %add3A_221 : i32
      %mul3A_223 = arith.constant 104 : i32
      %mul3A_224 = arith.muli %add3A_222, %mul3A_223 : i32
      %dma_wait3A_225 = tpu.memref_slice %arg8[%mul3A_224] : memref<9152xi32, #tpu.memory_space<vmem>> -> memref<104xi32, #tpu.memory_space<vmem>>
      %dma_wait3A_226 = arith.constant 0 : i32
      %dma_wait3A_227 = arith.constant 0 : i32
      %dma_wait3A_228 = tpu.memref_slice %arg2[%dma_wait3A_226, %dma_wait3A_227] : memref<50000x512xf32, #tpu.memory_space<hbm>> -> memref<50000x512xf32, #tpu.memory_space<hbm>>
      tpu.wait_indirect_dma semaphore(%arg13 : memref<!tpu.dma_semaphore, #tpu.memory_space<semaphore_mem>>) src(%dma_wait3A_228 : memref<50000x512xf32, #tpu.memory_space<hbm>>) dst(%arg10 : memref<104x512xf32, #tpu.memory_space<vmem>>)
      %scan3A_229 = arith.constant 0 : i32
      %scan3A_230 = arith.constant 0 : i32
      %scan3A_231 = arith.constant 32 : i32
      %scan3A_232 = arith.addi %scan3A_230, %scan3A_231 : i32
      %scan3A_233 = arith.constant 1 : i32
      %scan3A_234 = scf.for %scan3A_270 = %scan3A_230 to %scan3A_232 step %scan3A_233 iter_args(%scan3A_271 = %scan3A_229) -> (i32)  : i32 {
        %mul3A_272 = arith.constant 16 : i32
        %mul3A_273 = arith.muli %scan3A_270, %mul3A_272 : i32
        %get3A = arith.constant 0 : i32
        %get3A_274 = arith.index_cast %get3A : i32 to index
        %get3A_275 = arith.index_cast %mul3A_273 : i32 to index
        %get3A_276 = tpu.vector_load %arg10[%get3A_274, %get3A_275] {strides = array<i32>} : memref<104x512xf32, #tpu.memory_space<vmem>>, vector<1x16xf32>,
        %get3A_277 = vector.shape_cast %get3A_276 : vector<1x16xf32> to vector<16xf32>
        %get3A_278 = arith.constant 5 : i32
        %get3A_279 = arith.index_cast %get3A_278 : i32 to index
        %get3A_280 = arith.index_cast %mul3A_273 : i32 to index
        %get3A_281 = tpu.vector_load %arg10[%get3A_279, %get3A_280] {strides = array<i32>} : memref<104x512xf32, #tpu.memory_space<vmem>>, vector<1x16xf32>,
        %get3A_282 = vector.shape_cast %get3A_281 : vector<1x16xf32> to vector<16xf32>
        %get3A_283 = arith.constant 10 : i32
        %get3A_284 = arith.index_cast %get3A_283 : i32 to index
        %get3A_285 = arith.index_cast %mul3A_273 : i32 to index
        %get3A_286 = tpu.vector_load %arg10[%get3A_284, %get3A_285] {strides = array<i32>} : memref<104x512xf32, #tpu.memory_space<vmem>>, vector<1x16xf32>,
        %get3A_287 = vector.shape_cast %get3A_286 : vector<1x16xf32> to vector<16xf32>
        %get3A_288 = arith.constant 15 : i32
        %get3A_289 = arith.index_cast %get3A_288 : i32 to index
        %get3A_290 = arith.index_cast %mul3A_273 : i32 to index
        %get3A_291 = tpu.vector_load %arg10[%get3A_289, %get3A_290] {strides = array<i32>} : memref<104x512xf32, #tpu.memory_space<vmem>>, vector<1x16xf32>,
        %get3A_292 = vector.shape_cast %get3A_291 : vector<1x16xf32> to vector<16xf32>
        %get3A_293 = arith.constant 20 : i32
        %get3A_294 = arith.index_cast %get3A_293 : i32 to index
        %get3A_295 = arith.index_cast %mul3A_273 : i32 to index
        %get3A_296 = tpu.vector_load %arg10[%get3A_294, %get3A_295] {strides = array<i32>} : memref<104x512xf32, #tpu.memory_space<vmem>>, vector<1x16xf32>,
        %get3A_297 = vector.shape_cast %get3A_296 : vector<1x16xf32> to vector<16xf32>
        %get3A_298 = arith.constant 1 : i32
        %get3A_299 = arith.index_cast %get3A_298 : i32 to index
        %get3A_300 = arith.index_cast %mul3A_273 : i32 to index
        %get3A_301 = tpu.vector_load %arg10[%get3A_299, %get3A_300] {strides = array<i32>} : memref<104x512xf32, #tpu.memory_space<vmem>>, vector<1x16xf32>,
        %get3A_302 = vector.shape_cast %get3A_301 : vector<1x16xf32> to vector<16xf32>
        %add3A_303 = arith.addf %get3A_277, %get3A_302 : vector<16xf32>
        %get3A_304 = arith.constant 6 : i32
        %get3A_305 = arith.index_cast %get3A_304 : i32 to index
        %get3A_306 = arith.index_cast %mul3A_273 : i32 to index
        %get3A_307 = tpu.vector_load %arg10[%get3A_305, %get3A_306] {strides = array<i32>} : memref<104x512xf32, #tpu.memory_space<vmem>>, vector<1x16xf32>,
        %get3A_308 = vector.shape_cast %get3A_307 : vector<1x16xf32> to vector<16xf32>
        %add3A_309 = arith.addf %get3A_282, %get3A_308 : vector<16xf32>
        %get3A_310 = arith.constant 11 : i32
        %get3A_311 = arith.index_cast %get3A_310 : i32 to index
        %get3A_312 = arith.index_cast %mul3A_273 : i32 to index
        %get3A_313 = tpu.vector_load %arg10[%get3A_311, %get3A_312] {strides = array<i32>} : memref<104x512xf32, #tpu.memory_space<vmem>>, vector<1x16xf32>,
        %get3A_314 = vector.shape_cast %get3A_313 : vector<1x16xf32> to vector<16xf32>
        %add3A_315 = arith.addf %get3A_287, %get3A_314 : vector<16xf32>
        %get3A_316 = arith.constant 16 : i32
        %get3A_317 = arith.index_cast %get3A_316 : i32 to index
        %get3A_318 = arith.index_cast %mul3A_273 : i32 to index
        %get3A_319 = tpu.vector_load %arg10[%get3A_317, %get3A_318] {strides = array<i32>} : memref<104x512xf32, #tpu.memory_space<vmem>>, vector<1x16xf32>,
        %get3A_320 = vector.shape_cast %get3A_319 : vector<1x16xf32> to vector<16xf32>
        %add3A_321 = arith.addf %get3A_292, %get3A_320 : vector<16xf32>
        %get3A_322 = arith.constant 21 : i32
        %get3A_323 = arith.index_cast %get3A_322 : i32 to index
        %get3A_324 = arith.index_cast %mul3A_273 : i32 to index
        %get3A_325 = tpu.vector_load %arg10[%get3A_323, %get3A_324] {strides = array<i32>} : memref<104x512xf32, #tpu.memory_space<vmem>>, vector<1x16xf32>,
        %get3A_326 = vector.shape_cast %get3A_325 : vector<1x16xf32> to vector<16xf32>
        %add3A_327 = arith.addf %get3A_297, %get3A_326 : vector<16xf32>
        %get3A_328 = arith.constant 2 : i32
        %get3A_329 = arith.index_cast %get3A_328 : i32 to index
        %get3A_330 = arith.index_cast %mul3A_273 : i32 to index
        %get3A_331 = tpu.vector_load %arg10[%get3A_329, %get3A_330] {strides = array<i32>} : memref<104x512xf32, #tpu.memory_space<vmem>>, vector<1x16xf32>,
        %get3A_332 = vector.shape_cast %get3A_331 : vector<1x16xf32> to vector<16xf32>
        %add3A_333 = arith.addf %add3A_303, %get3A_332 : vector<16xf32>
        %get3A_334 = arith.constant 7 : i32
        %get3A_335 = arith.index_cast %get3A_334 : i32 to index
        %get3A_336 = arith.index_cast %mul3A_273 : i32 to index
        %get3A_337 = tpu.vector_load %arg10[%get3A_335, %get3A_336] {strides = array<i32>} : memref<104x512xf32, #tpu.memory_space<vmem>>, vector<1x16xf32>,
        %get3A_338 = vector.shape_cast %get3A_337 : vector<1x16xf32> to vector<16xf32>
        %add3A_339 = arith.addf %add3A_309, %get3A_338 : vector<16xf32>
        %get3A_340 = arith.constant 12 : i32
        %get3A_341 = arith.index_cast %get3A_340 : i32 to index
        %get3A_342 = arith.index_cast %mul3A_273 : i32 to index
        %get3A_343 = tpu.vector_load %arg10[%get3A_341, %get3A_342] {strides = array<i32>} : memref<104x512xf32, #tpu.memory_space<vmem>>, vector<1x16xf32>,
        %get3A_344 = vector.shape_cast %get3A_343 : vector<1x16xf32> to vector<16xf32>
        %add3A_345 = arith.addf %add3A_315, %get3A_344 : vector<16xf32>
        %get3A_346 = arith.constant 17 : i32
        %get3A_347 = arith.index_cast %get3A_346 : i32 to index
        %get3A_348 = arith.index_cast %mul3A_273 : i32 to index
        %get3A_349 = tpu.vector_load %arg10[%get3A_347, %get3A_348] {strides = array<i32>} : memref<104x512xf32, #tpu.memory_space<vmem>>, vector<1x16xf32>,
        %get3A_350 = vector.shape_cast %get3A_349 : vector<1x16xf32> to vector<16xf32>
        %add3A_351 = arith.addf %add3A_321, %get3A_350 : vector<16xf32>
        %get3A_352 = arith.constant 22 : i32
        %get3A_353 = arith.index_cast %get3A_352 : i32 to index
        %get3A_354 = arith.index_cast %mul3A_273 : i32 to index
        %get3A_355 = tpu.vector_load %arg10[%get3A_353, %get3A_354] {strides = array<i32>} : memref<104x512xf32, #tpu.memory_space<vmem>>, vector<1x16xf32>,
        %get3A_356 = vector.shape_cast %get3A_355 : vector<1x16xf32> to vector<16xf32>
        %add3A_357 = arith.addf %add3A_327, %get3A_356 : vector<16xf32>
        %get3A_358 = arith.constant 3 : i32
        %get3A_359 = arith.index_cast %get3A_358 : i32 to index
        %get3A_360 = arith.index_cast %mul3A_273 : i32 to index
        %get3A_361 = tpu.vector_load %arg10[%get3A_359, %get3A_360] {strides = array<i32>} : memref<104x512xf32, #tpu.memory_space<vmem>>, vector<1x16xf32>,
        %get3A_362 = vector.shape_cast %get3A_361 : vector<1x16xf32> to vector<16xf32>
        %add3A_363 = arith.addf %add3A_333, %get3A_362 : vector<16xf32>
        %get3A_364 = arith.constant 8 : i32
        %get3A_365 = arith.index_cast %get3A_364 : i32 to index
        %get3A_366 = arith.index_cast %mul3A_273 : i32 to index
        %get3A_367 = tpu.vector_load %arg10[%get3A_365, %get3A_366] {strides = array<i32>} : memref<104x512xf32, #tpu.memory_space<vmem>>, vector<1x16xf32>,
        %get3A_368 = vector.shape_cast %get3A_367 : vector<1x16xf32> to vector<16xf32>
        %add3A_369 = arith.addf %add3A_339, %get3A_368 : vector<16xf32>
        %get3A_370 = arith.constant 13 : i32
        %get3A_371 = arith.index_cast %get3A_370 : i32 to index
        %get3A_372 = arith.index_cast %mul3A_273 : i32 to index
        %get3A_373 = tpu.vector_load %arg10[%get3A_371, %get3A_372] {strides = array<i32>} : memref<104x512xf32, #tpu.memory_space<vmem>>, vector<1x16xf32>,
        %get3A_374 = vector.shape_cast %get3A_373 : vector<1x16xf32> to vector<16xf32>
        %add3A_375 = arith.addf %add3A_345, %get3A_374 : vector<16xf32>
        %get3A_376 = arith.constant 18 : i32
        %get3A_377 = arith.index_cast %get3A_376 : i32 to index
        %get3A_378 = arith.index_cast %mul3A_273 : i32 to index
        %get3A_379 = tpu.vector_load %arg10[%get3A_377, %get3A_378] {strides = array<i32>} : memref<104x512xf32, #tpu.memory_space<vmem>>, vector<1x16xf32>,
        %get3A_380 = vector.shape_cast %get3A_379 : vector<1x16xf32> to vector<16xf32>
        %add3A_381 = arith.addf %add3A_351, %get3A_380 : vector<16xf32>
        %get3A_382 = arith.constant 23 : i32
        %get3A_383 = arith.index_cast %get3A_382 : i32 to index
        %get3A_384 = arith.index_cast %mul3A_273 : i32 to index
        %get3A_385 = tpu.vector_load %arg10[%get3A_383, %get3A_384] {strides = array<i32>} : memref<104x512xf32, #tpu.memory_space<vmem>>, vector<1x16xf32>,
        %get3A_386 = vector.shape_cast %get3A_385 : vector<1x16xf32> to vector<16xf32>
        %add3A_387 = arith.addf %add3A_357, %get3A_386 : vector<16xf32>
        %get3A_388 = arith.constant 4 : i32
        %get3A_389 = arith.index_cast %get3A_388 : i32 to index
        %get3A_390 = arith.index_cast %mul3A_273 : i32 to index
        %get3A_391 = tpu.vector_load %arg10[%get3A_389, %get3A_390] {strides = array<i32>} : memref<104x512xf32, #tpu.memory_space<vmem>>, vector<1x16xf32>,
        %get3A_392 = vector.shape_cast %get3A_391 : vector<1x16xf32> to vector<16xf32>
        %add3A_393 = arith.addf %add3A_363, %get3A_392 : vector<16xf32>
        %get3A_394 = arith.constant 9 : i32
        %get3A_395 = arith.index_cast %get3A_394 : i32 to index
        %get3A_396 = arith.index_cast %mul3A_273 : i32 to index
        %get3A_397 = tpu.vector_load %arg10[%get3A_395, %get3A_396] {strides = array<i32>} : memref<104x512xf32, #tpu.memory_space<vmem>>, vector<1x16xf32>,
        %get3A_398 = vector.shape_cast %get3A_397 : vector<1x16xf32> to vector<16xf32>
        %add3A_399 = arith.addf %add3A_369, %get3A_398 : vector<16xf32>
        %get3A_400 = arith.constant 14 : i32
        %get3A_401 = arith.index_cast %get3A_400 : i32 to index
        %get3A_402 = arith.index_cast %mul3A_273 : i32 to index
        %get3A_403 = tpu.vector_load %arg10[%get3A_401, %get3A_402] {strides = array<i32>} : memref<104x512xf32, #tpu.memory_space<vmem>>, vector<1x16xf32>,
        %get3A_404 = vector.shape_cast %get3A_403 : vector<1x16xf32> to vector<16xf32>
        %add3A_405 = arith.addf %add3A_375, %get3A_404 : vector<16xf32>
        %get3A_406 = arith.constant 19 : i32
        %get3A_407 = arith.index_cast %get3A_406 : i32 to index
        %get3A_408 = arith.index_cast %mul3A_273 : i32 to index
        %get3A_409 = tpu.vector_load %arg10[%get3A_407, %get3A_408] {strides = array<i32>} : memref<104x512xf32, #tpu.memory_space<vmem>>, vector<1x16xf32>,
        %get3A_410 = vector.shape_cast %get3A_409 : vector<1x16xf32> to vector<16xf32>
        %add3A_411 = arith.addf %add3A_381, %get3A_410 : vector<16xf32>
        %get3A_412 = arith.constant 24 : i32
        %get3A_413 = arith.index_cast %get3A_412 : i32 to index
        %get3A_414 = arith.index_cast %mul3A_273 : i32 to index
        %get3A_415 = tpu.vector_load %arg10[%get3A_413, %get3A_414] {strides = array<i32>} : memref<104x512xf32, #tpu.memory_space<vmem>>, vector<1x16xf32>,
        %get3A_416 = vector.shape_cast %get3A_415 : vector<1x16xf32> to vector<16xf32>
        %add3A_417 = arith.addf %add3A_387, %get3A_416 : vector<16xf32>
        %add3A_418 = arith.addf %add3A_393, %add3A_399 : vector<16xf32>
        %add3A_419 = arith.addf %add3A_405, %add3A_411 : vector<16xf32>
        %add3A_420 = arith.addf %add3A_418, %add3A_419 : vector<16xf32>
        %add3A_421 = arith.addf %add3A_420, %add3A_417 : vector<16xf32>
        %swap3A = arith.constant 4 : i32
        %swap3A_422 = arith.index_cast %swap3A : i32 to index
        %swap3A_423 = arith.index_cast %mul3A_273 : i32 to index
        %swap3A_424 = tpu.vector_load %arg11[%swap3A_422, %swap3A_423] {strides = array<i32>} : memref<8x512xf32, #tpu.memory_space<vmem>>, vector<1x16xf32>,
        %swap3A_425 = vector.shape_cast %swap3A_424 : vector<1x16xf32> to vector<16xf32>
        %swap3A_426 = vector.shape_cast %add3A_421 : vector<16xf32> to vector<1x16xf32>
        tpu.vector_store %arg11[%swap3A_422, %swap3A_423], %swap3A_426 {strides = array<i32>} : memref<8x512xf32, #tpu.memory_space<vmem>>, vector<1x16xf32>,
        %scan3A_427 = arith.constant 0 : i32
        scf.yield %scan3A_427 : i32
      }
      %scan3A_235 = arith.constant 32 : i32
      %scan3A_236 = arith.constant 0 : i32
      %scan3A_237 = arith.constant 0 : i32
      %scan3A_238 = arith.constant 32 : i32
      %scan3A_239 = arith.addi %scan3A_237, %scan3A_238 : i32
      %scan3A_240 = arith.constant 1 : i32
      %scan3A_241 = scf.for %scan3A_270 = %scan3A_237 to %scan3A_239 step %scan3A_240 iter_args(%scan3A_271 = %scan3A_236) -> (i32)  : i32 {
        %mul3A_272 = arith.constant 16 : i32
        %mul3A_273 = arith.muli %scan3A_270, %mul3A_272 : i32
        %get3A = arith.constant 25 : i32
        %get3A_274 = arith.index_cast %get3A : i32 to index
        %get3A_275 = arith.index_cast %mul3A_273 : i32 to index
        %get3A_276 = tpu.vector_load %arg10[%get3A_274, %get3A_275] {strides = array<i32>} : memref<104x512xf32, #tpu.memory_space<vmem>>, vector<1x16xf32>,
        %get3A_277 = vector.shape_cast %get3A_276 : vector<1x16xf32> to vector<16xf32>
        %get3A_278 = arith.constant 30 : i32
        %get3A_279 = arith.index_cast %get3A_278 : i32 to index
        %get3A_280 = arith.index_cast %mul3A_273 : i32 to index
        %get3A_281 = tpu.vector_load %arg10[%get3A_279, %get3A_280] {strides = array<i32>} : memref<104x512xf32, #tpu.memory_space<vmem>>, vector<1x16xf32>,
        %get3A_282 = vector.shape_cast %get3A_281 : vector<1x16xf32> to vector<16xf32>
        %get3A_283 = arith.constant 35 : i32
        %get3A_284 = arith.index_cast %get3A_283 : i32 to index
        %get3A_285 = arith.index_cast %mul3A_273 : i32 to index
        %get3A_286 = tpu.vector_load %arg10[%get3A_284, %get3A_285] {strides = array<i32>} : memref<104x512xf32, #tpu.memory_space<vmem>>, vector<1x16xf32>,
        %get3A_287 = vector.shape_cast %get3A_286 : vector<1x16xf32> to vector<16xf32>
        %get3A_288 = arith.constant 40 : i32
        %get3A_289 = arith.index_cast %get3A_288 : i32 to index
        %get3A_290 = arith.index_cast %mul3A_273 : i32 to index
        %get3A_291 = tpu.vector_load %arg10[%get3A_289, %get3A_290] {strides = array<i32>} : memref<104x512xf32, #tpu.memory_space<vmem>>, vector<1x16xf32>,
        %get3A_292 = vector.shape_cast %get3A_291 : vector<1x16xf32> to vector<16xf32>
        %get3A_293 = arith.constant 45 : i32
        %get3A_294 = arith.index_cast %get3A_293 : i32 to index
        %get3A_295 = arith.index_cast %mul3A_273 : i32 to index
        %get3A_296 = tpu.vector_load %arg10[%get3A_294, %get3A_295] {strides = array<i32>} : memref<104x512xf32, #tpu.memory_space<vmem>>, vector<1x16xf32>,
        %get3A_297 = vector.shape_cast %get3A_296 : vector<1x16xf32> to vector<16xf32>
        %get3A_298 = arith.constant 26 : i32
        %get3A_299 = arith.index_cast %get3A_298 : i32 to index
        %get3A_300 = arith.index_cast %mul3A_273 : i32 to index
        %get3A_301 = tpu.vector_load %arg10[%get3A_299, %get3A_300] {strides = array<i32>} : memref<104x512xf32, #tpu.memory_space<vmem>>, vector<1x16xf32>,
        %get3A_302 = vector.shape_cast %get3A_301 : vector<1x16xf32> to vector<16xf32>
        %add3A_303 = arith.addf %get3A_277, %get3A_302 : vector<16xf32>
        %get3A_304 = arith.constant 31 : i32
        %get3A_305 = arith.index_cast %get3A_304 : i32 to index
        %get3A_306 = arith.index_cast %mul3A_273 : i32 to index
        %get3A_307 = tpu.vector_load %arg10[%get3A_305, %get3A_306] {strides = array<i32>} : memref<104x512xf32, #tpu.memory_space<vmem>>, vector<1x16xf32>,
        %get3A_308 = vector.shape_cast %get3A_307 : vector<1x16xf32> to vector<16xf32>
        %add3A_309 = arith.addf %get3A_282, %get3A_308 : vector<16xf32>
        %get3A_310 = arith.constant 36 : i32
        %get3A_311 = arith.index_cast %get3A_310 : i32 to index
        %get3A_312 = arith.index_cast %mul3A_273 : i32 to index
        %get3A_313 = tpu.vector_load %arg10[%get3A_311, %get3A_312] {strides = array<i32>} : memref<104x512xf32, #tpu.memory_space<vmem>>, vector<1x16xf32>,
        %get3A_314 = vector.shape_cast %get3A_313 : vector<1x16xf32> to vector<16xf32>
        %add3A_315 = arith.addf %get3A_287, %get3A_314 : vector<16xf32>
        %get3A_316 = arith.constant 41 : i32
        %get3A_317 = arith.index_cast %get3A_316 : i32 to index
        %get3A_318 = arith.index_cast %mul3A_273 : i32 to index
        %get3A_319 = tpu.vector_load %arg10[%get3A_317, %get3A_318] {strides = array<i32>} : memref<104x512xf32, #tpu.memory_space<vmem>>, vector<1x16xf32>,
        %get3A_320 = vector.shape_cast %get3A_319 : vector<1x16xf32> to vector<16xf32>
        %add3A_321 = arith.addf %get3A_292, %get3A_320 : vector<16xf32>
        %get3A_322 = arith.constant 46 : i32
        %get3A_323 = arith.index_cast %get3A_322 : i32 to index
        %get3A_324 = arith.index_cast %mul3A_273 : i32 to index
        %get3A_325 = tpu.vector_load %arg10[%get3A_323, %get3A_324] {strides = array<i32>} : memref<104x512xf32, #tpu.memory_space<vmem>>, vector<1x16xf32>,
        %get3A_326 = vector.shape_cast %get3A_325 : vector<1x16xf32> to vector<16xf32>
        %add3A_327 = arith.addf %get3A_297, %get3A_326 : vector<16xf32>
        %get3A_328 = arith.constant 27 : i32
        %get3A_329 = arith.index_cast %get3A_328 : i32 to index
        %get3A_330 = arith.index_cast %mul3A_273 : i32 to index
        %get3A_331 = tpu.vector_load %arg10[%get3A_329, %get3A_330] {strides = array<i32>} : memref<104x512xf32, #tpu.memory_space<vmem>>, vector<1x16xf32>,
        %get3A_332 = vector.shape_cast %get3A_331 : vector<1x16xf32> to vector<16xf32>
        %add3A_333 = arith.addf %add3A_303, %get3A_332 : vector<16xf32>
        %get3A_334 = arith.constant 32 : i32
        %get3A_335 = arith.index_cast %get3A_334 : i32 to index
        %get3A_336 = arith.index_cast %mul3A_273 : i32 to index
        %get3A_337 = tpu.vector_load %arg10[%get3A_335, %get3A_336] {strides = array<i32>} : memref<104x512xf32, #tpu.memory_space<vmem>>, vector<1x16xf32>,
        %get3A_338 = vector.shape_cast %get3A_337 : vector<1x16xf32> to vector<16xf32>
        %add3A_339 = arith.addf %add3A_309, %get3A_338 : vector<16xf32>
        %get3A_340 = arith.constant 37 : i32
        %get3A_341 = arith.index_cast %get3A_340 : i32 to index
        %get3A_342 = arith.index_cast %mul3A_273 : i32 to index
        %get3A_343 = tpu.vector_load %arg10[%get3A_341, %get3A_342] {strides = array<i32>} : memref<104x512xf32, #tpu.memory_space<vmem>>, vector<1x16xf32>,
        %get3A_344 = vector.shape_cast %get3A_343 : vector<1x16xf32> to vector<16xf32>
        %add3A_345 = arith.addf %add3A_315, %get3A_344 : vector<16xf32>
        %get3A_346 = arith.constant 42 : i32
        %get3A_347 = arith.index_cast %get3A_346 : i32 to index
        %get3A_348 = arith.index_cast %mul3A_273 : i32 to index
        %get3A_349 = tpu.vector_load %arg10[%get3A_347, %get3A_348] {strides = array<i32>} : memref<104x512xf32, #tpu.memory_space<vmem>>, vector<1x16xf32>,
        %get3A_350 = vector.shape_cast %get3A_349 : vector<1x16xf32> to vector<16xf32>
        %add3A_351 = arith.addf %add3A_321, %get3A_350 : vector<16xf32>
        %get3A_352 = arith.constant 47 : i32
        %get3A_353 = arith.index_cast %get3A_352 : i32 to index
        %get3A_354 = arith.index_cast %mul3A_273 : i32 to index
        %get3A_355 = tpu.vector_load %arg10[%get3A_353, %get3A_354] {strides = array<i32>} : memref<104x512xf32, #tpu.memory_space<vmem>>, vector<1x16xf32>,
        %get3A_356 = vector.shape_cast %get3A_355 : vector<1x16xf32> to vector<16xf32>
        %add3A_357 = arith.addf %add3A_327, %get3A_356 : vector<16xf32>
        %get3A_358 = arith.constant 28 : i32
        %get3A_359 = arith.index_cast %get3A_358 : i32 to index
        %get3A_360 = arith.index_cast %mul3A_273 : i32 to index
        %get3A_361 = tpu.vector_load %arg10[%get3A_359, %get3A_360] {strides = array<i32>} : memref<104x512xf32, #tpu.memory_space<vmem>>, vector<1x16xf32>,
        %get3A_362 = vector.shape_cast %get3A_361 : vector<1x16xf32> to vector<16xf32>
        %add3A_363 = arith.addf %add3A_333, %get3A_362 : vector<16xf32>
        %get3A_364 = arith.constant 33 : i32
        %get3A_365 = arith.index_cast %get3A_364 : i32 to index
        %get3A_366 = arith.index_cast %mul3A_273 : i32 to index
        %get3A_367 = tpu.vector_load %arg10[%get3A_365, %get3A_366] {strides = array<i32>} : memref<104x512xf32, #tpu.memory_space<vmem>>, vector<1x16xf32>,
        %get3A_368 = vector.shape_cast %get3A_367 : vector<1x16xf32> to vector<16xf32>
        %add3A_369 = arith.addf %add3A_339, %get3A_368 : vector<16xf32>
        %get3A_370 = arith.constant 38 : i32
        %get3A_371 = arith.index_cast %get3A_370 : i32 to index
        %get3A_372 = arith.index_cast %mul3A_273 : i32 to index
        %get3A_373 = tpu.vector_load %arg10[%get3A_371, %get3A_372] {strides = array<i32>} : memref<104x512xf32, #tpu.memory_space<vmem>>, vector<1x16xf32>,
        %get3A_374 = vector.shape_cast %get3A_373 : vector<1x16xf32> to vector<16xf32>
        %add3A_375 = arith.addf %add3A_345, %get3A_374 : vector<16xf32>
        %get3A_376 = arith.constant 43 : i32
        %get3A_377 = arith.index_cast %get3A_376 : i32 to index
        %get3A_378 = arith.index_cast %mul3A_273 : i32 to index
        %get3A_379 = tpu.vector_load %arg10[%get3A_377, %get3A_378] {strides = array<i32>} : memref<104x512xf32, #tpu.memory_space<vmem>>, vector<1x16xf32>,
        %get3A_380 = vector.shape_cast %get3A_379 : vector<1x16xf32> to vector<16xf32>
        %add3A_381 = arith.addf %add3A_351, %get3A_380 : vector<16xf32>
        %get3A_382 = arith.constant 48 : i32
        %get3A_383 = arith.index_cast %get3A_382 : i32 to index
        %get3A_384 = arith.index_cast %mul3A_273 : i32 to index
        %get3A_385 = tpu.vector_load %arg10[%get3A_383, %get3A_384] {strides = array<i32>} : memref<104x512xf32, #tpu.memory_space<vmem>>, vector<1x16xf32>,
        %get3A_386 = vector.shape_cast %get3A_385 : vector<1x16xf32> to vector<16xf32>
        %add3A_387 = arith.addf %add3A_357, %get3A_386 : vector<16xf32>
        %get3A_388 = arith.constant 29 : i32
        %get3A_389 = arith.index_cast %get3A_388 : i32 to index
        %get3A_390 = arith.index_cast %mul3A_273 : i32 to index
        %get3A_391 = tpu.vector_load %arg10[%get3A_389, %get3A_390] {strides = array<i32>} : memref<104x512xf32, #tpu.memory_space<vmem>>, vector<1x16xf32>,
        %get3A_392 = vector.shape_cast %get3A_391 : vector<1x16xf32> to vector<16xf32>
        %add3A_393 = arith.addf %add3A_363, %get3A_392 : vector<16xf32>
        %get3A_394 = arith.constant 34 : i32
        %get3A_395 = arith.index_cast %get3A_394 : i32 to index
        %get3A_396 = arith.index_cast %mul3A_273 : i32 to index
        %get3A_397 = tpu.vector_load %arg10[%get3A_395, %get3A_396] {strides = array<i32>} : memref<104x512xf32, #tpu.memory_space<vmem>>, vector<1x16xf32>,
        %get3A_398 = vector.shape_cast %get3A_397 : vector<1x16xf32> to vector<16xf32>
        %add3A_399 = arith.addf %add3A_369, %get3A_398 : vector<16xf32>
        %get3A_400 = arith.constant 39 : i32
        %get3A_401 = arith.index_cast %get3A_400 : i32 to index
        %get3A_402 = arith.index_cast %mul3A_273 : i32 to index
        %get3A_403 = tpu.vector_load %arg10[%get3A_401, %get3A_402] {strides = array<i32>} : memref<104x512xf32, #tpu.memory_space<vmem>>, vector<1x16xf32>,
        %get3A_404 = vector.shape_cast %get3A_403 : vector<1x16xf32> to vector<16xf32>
        %add3A_405 = arith.addf %add3A_375, %get3A_404 : vector<16xf32>
        %get3A_406 = arith.constant 44 : i32
        %get3A_407 = arith.index_cast %get3A_406 : i32 to index
        %get3A_408 = arith.index_cast %mul3A_273 : i32 to index
        %get3A_409 = tpu.vector_load %arg10[%get3A_407, %get3A_408] {strides = array<i32>} : memref<104x512xf32, #tpu.memory_space<vmem>>, vector<1x16xf32>,
        %get3A_410 = vector.shape_cast %get3A_409 : vector<1x16xf32> to vector<16xf32>
        %add3A_411 = arith.addf %add3A_381, %get3A_410 : vector<16xf32>
        %get3A_412 = arith.constant 49 : i32
        %get3A_413 = arith.index_cast %get3A_412 : i32 to index
        %get3A_414 = arith.index_cast %mul3A_273 : i32 to index
        %get3A_415 = tpu.vector_load %arg10[%get3A_413, %get3A_414] {strides = array<i32>} : memref<104x512xf32, #tpu.memory_space<vmem>>, vector<1x16xf32>,
        %get3A_416 = vector.shape_cast %get3A_415 : vector<1x16xf32> to vector<16xf32>
        %add3A_417 = arith.addf %add3A_387, %get3A_416 : vector<16xf32>
        %add3A_418 = arith.addf %add3A_393, %add3A_399 : vector<16xf32>
        %add3A_419 = arith.addf %add3A_405, %add3A_411 : vector<16xf32>
        %add3A_420 = arith.addf %add3A_418, %add3A_419 : vector<16xf32>
        %add3A_421 = arith.addf %add3A_420, %add3A_417 : vector<16xf32>
        %swap3A = arith.constant 5 : i32
        %swap3A_422 = arith.index_cast %swap3A : i32 to index
        %swap3A_423 = arith.index_cast %mul3A_273 : i32 to index
        %swap3A_424 = tpu.vector_load %arg11[%swap3A_422, %swap3A_423] {strides = array<i32>} : memref<8x512xf32, #tpu.memory_space<vmem>>, vector<1x16xf32>,
        %swap3A_425 = vector.shape_cast %swap3A_424 : vector<1x16xf32> to vector<16xf32>
        %swap3A_426 = vector.shape_cast %add3A_421 : vector<16xf32> to vector<1x16xf32>
        tpu.vector_store %arg11[%swap3A_422, %swap3A_423], %swap3A_426 {strides = array<i32>} : memref<8x512xf32, #tpu.memory_space<vmem>>, vector<1x16xf32>,
        %scan3A_427 = arith.constant 0 : i32
        scf.yield %scan3A_427 : i32
      }
      %scan3A_242 = arith.constant 32 : i32
      %scan3A_243 = arith.constant 0 : i32
      %scan3A_244 = arith.constant 0 : i32
      %scan3A_245 = arith.constant 32 : i32
      %scan3A_246 = arith.addi %scan3A_244, %scan3A_245 : i32
      %scan3A_247 = arith.constant 1 : i32
      %scan3A_248 = scf.for %scan3A_270 = %scan3A_244 to %scan3A_246 step %scan3A_247 iter_args(%scan3A_271 = %scan3A_243) -> (i32)  : i32 {
        %mul3A_272 = arith.constant 16 : i32
        %mul3A_273 = arith.muli %scan3A_270, %mul3A_272 : i32
        %get3A = arith.constant 50 : i32
        %get3A_274 = arith.index_cast %get3A : i32 to index
        %get3A_275 = arith.index_cast %mul3A_273 : i32 to index
        %get3A_276 = tpu.vector_load %arg10[%get3A_274, %get3A_275] {strides = array<i32>} : memref<104x512xf32, #tpu.memory_space<vmem>>, vector<1x16xf32>,
        %get3A_277 = vector.shape_cast %get3A_276 : vector<1x16xf32> to vector<16xf32>
        %get3A_278 = arith.constant 55 : i32
        %get3A_279 = arith.index_cast %get3A_278 : i32 to index
        %get3A_280 = arith.index_cast %mul3A_273 : i32 to index
        %get3A_281 = tpu.vector_load %arg10[%get3A_279, %get3A_280] {strides = array<i32>} : memref<104x512xf32, #tpu.memory_space<vmem>>, vector<1x16xf32>,
        %get3A_282 = vector.shape_cast %get3A_281 : vector<1x16xf32> to vector<16xf32>
        %get3A_283 = arith.constant 60 : i32
        %get3A_284 = arith.index_cast %get3A_283 : i32 to index
        %get3A_285 = arith.index_cast %mul3A_273 : i32 to index
        %get3A_286 = tpu.vector_load %arg10[%get3A_284, %get3A_285] {strides = array<i32>} : memref<104x512xf32, #tpu.memory_space<vmem>>, vector<1x16xf32>,
        %get3A_287 = vector.shape_cast %get3A_286 : vector<1x16xf32> to vector<16xf32>
        %get3A_288 = arith.constant 65 : i32
        %get3A_289 = arith.index_cast %get3A_288 : i32 to index
        %get3A_290 = arith.index_cast %mul3A_273 : i32 to index
        %get3A_291 = tpu.vector_load %arg10[%get3A_289, %get3A_290] {strides = array<i32>} : memref<104x512xf32, #tpu.memory_space<vmem>>, vector<1x16xf32>,
        %get3A_292 = vector.shape_cast %get3A_291 : vector<1x16xf32> to vector<16xf32>
        %get3A_293 = arith.constant 70 : i32
        %get3A_294 = arith.index_cast %get3A_293 : i32 to index
        %get3A_295 = arith.index_cast %mul3A_273 : i32 to index
        %get3A_296 = tpu.vector_load %arg10[%get3A_294, %get3A_295] {strides = array<i32>} : memref<104x512xf32, #tpu.memory_space<vmem>>, vector<1x16xf32>,
        %get3A_297 = vector.shape_cast %get3A_296 : vector<1x16xf32> to vector<16xf32>
        %get3A_298 = arith.constant 51 : i32
        %get3A_299 = arith.index_cast %get3A_298 : i32 to index
        %get3A_300 = arith.index_cast %mul3A_273 : i32 to index
        %get3A_301 = tpu.vector_load %arg10[%get3A_299, %get3A_300] {strides = array<i32>} : memref<104x512xf32, #tpu.memory_space<vmem>>, vector<1x16xf32>,
        %get3A_302 = vector.shape_cast %get3A_301 : vector<1x16xf32> to vector<16xf32>
        %add3A_303 = arith.addf %get3A_277, %get3A_302 : vector<16xf32>
        %get3A_304 = arith.constant 56 : i32
        %get3A_305 = arith.index_cast %get3A_304 : i32 to index
        %get3A_306 = arith.index_cast %mul3A_273 : i32 to index
        %get3A_307 = tpu.vector_load %arg10[%get3A_305, %get3A_306] {strides = array<i32>} : memref<104x512xf32, #tpu.memory_space<vmem>>, vector<1x16xf32>,
        %get3A_308 = vector.shape_cast %get3A_307 : vector<1x16xf32> to vector<16xf32>
        %add3A_309 = arith.addf %get3A_282, %get3A_308 : vector<16xf32>
        %get3A_310 = arith.constant 61 : i32
        %get3A_311 = arith.index_cast %get3A_310 : i32 to index
        %get3A_312 = arith.index_cast %mul3A_273 : i32 to index
        %get3A_313 = tpu.vector_load %arg10[%get3A_311, %get3A_312] {strides = array<i32>} : memref<104x512xf32, #tpu.memory_space<vmem>>, vector<1x16xf32>,
        %get3A_314 = vector.shape_cast %get3A_313 : vector<1x16xf32> to vector<16xf32>
        %add3A_315 = arith.addf %get3A_287, %get3A_314 : vector<16xf32>
        %get3A_316 = arith.constant 66 : i32
        %get3A_317 = arith.index_cast %get3A_316 : i32 to index
        %get3A_318 = arith.index_cast %mul3A_273 : i32 to index
        %get3A_319 = tpu.vector_load %arg10[%get3A_317, %get3A_318] {strides = array<i32>} : memref<104x512xf32, #tpu.memory_space<vmem>>, vector<1x16xf32>,
        %get3A_320 = vector.shape_cast %get3A_319 : vector<1x16xf32> to vector<16xf32>
        %add3A_321 = arith.addf %get3A_292, %get3A_320 : vector<16xf32>
        %get3A_322 = arith.constant 71 : i32
        %get3A_323 = arith.index_cast %get3A_322 : i32 to index
        %get3A_324 = arith.index_cast %mul3A_273 : i32 to index
        %get3A_325 = tpu.vector_load %arg10[%get3A_323, %get3A_324] {strides = array<i32>} : memref<104x512xf32, #tpu.memory_space<vmem>>, vector<1x16xf32>,
        %get3A_326 = vector.shape_cast %get3A_325 : vector<1x16xf32> to vector<16xf32>
        %add3A_327 = arith.addf %get3A_297, %get3A_326 : vector<16xf32>
        %get3A_328 = arith.constant 52 : i32
        %get3A_329 = arith.index_cast %get3A_328 : i32 to index
        %get3A_330 = arith.index_cast %mul3A_273 : i32 to index
        %get3A_331 = tpu.vector_load %arg10[%get3A_329, %get3A_330] {strides = array<i32>} : memref<104x512xf32, #tpu.memory_space<vmem>>, vector<1x16xf32>,
        %get3A_332 = vector.shape_cast %get3A_331 : vector<1x16xf32> to vector<16xf32>
        %add3A_333 = arith.addf %add3A_303, %get3A_332 : vector<16xf32>
        %get3A_334 = arith.constant 57 : i32
        %get3A_335 = arith.index_cast %get3A_334 : i32 to index
        %get3A_336 = arith.index_cast %mul3A_273 : i32 to index
        %get3A_337 = tpu.vector_load %arg10[%get3A_335, %get3A_336] {strides = array<i32>} : memref<104x512xf32, #tpu.memory_space<vmem>>, vector<1x16xf32>,
        %get3A_338 = vector.shape_cast %get3A_337 : vector<1x16xf32> to vector<16xf32>
        %add3A_339 = arith.addf %add3A_309, %get3A_338 : vector<16xf32>
        %get3A_340 = arith.constant 62 : i32
        %get3A_341 = arith.index_cast %get3A_340 : i32 to index
        %get3A_342 = arith.index_cast %mul3A_273 : i32 to index
        %get3A_343 = tpu.vector_load %arg10[%get3A_341, %get3A_342] {strides = array<i32>} : memref<104x512xf32, #tpu.memory_space<vmem>>, vector<1x16xf32>,
        %get3A_344 = vector.shape_cast %get3A_343 : vector<1x16xf32> to vector<16xf32>
        %add3A_345 = arith.addf %add3A_315, %get3A_344 : vector<16xf32>
        %get3A_346 = arith.constant 67 : i32
        %get3A_347 = arith.index_cast %get3A_346 : i32 to index
        %get3A_348 = arith.index_cast %mul3A_273 : i32 to index
        %get3A_349 = tpu.vector_load %arg10[%get3A_347, %get3A_348] {strides = array<i32>} : memref<104x512xf32, #tpu.memory_space<vmem>>, vector<1x16xf32>,
        %get3A_350 = vector.shape_cast %get3A_349 : vector<1x16xf32> to vector<16xf32>
        %add3A_351 = arith.addf %add3A_321, %get3A_350 : vector<16xf32>
        %get3A_352 = arith.constant 72 : i32
        %get3A_353 = arith.index_cast %get3A_352 : i32 to index
        %get3A_354 = arith.index_cast %mul3A_273 : i32 to index
        %get3A_355 = tpu.vector_load %arg10[%get3A_353, %get3A_354] {strides = array<i32>} : memref<104x512xf32, #tpu.memory_space<vmem>>, vector<1x16xf32>,
        %get3A_356 = vector.shape_cast %get3A_355 : vector<1x16xf32> to vector<16xf32>
        %add3A_357 = arith.addf %add3A_327, %get3A_356 : vector<16xf32>
        %get3A_358 = arith.constant 53 : i32
        %get3A_359 = arith.index_cast %get3A_358 : i32 to index
        %get3A_360 = arith.index_cast %mul3A_273 : i32 to index
        %get3A_361 = tpu.vector_load %arg10[%get3A_359, %get3A_360] {strides = array<i32>} : memref<104x512xf32, #tpu.memory_space<vmem>>, vector<1x16xf32>,
        %get3A_362 = vector.shape_cast %get3A_361 : vector<1x16xf32> to vector<16xf32>
        %add3A_363 = arith.addf %add3A_333, %get3A_362 : vector<16xf32>
        %get3A_364 = arith.constant 58 : i32
        %get3A_365 = arith.index_cast %get3A_364 : i32 to index
        %get3A_366 = arith.index_cast %mul3A_273 : i32 to index
        %get3A_367 = tpu.vector_load %arg10[%get3A_365, %get3A_366] {strides = array<i32>} : memref<104x512xf32, #tpu.memory_space<vmem>>, vector<1x16xf32>,
        %get3A_368 = vector.shape_cast %get3A_367 : vector<1x16xf32> to vector<16xf32>
        %add3A_369 = arith.addf %add3A_339, %get3A_368 : vector<16xf32>
        %get3A_370 = arith.constant 63 : i32
        %get3A_371 = arith.index_cast %get3A_370 : i32 to index
        %get3A_372 = arith.index_cast %mul3A_273 : i32 to index
        %get3A_373 = tpu.vector_load %arg10[%get3A_371, %get3A_372] {strides = array<i32>} : memref<104x512xf32, #tpu.memory_space<vmem>>, vector<1x16xf32>,
        %get3A_374 = vector.shape_cast %get3A_373 : vector<1x16xf32> to vector<16xf32>
        %add3A_375 = arith.addf %add3A_345, %get3A_374 : vector<16xf32>
        %get3A_376 = arith.constant 68 : i32
        %get3A_377 = arith.index_cast %get3A_376 : i32 to index
        %get3A_378 = arith.index_cast %mul3A_273 : i32 to index
        %get3A_379 = tpu.vector_load %arg10[%get3A_377, %get3A_378] {strides = array<i32>} : memref<104x512xf32, #tpu.memory_space<vmem>>, vector<1x16xf32>,
        %get3A_380 = vector.shape_cast %get3A_379 : vector<1x16xf32> to vector<16xf32>
        %add3A_381 = arith.addf %add3A_351, %get3A_380 : vector<16xf32>
        %get3A_382 = arith.constant 73 : i32
        %get3A_383 = arith.index_cast %get3A_382 : i32 to index
        %get3A_384 = arith.index_cast %mul3A_273 : i32 to index
        %get3A_385 = tpu.vector_load %arg10[%get3A_383, %get3A_384] {strides = array<i32>} : memref<104x512xf32, #tpu.memory_space<vmem>>, vector<1x16xf32>,
        %get3A_386 = vector.shape_cast %get3A_385 : vector<1x16xf32> to vector<16xf32>
        %add3A_387 = arith.addf %add3A_357, %get3A_386 : vector<16xf32>
        %get3A_388 = arith.constant 54 : i32
        %get3A_389 = arith.index_cast %get3A_388 : i32 to index
        %get3A_390 = arith.index_cast %mul3A_273 : i32 to index
        %get3A_391 = tpu.vector_load %arg10[%get3A_389, %get3A_390] {strides = array<i32>} : memref<104x512xf32, #tpu.memory_space<vmem>>, vector<1x16xf32>,
        %get3A_392 = vector.shape_cast %get3A_391 : vector<1x16xf32> to vector<16xf32>
        %add3A_393 = arith.addf %add3A_363, %get3A_392 : vector<16xf32>
        %get3A_394 = arith.constant 59 : i32
        %get3A_395 = arith.index_cast %get3A_394 : i32 to index
        %get3A_396 = arith.index_cast %mul3A_273 : i32 to index
        %get3A_397 = tpu.vector_load %arg10[%get3A_395, %get3A_396] {strides = array<i32>} : memref<104x512xf32, #tpu.memory_space<vmem>>, vector<1x16xf32>,
        %get3A_398 = vector.shape_cast %get3A_397 : vector<1x16xf32> to vector<16xf32>
        %add3A_399 = arith.addf %add3A_369, %get3A_398 : vector<16xf32>
        %get3A_400 = arith.constant 64 : i32
        %get3A_401 = arith.index_cast %get3A_400 : i32 to index
        %get3A_402 = arith.index_cast %mul3A_273 : i32 to index
        %get3A_403 = tpu.vector_load %arg10[%get3A_401, %get3A_402] {strides = array<i32>} : memref<104x512xf32, #tpu.memory_space<vmem>>, vector<1x16xf32>,
        %get3A_404 = vector.shape_cast %get3A_403 : vector<1x16xf32> to vector<16xf32>
        %add3A_405 = arith.addf %add3A_375, %get3A_404 : vector<16xf32>
        %get3A_406 = arith.constant 69 : i32
        %get3A_407 = arith.index_cast %get3A_406 : i32 to index
        %get3A_408 = arith.index_cast %mul3A_273 : i32 to index
        %get3A_409 = tpu.vector_load %arg10[%get3A_407, %get3A_408] {strides = array<i32>} : memref<104x512xf32, #tpu.memory_space<vmem>>, vector<1x16xf32>,
        %get3A_410 = vector.shape_cast %get3A_409 : vector<1x16xf32> to vector<16xf32>
        %add3A_411 = arith.addf %add3A_381, %get3A_410 : vector<16xf32>
        %get3A_412 = arith.constant 74 : i32
        %get3A_413 = arith.index_cast %get3A_412 : i32 to index
        %get3A_414 = arith.index_cast %mul3A_273 : i32 to index
        %get3A_415 = tpu.vector_load %arg10[%get3A_413, %get3A_414] {strides = array<i32>} : memref<104x512xf32, #tpu.memory_space<vmem>>, vector<1x16xf32>,
        %get3A_416 = vector.shape_cast %get3A_415 : vector<1x16xf32> to vector<16xf32>
        %add3A_417 = arith.addf %add3A_387, %get3A_416 : vector<16xf32>
        %add3A_418 = arith.addf %add3A_393, %add3A_399 : vector<16xf32>
        %add3A_419 = arith.addf %add3A_405, %add3A_411 : vector<16xf32>
        %add3A_420 = arith.addf %add3A_418, %add3A_419 : vector<16xf32>
        %add3A_421 = arith.addf %add3A_420, %add3A_417 : vector<16xf32>
        %swap3A = arith.constant 6 : i32
        %swap3A_422 = arith.index_cast %swap3A : i32 to index
        %swap3A_423 = arith.index_cast %mul3A_273 : i32 to index
        %swap3A_424 = tpu.vector_load %arg11[%swap3A_422, %swap3A_423] {strides = array<i32>} : memref<8x512xf32, #tpu.memory_space<vmem>>, vector<1x16xf32>,
        %swap3A_425 = vector.shape_cast %swap3A_424 : vector<1x16xf32> to vector<16xf32>
        %swap3A_426 = vector.shape_cast %add3A_421 : vector<16xf32> to vector<1x16xf32>
        tpu.vector_store %arg11[%swap3A_422, %swap3A_423], %swap3A_426 {strides = array<i32>} : memref<8x512xf32, #tpu.memory_space<vmem>>, vector<1x16xf32>,
        %scan3A_427 = arith.constant 0 : i32
        scf.yield %scan3A_427 : i32
      }
      %scan3A_249 = arith.constant 32 : i32
      %scan3A_250 = arith.constant 0 : i32
      %scan3A_251 = arith.constant 0 : i32
      %scan3A_252 = arith.constant 32 : i32
      %scan3A_253 = arith.addi %scan3A_251, %scan3A_252 : i32
      %scan3A_254 = arith.constant 1 : i32
      %scan3A_255 = scf.for %scan3A_270 = %scan3A_251 to %scan3A_253 step %scan3A_254 iter_args(%scan3A_271 = %scan3A_250) -> (i32)  : i32 {
        %mul3A_272 = arith.constant 16 : i32
        %mul3A_273 = arith.muli %scan3A_270, %mul3A_272 : i32
        %get3A = arith.constant 75 : i32
        %get3A_274 = arith.index_cast %get3A : i32 to index
        %get3A_275 = arith.index_cast %mul3A_273 : i32 to index
        %get3A_276 = tpu.vector_load %arg10[%get3A_274, %get3A_275] {strides = array<i32>} : memref<104x512xf32, #tpu.memory_space<vmem>>, vector<1x16xf32>,
        %get3A_277 = vector.shape_cast %get3A_276 : vector<1x16xf32> to vector<16xf32>
        %get3A_278 = arith.constant 80 : i32
        %get3A_279 = arith.index_cast %get3A_278 : i32 to index
        %get3A_280 = arith.index_cast %mul3A_273 : i32 to index
        %get3A_281 = tpu.vector_load %arg10[%get3A_279, %get3A_280] {strides = array<i32>} : memref<104x512xf32, #tpu.memory_space<vmem>>, vector<1x16xf32>,
        %get3A_282 = vector.shape_cast %get3A_281 : vector<1x16xf32> to vector<16xf32>
        %get3A_283 = arith.constant 85 : i32
        %get3A_284 = arith.index_cast %get3A_283 : i32 to index
        %get3A_285 = arith.index_cast %mul3A_273 : i32 to index
        %get3A_286 = tpu.vector_load %arg10[%get3A_284, %get3A_285] {strides = array<i32>} : memref<104x512xf32, #tpu.memory_space<vmem>>, vector<1x16xf32>,
        %get3A_287 = vector.shape_cast %get3A_286 : vector<1x16xf32> to vector<16xf32>
        %get3A_288 = arith.constant 90 : i32
        %get3A_289 = arith.index_cast %get3A_288 : i32 to index
        %get3A_290 = arith.index_cast %mul3A_273 : i32 to index
        %get3A_291 = tpu.vector_load %arg10[%get3A_289, %get3A_290] {strides = array<i32>} : memref<104x512xf32, #tpu.memory_space<vmem>>, vector<1x16xf32>,
        %get3A_292 = vector.shape_cast %get3A_291 : vector<1x16xf32> to vector<16xf32>
        %get3A_293 = arith.constant 95 : i32
        %get3A_294 = arith.index_cast %get3A_293 : i32 to index
        %get3A_295 = arith.index_cast %mul3A_273 : i32 to index
        %get3A_296 = tpu.vector_load %arg10[%get3A_294, %get3A_295] {strides = array<i32>} : memref<104x512xf32, #tpu.memory_space<vmem>>, vector<1x16xf32>,
        %get3A_297 = vector.shape_cast %get3A_296 : vector<1x16xf32> to vector<16xf32>
        %get3A_298 = arith.constant 76 : i32
        %get3A_299 = arith.index_cast %get3A_298 : i32 to index
        %get3A_300 = arith.index_cast %mul3A_273 : i32 to index
        %get3A_301 = tpu.vector_load %arg10[%get3A_299, %get3A_300] {strides = array<i32>} : memref<104x512xf32, #tpu.memory_space<vmem>>, vector<1x16xf32>,
        %get3A_302 = vector.shape_cast %get3A_301 : vector<1x16xf32> to vector<16xf32>
        %add3A_303 = arith.addf %get3A_277, %get3A_302 : vector<16xf32>
        %get3A_304 = arith.constant 81 : i32
        %get3A_305 = arith.index_cast %get3A_304 : i32 to index
        %get3A_306 = arith.index_cast %mul3A_273 : i32 to index
        %get3A_307 = tpu.vector_load %arg10[%get3A_305, %get3A_306] {strides = array<i32>} : memref<104x512xf32, #tpu.memory_space<vmem>>, vector<1x16xf32>,
        %get3A_308 = vector.shape_cast %get3A_307 : vector<1x16xf32> to vector<16xf32>
        %add3A_309 = arith.addf %get3A_282, %get3A_308 : vector<16xf32>
        %get3A_310 = arith.constant 86 : i32
        %get3A_311 = arith.index_cast %get3A_310 : i32 to index
        %get3A_312 = arith.index_cast %mul3A_273 : i32 to index
        %get3A_313 = tpu.vector_load %arg10[%get3A_311, %get3A_312] {strides = array<i32>} : memref<104x512xf32, #tpu.memory_space<vmem>>, vector<1x16xf32>,
        %get3A_314 = vector.shape_cast %get3A_313 : vector<1x16xf32> to vector<16xf32>
        %add3A_315 = arith.addf %get3A_287, %get3A_314 : vector<16xf32>
        %get3A_316 = arith.constant 91 : i32
        %get3A_317 = arith.index_cast %get3A_316 : i32 to index
        %get3A_318 = arith.index_cast %mul3A_273 : i32 to index
        %get3A_319 = tpu.vector_load %arg10[%get3A_317, %get3A_318] {strides = array<i32>} : memref<104x512xf32, #tpu.memory_space<vmem>>, vector<1x16xf32>,
        %get3A_320 = vector.shape_cast %get3A_319 : vector<1x16xf32> to vector<16xf32>
        %add3A_321 = arith.addf %get3A_292, %get3A_320 : vector<16xf32>
        %get3A_322 = arith.constant 96 : i32
        %get3A_323 = arith.index_cast %get3A_322 : i32 to index
        %get3A_324 = arith.index_cast %mul3A_273 : i32 to index
        %get3A_325 = tpu.vector_load %arg10[%get3A_323, %get3A_324] {strides = array<i32>} : memref<104x512xf32, #tpu.memory_space<vmem>>, vector<1x16xf32>,
        %get3A_326 = vector.shape_cast %get3A_325 : vector<1x16xf32> to vector<16xf32>
        %add3A_327 = arith.addf %get3A_297, %get3A_326 : vector<16xf32>
        %get3A_328 = arith.constant 77 : i32
        %get3A_329 = arith.index_cast %get3A_328 : i32 to index
        %get3A_330 = arith.index_cast %mul3A_273 : i32 to index
        %get3A_331 = tpu.vector_load %arg10[%get3A_329, %get3A_330] {strides = array<i32>} : memref<104x512xf32, #tpu.memory_space<vmem>>, vector<1x16xf32>,
        %get3A_332 = vector.shape_cast %get3A_331 : vector<1x16xf32> to vector<16xf32>
        %add3A_333 = arith.addf %add3A_303, %get3A_332 : vector<16xf32>
        %get3A_334 = arith.constant 82 : i32
        %get3A_335 = arith.index_cast %get3A_334 : i32 to index
        %get3A_336 = arith.index_cast %mul3A_273 : i32 to index
        %get3A_337 = tpu.vector_load %arg10[%get3A_335, %get3A_336] {strides = array<i32>} : memref<104x512xf32, #tpu.memory_space<vmem>>, vector<1x16xf32>,
        %get3A_338 = vector.shape_cast %get3A_337 : vector<1x16xf32> to vector<16xf32>
        %add3A_339 = arith.addf %add3A_309, %get3A_338 : vector<16xf32>
        %get3A_340 = arith.constant 87 : i32
        %get3A_341 = arith.index_cast %get3A_340 : i32 to index
        %get3A_342 = arith.index_cast %mul3A_273 : i32 to index
        %get3A_343 = tpu.vector_load %arg10[%get3A_341, %get3A_342] {strides = array<i32>} : memref<104x512xf32, #tpu.memory_space<vmem>>, vector<1x16xf32>,
        %get3A_344 = vector.shape_cast %get3A_343 : vector<1x16xf32> to vector<16xf32>
        %add3A_345 = arith.addf %add3A_315, %get3A_344 : vector<16xf32>
        %get3A_346 = arith.constant 92 : i32
        %get3A_347 = arith.index_cast %get3A_346 : i32 to index
        %get3A_348 = arith.index_cast %mul3A_273 : i32 to index
        %get3A_349 = tpu.vector_load %arg10[%get3A_347, %get3A_348] {strides = array<i32>} : memref<104x512xf32, #tpu.memory_space<vmem>>, vector<1x16xf32>,
        %get3A_350 = vector.shape_cast %get3A_349 : vector<1x16xf32> to vector<16xf32>
        %add3A_351 = arith.addf %add3A_321, %get3A_350 : vector<16xf32>
        %get3A_352 = arith.constant 97 : i32
        %get3A_353 = arith.index_cast %get3A_352 : i32 to index
        %get3A_354 = arith.index_cast %mul3A_273 : i32 to index
        %get3A_355 = tpu.vector_load %arg10[%get3A_353, %get3A_354] {strides = array<i32>} : memref<104x512xf32, #tpu.memory_space<vmem>>, vector<1x16xf32>,
        %get3A_356 = vector.shape_cast %get3A_355 : vector<1x16xf32> to vector<16xf32>
        %add3A_357 = arith.addf %add3A_327, %get3A_356 : vector<16xf32>
        %get3A_358 = arith.constant 78 : i32
        %get3A_359 = arith.index_cast %get3A_358 : i32 to index
        %get3A_360 = arith.index_cast %mul3A_273 : i32 to index
        %get3A_361 = tpu.vector_load %arg10[%get3A_359, %get3A_360] {strides = array<i32>} : memref<104x512xf32, #tpu.memory_space<vmem>>, vector<1x16xf32>,
        %get3A_362 = vector.shape_cast %get3A_361 : vector<1x16xf32> to vector<16xf32>
        %add3A_363 = arith.addf %add3A_333, %get3A_362 : vector<16xf32>
        %get3A_364 = arith.constant 83 : i32
        %get3A_365 = arith.index_cast %get3A_364 : i32 to index
        %get3A_366 = arith.index_cast %mul3A_273 : i32 to index
        %get3A_367 = tpu.vector_load %arg10[%get3A_365, %get3A_366] {strides = array<i32>} : memref<104x512xf32, #tpu.memory_space<vmem>>, vector<1x16xf32>,
        %get3A_368 = vector.shape_cast %get3A_367 : vector<1x16xf32> to vector<16xf32>
        %add3A_369 = arith.addf %add3A_339, %get3A_368 : vector<16xf32>
        %get3A_370 = arith.constant 88 : i32
        %get3A_371 = arith.index_cast %get3A_370 : i32 to index
        %get3A_372 = arith.index_cast %mul3A_273 : i32 to index
        %get3A_373 = tpu.vector_load %arg10[%get3A_371, %get3A_372] {strides = array<i32>} : memref<104x512xf32, #tpu.memory_space<vmem>>, vector<1x16xf32>,
        %get3A_374 = vector.shape_cast %get3A_373 : vector<1x16xf32> to vector<16xf32>
        %add3A_375 = arith.addf %add3A_345, %get3A_374 : vector<16xf32>
        %get3A_376 = arith.constant 93 : i32
        %get3A_377 = arith.index_cast %get3A_376 : i32 to index
        %get3A_378 = arith.index_cast %mul3A_273 : i32 to index
        %get3A_379 = tpu.vector_load %arg10[%get3A_377, %get3A_378] {strides = array<i32>} : memref<104x512xf32, #tpu.memory_space<vmem>>, vector<1x16xf32>,
        %get3A_380 = vector.shape_cast %get3A_379 : vector<1x16xf32> to vector<16xf32>
        %add3A_381 = arith.addf %add3A_351, %get3A_380 : vector<16xf32>
        %get3A_382 = arith.constant 98 : i32
        %get3A_383 = arith.index_cast %get3A_382 : i32 to index
        %get3A_384 = arith.index_cast %mul3A_273 : i32 to index
        %get3A_385 = tpu.vector_load %arg10[%get3A_383, %get3A_384] {strides = array<i32>} : memref<104x512xf32, #tpu.memory_space<vmem>>, vector<1x16xf32>,
        %get3A_386 = vector.shape_cast %get3A_385 : vector<1x16xf32> to vector<16xf32>
        %add3A_387 = arith.addf %add3A_357, %get3A_386 : vector<16xf32>
        %get3A_388 = arith.constant 79 : i32
        %get3A_389 = arith.index_cast %get3A_388 : i32 to index
        %get3A_390 = arith.index_cast %mul3A_273 : i32 to index
        %get3A_391 = tpu.vector_load %arg10[%get3A_389, %get3A_390] {strides = array<i32>} : memref<104x512xf32, #tpu.memory_space<vmem>>, vector<1x16xf32>,
        %get3A_392 = vector.shape_cast %get3A_391 : vector<1x16xf32> to vector<16xf32>
        %add3A_393 = arith.addf %add3A_363, %get3A_392 : vector<16xf32>
        %get3A_394 = arith.constant 84 : i32
        %get3A_395 = arith.index_cast %get3A_394 : i32 to index
        %get3A_396 = arith.index_cast %mul3A_273 : i32 to index
        %get3A_397 = tpu.vector_load %arg10[%get3A_395, %get3A_396] {strides = array<i32>} : memref<104x512xf32, #tpu.memory_space<vmem>>, vector<1x16xf32>,
        %get3A_398 = vector.shape_cast %get3A_397 : vector<1x16xf32> to vector<16xf32>
        %add3A_399 = arith.addf %add3A_369, %get3A_398 : vector<16xf32>
        %get3A_400 = arith.constant 89 : i32
        %get3A_401 = arith.index_cast %get3A_400 : i32 to index
        %get3A_402 = arith.index_cast %mul3A_273 : i32 to index
        %get3A_403 = tpu.vector_load %arg10[%get3A_401, %get3A_402] {strides = array<i32>} : memref<104x512xf32, #tpu.memory_space<vmem>>, vector<1x16xf32>,
        %get3A_404 = vector.shape_cast %get3A_403 : vector<1x16xf32> to vector<16xf32>
        %add3A_405 = arith.addf %add3A_375, %get3A_404 : vector<16xf32>
        %get3A_406 = arith.constant 94 : i32
        %get3A_407 = arith.index_cast %get3A_406 : i32 to index
        %get3A_408 = arith.index_cast %mul3A_273 : i32 to index
        %get3A_409 = tpu.vector_load %arg10[%get3A_407, %get3A_408] {strides = array<i32>} : memref<104x512xf32, #tpu.memory_space<vmem>>, vector<1x16xf32>,
        %get3A_410 = vector.shape_cast %get3A_409 : vector<1x16xf32> to vector<16xf32>
        %add3A_411 = arith.addf %add3A_381, %get3A_410 : vector<16xf32>
        %get3A_412 = arith.constant 99 : i32
        %get3A_413 = arith.index_cast %get3A_412 : i32 to index
        %get3A_414 = arith.index_cast %mul3A_273 : i32 to index
        %get3A_415 = tpu.vector_load %arg10[%get3A_413, %get3A_414] {strides = array<i32>} : memref<104x512xf32, #tpu.memory_space<vmem>>, vector<1x16xf32>,
        %get3A_416 = vector.shape_cast %get3A_415 : vector<1x16xf32> to vector<16xf32>
        %add3A_417 = arith.addf %add3A_387, %get3A_416 : vector<16xf32>
        %add3A_418 = arith.addf %add3A_393, %add3A_399 : vector<16xf32>
        %add3A_419 = arith.addf %add3A_405, %add3A_411 : vector<16xf32>
        %add3A_420 = arith.addf %add3A_418, %add3A_419 : vector<16xf32>
        %add3A_421 = arith.addf %add3A_420, %add3A_417 : vector<16xf32>
        %swap3A = arith.constant 7 : i32
        %swap3A_422 = arith.index_cast %swap3A : i32 to index
        %swap3A_423 = arith.index_cast %mul3A_273 : i32 to index
        %swap3A_424 = tpu.vector_load %arg11[%swap3A_422, %swap3A_423] {strides = array<i32>} : memref<8x512xf32, #tpu.memory_space<vmem>>, vector<1x16xf32>,
        %swap3A_425 = vector.shape_cast %swap3A_424 : vector<1x16xf32> to vector<16xf32>
        %swap3A_426 = vector.shape_cast %add3A_421 : vector<16xf32> to vector<1x16xf32>
        tpu.vector_store %arg11[%swap3A_422, %swap3A_423], %swap3A_426 {strides = array<i32>} : memref<8x512xf32, #tpu.memory_space<vmem>>, vector<1x16xf32>,
        %scan3A_427 = arith.constant 0 : i32
        scf.yield %scan3A_427 : i32
      }
      %scan3A_256 = arith.constant 32 : i32
      %lt3A_257 = arith.constant 43 : i32
      %lt3A_258 = arith.cmpi slt, %scan3A_175, %lt3A_257 : i32
      %convert_element_type3A_259 = arith.extui %lt3A_258 : i1 to i32
      %cond3A_260 = arith.constant 0 : i32
      %cond3A_261 = arith.cmpi ne, %convert_element_type3A_259, %cond3A_260 : i32
      scf.if %cond3A_261 {
        %mul3A_270 = arith.constant 2 : i32
        %mul3A_271 = arith.muli %mul3A_270, %scan3A_175 : i32
        %add3A_272 = arith.constant 3 : i32
        %add3A_273 = arith.addi %mul3A_271, %add3A_272 : i32
        %mul3A_274 = arith.constant 104 : i32
        %mul3A_275 = arith.muli %add3A_273, %mul3A_274 : i32
        %dma_start3A_276 = tpu.memref_slice %arg8[%mul3A_275] : memref<9152xi32, #tpu.memory_space<vmem>> -> memref<104xi32, #tpu.memory_space<vmem>>
        %dma_start3A_277 = arith.constant 0 : i32
        %dma_start3A_278 = arith.constant 0 : i32
        %dma_start3A_279 = tpu.memref_slice %arg2[%dma_start3A_277, %dma_start3A_278] : memref<50000x512xf32, #tpu.memory_space<hbm>> -> memref<50000x512xf32, #tpu.memory_space<hbm>>
        tpu.enqueue_indirect_dma source(%dma_start3A_279 : memref<50000x512xf32, #tpu.memory_space<hbm>>) target(%arg10 : memref<104x512xf32, #tpu.memory_space<vmem>>) offsets(%dma_start3A_276 : memref<104xi32, #tpu.memory_space<vmem>>) semaphore(%arg13 : memref<!tpu.dma_semaphore, #tpu.memory_space<semaphore_mem>>)
      } else {
      }
      %mul3A_262 = arith.constant 8 : i32
      %mul3A_263 = arith.muli %mul3A_262, %scan3A_175 : i32
      %add3A_264 = arith.addi %mul3A_2, %mul3A_263 : i32
      %dma_start3A_265 = arith.constant 0 : i32
      %dma_start3A_266 = tpu.memref_slice %arg6[%add3A_264, %dma_start3A_265] : memref<11264x512xf32, #tpu.memory_space<hbm>> -> memref<8x512xf32, #tpu.memory_space<hbm>>
      %dma_start3A_267 = arith.constant 0 : i32
      %dma_start3A_268 = tpu.memref_slice %arg6[%add3A_264, %dma_start3A_267] : memref<11264x512xf32, #tpu.memory_space<hbm>> -> memref<8x512xf32, #tpu.memory_space<hbm>>
      tpu.enqueue_dma source(%arg11 : memref<8x512xf32, #tpu.memory_space<vmem>>) target(%dma_start3A_268 : memref<8x512xf32, #tpu.memory_space<hbm>>) target_semaphore(%arg14 : memref<!tpu.dma_semaphore, #tpu.memory_space<semaphore_mem>>)
      %scan3A_269 = arith.constant 0 : i32
      scf.yield %scan3A_269 : i32
    }
    %scan3A_170 = arith.constant 44 : i32
    %dma_wait3A_171 = arith.constant 0 : i32
    %dma_wait3A_172 = tpu.memref_slice %arg6[%mul3A_2, %dma_wait3A_171] : memref<11264x512xf32, #tpu.memory_space<hbm>> -> memref<8x512xf32, #tpu.memory_space<hbm>>
    %dma_wait3A_173 = arith.constant 0 : i32
    %dma_wait3A_174 = tpu.memref_slice %arg6[%mul3A_2, %dma_wait3A_173] : memref<11264x512xf32, #tpu.memory_space<hbm>> -> memref<8x512xf32, #tpu.memory_space<hbm>>
    tpu.wait_dma2 semaphore(%arg14 : memref<!tpu.dma_semaphore, #tpu.memory_space<semaphore_mem>>) src(%arg11 : memref<8x512xf32, #tpu.memory_space<vmem>>) dst(%dma_wait3A_174 : memref<8x512xf32, #tpu.memory_space<hbm>>)
    return
  }
}

module attributes {stable_mosaic.version = 14 : i64} {
  func.func @body(%arg0: i32, %arg1: memref<128x512xf32, #tpu.memory_space<vmem>>, %arg2: memref<128x512xf32, #tpu.memory_space<vmem>>, %arg3: memref<1280x512xf32, #tpu.memory_space<vmem>>, %arg4: memref<1280x512xf32, #tpu.memory_space<vmem>>, %arg5: memref<512x512xf32, #tpu.memory_space<vmem>>, %arg6: memref<512x512xf32, #tpu.memory_space<vmem>>, %arg7: memref<512x512xf32, #tpu.memory_space<vmem>>, %arg8: memref<512x512xf32, #tpu.memory_space<vmem>>, %arg9: memref<1x512xf32, #tpu.memory_space<vmem>>, %arg10: memref<1x512xf32, #tpu.memory_space<vmem>>, %arg11: memref<128x512xf32, #tpu.memory_space<vmem>>) attributes {dimension_semantics = [#tpu.dimension_semantics<arbitrary>], iteration_bounds = array<i64: 8>, scalar_prefetch = 0 : i64, scratch_operands = 0 : i64, tpu.core_type = #tpu.core_type<tc>, window_params = [{transform_indices = @transform_0, window_bounds = array<i64: 128, 512>}, {transform_indices = @transform_1, window_bounds = array<i64: 128, 512>}, {transform_indices = @transform_2, window_bounds = array<i64: 1280, 512>}, {transform_indices = @transform_3, window_bounds = array<i64: 1280, 512>}, {pipeline_mode = #tpu.pipeline_mode<synchronous>, transform_indices = @transform_4, window_bounds = array<i64: 512, 512>}, {pipeline_mode = #tpu.pipeline_mode<synchronous>, transform_indices = @transform_5, window_bounds = array<i64: 512, 512>}, {pipeline_mode = #tpu.pipeline_mode<synchronous>, transform_indices = @transform_6, window_bounds = array<i64: 512, 512>}, {pipeline_mode = #tpu.pipeline_mode<synchronous>, transform_indices = @transform_7, window_bounds = array<i64: 512, 512>}, {pipeline_mode = #tpu.pipeline_mode<synchronous>, transform_indices = @transform_8, window_bounds = array<i64: 1, 512>}, {pipeline_mode = #tpu.pipeline_mode<synchronous>, transform_indices = @transform_9, window_bounds = array<i64: 1, 512>}, {transform_indices = @transform_10, window_bounds = array<i64: 128, 512>}]} {
    %get3A = arith.constant 0 : index
    %get3A_0 = arith.constant 0 : index
    %get3A_1 = vector.load %arg5[%get3A, %get3A_0] : memref<512x512xf32, #tpu.memory_space<vmem>>, vector<512x512xf32>
    %get3A_2 = arith.constant 0 : index
    %get3A_3 = arith.constant 0 : index
    %get3A_4 = vector.load %arg6[%get3A_2, %get3A_3] : memref<512x512xf32, #tpu.memory_space<vmem>>, vector<512x512xf32>
    %get3A_5 = arith.constant 0 : index
    %get3A_6 = arith.constant 0 : index
    %get3A_7 = vector.load %arg1[%get3A_5, %get3A_6] : memref<128x512xf32, #tpu.memory_space<vmem>>, vector<128x512xf32>
    %dot_general3A = arith.constant dense<0.000000e+00> : vector<128x512xf32>
    %dot_general3A_8 = tpu.matmul %get3A_7, %get3A_1, %dot_general3A {dimension_numbers = #tpu.dot_dimension_numbers<[1], [0], [0], [1], [0, 0, 1, 1], [], []>, transpose_lhs_hint = false} : vector<128x512xf32>, vector<512x512xf32>, vector<128x512xf32> -> vector<128x512xf32>
    %get3A_9 = arith.constant 0 : index
    %get3A_10 = arith.constant 0 : index
    %get3A_11 = vector.load %arg2[%get3A_9, %get3A_10] : memref<128x512xf32, #tpu.memory_space<vmem>>, vector<128x512xf32>
    %mul3A = arith.constant 4.000000e-02 : f32
    %mul3A_12 = vector.broadcast %mul3A : f32 to vector<128x512xf32>
    %mul3A_13 = arith.mulf %get3A_11, %mul3A_12 : vector<128x512xf32>
    %dot_general3A_14 = arith.constant dense<0.000000e+00> : vector<128x512xf32>
    %dot_general3A_15 = tpu.matmul %mul3A_13, %get3A_4, %dot_general3A_14 {dimension_numbers = #tpu.dot_dimension_numbers<[1], [0], [0], [1], [0, 0, 1, 1], [], []>, transpose_lhs_hint = false} : vector<128x512xf32>, vector<512x512xf32>, vector<128x512xf32> -> vector<128x512xf32>
    %add3A = arith.addf %dot_general3A_8, %dot_general3A_15 : vector<128x512xf32>
    %get3A_16 = arith.constant 0 : index
    %get3A_17 = arith.constant 0 : index
    %get3A_18 = vector.load %arg9[%get3A_16, %get3A_17] : memref<1x512xf32, #tpu.memory_space<vmem>>, vector<1x512xf32>
    %add3A_19 = vector.broadcast %get3A_18 : vector<1x512xf32> to vector<128x512xf32>
    %add3A_20 = arith.addf %add3A, %add3A_19 : vector<128x512xf32>
    %max3A = arith.constant 0.000000e+00 : f32
    %max3A_21 = vector.broadcast %max3A : f32 to vector<128x512xf32>
    %max3A_22 = arith.maximumf %add3A_20, %max3A_21 : vector<128x512xf32>
    %mul3A_23 = arith.mulf %max3A_22, %max3A_22 : vector<128x512xf32>
    %reduce_sum3A = arith.constant dense<0.000000e+00> : vector<128xf32>
    %reduce_sum3A_24 = vector.multi_reduction <add>, %mul3A_23, %reduce_sum3A [1] : vector<128x512xf32> to vector<128xf32>
    %broadcast_in_dim3A = vector.shape_cast %reduce_sum3A_24 : vector<128xf32> to vector<128x1xf32>
    %sqrt3A = math.sqrt %broadcast_in_dim3A : vector<128x1xf32>
    %gt3A = arith.constant 0.000000e+00 : f32
    %gt3A_25 = vector.broadcast %gt3A : f32 to vector<128x1xf32>
    %gt3A_26 = arith.cmpf ogt, %sqrt3A, %gt3A_25 : vector<128x1xf32>
    %jit3A = arith.constant 1.000000e+00 : f32
    %broadcast_in_dim3A_27 = vector.broadcast %jit3A : f32 to vector<128x1xf32>
    %select_n3A = arith.select %gt3A_26, %sqrt3A, %broadcast_in_dim3A_27 : vector<128x1xi1>, vector<128x1xf32>
    %div3A = vector.broadcast %select_n3A : vector<128x1xf32> to vector<128x512xf32>
    %div3A_28 = arith.divf %max3A_22, %div3A : vector<128x512xf32>
    %get3A_29 = arith.constant 0 : index
    %get3A_30 = arith.constant 0 : index
    %get3A_31 = vector.load %arg3[%get3A_29, %get3A_30] : memref<1280x512xf32, #tpu.memory_space<vmem>>, vector<1280x512xf32>
    %dot_general3A_32 = arith.constant dense<0.000000e+00> : vector<1280x512xf32>
    %dot_general3A_33 = tpu.matmul %get3A_31, %get3A_1, %dot_general3A_32 {dimension_numbers = #tpu.dot_dimension_numbers<[1], [0], [0], [1], [0, 0, 1, 1], [], []>, transpose_lhs_hint = false} : vector<1280x512xf32>, vector<512x512xf32>, vector<1280x512xf32> -> vector<1280x512xf32>
    %get3A_34 = arith.constant 0 : index
    %get3A_35 = arith.constant 0 : index
    %get3A_36 = vector.load %arg4[%get3A_34, %get3A_35] : memref<1280x512xf32, #tpu.memory_space<vmem>>, vector<1280x512xf32>
    %mul3A_37 = arith.constant 4.000000e-02 : f32
    %mul3A_38 = vector.broadcast %mul3A_37 : f32 to vector<1280x512xf32>
    %mul3A_39 = arith.mulf %get3A_36, %mul3A_38 : vector<1280x512xf32>
    %dot_general3A_40 = arith.constant dense<0.000000e+00> : vector<1280x512xf32>
    %dot_general3A_41 = tpu.matmul %mul3A_39, %get3A_4, %dot_general3A_40 {dimension_numbers = #tpu.dot_dimension_numbers<[1], [0], [0], [1], [0, 0, 1, 1], [], []>, transpose_lhs_hint = false} : vector<1280x512xf32>, vector<512x512xf32>, vector<1280x512xf32> -> vector<1280x512xf32>
    %add3A_42 = arith.addf %dot_general3A_33, %dot_general3A_41 : vector<1280x512xf32>
    %get3A_43 = arith.constant 0 : index
    %get3A_44 = arith.constant 0 : index
    %get3A_45 = vector.load %arg9[%get3A_43, %get3A_44] : memref<1x512xf32, #tpu.memory_space<vmem>>, vector<1x512xf32>
    %add3A_46 = vector.broadcast %get3A_45 : vector<1x512xf32> to vector<1280x512xf32>
    %add3A_47 = arith.addf %add3A_42, %add3A_46 : vector<1280x512xf32>
    %max3A_48 = arith.constant 0.000000e+00 : f32
    %max3A_49 = vector.broadcast %max3A_48 : f32 to vector<1280x512xf32>
    %max3A_50 = arith.maximumf %add3A_47, %max3A_49 : vector<1280x512xf32>
    %mul3A_51 = arith.mulf %max3A_50, %max3A_50 : vector<1280x512xf32>
    %reduce_sum3A_52 = arith.constant dense<0.000000e+00> : vector<1280xf32>
    %reduce_sum3A_53 = vector.multi_reduction <add>, %mul3A_51, %reduce_sum3A_52 [1] : vector<1280x512xf32> to vector<1280xf32>
    %broadcast_in_dim3A_54 = vector.shape_cast %reduce_sum3A_53 : vector<1280xf32> to vector<1280x1xf32>
    %sqrt3A_55 = math.sqrt %broadcast_in_dim3A_54 : vector<1280x1xf32>
    %gt3A_56 = arith.constant 0.000000e+00 : f32
    %gt3A_57 = vector.broadcast %gt3A_56 : f32 to vector<1280x1xf32>
    %gt3A_58 = arith.cmpf ogt, %sqrt3A_55, %gt3A_57 : vector<1280x1xf32>
    %jit3A_59 = arith.constant 1.000000e+00 : f32
    %broadcast_in_dim3A_60 = vector.broadcast %jit3A_59 : f32 to vector<1280x1xf32>
    %select_n3A_61 = arith.select %gt3A_58, %sqrt3A_55, %broadcast_in_dim3A_60 : vector<1280x1xi1>, vector<1280x1xf32>
    %div3A_62 = vector.broadcast %select_n3A_61 : vector<1280x1xf32> to vector<1280x512xf32>
    %div3A_63 = arith.divf %max3A_50, %div3A_62 : vector<1280x512xf32>
    %reshape3A = vector.shape_cast %div3A_63 : vector<1280x512xf32> to vector<128x10x512xf32>
    %reduce_sum3A_64 = arith.constant dense<0.000000e+00> : vector<128x512xf32>
    %reduce_sum3A_65 = vector.multi_reduction <add>, %reshape3A, %reduce_sum3A_64 [1] : vector<128x10x512xf32> to vector<128x512xf32>
    %div3A_66 = arith.constant 1.000000e+01 : f32
    %div3A_67 = vector.broadcast %div3A_66 : f32 to vector<128x512xf32>
    %div3A_68 = arith.divf %reduce_sum3A_65, %div3A_67 : vector<128x512xf32>
    %get3A_69 = arith.constant 0 : index
    %get3A_70 = arith.constant 0 : index
    %get3A_71 = vector.load %arg7[%get3A_69, %get3A_70] : memref<512x512xf32, #tpu.memory_space<vmem>>, vector<512x512xf32>
    %dot_general3A_72 = arith.constant dense<0.000000e+00> : vector<128x512xf32>
    %dot_general3A_73 = tpu.matmul %div3A_28, %get3A_71, %dot_general3A_72 {dimension_numbers = #tpu.dot_dimension_numbers<[1], [0], [0], [1], [0, 0, 1, 1], [], []>, transpose_lhs_hint = false} : vector<128x512xf32>, vector<512x512xf32>, vector<128x512xf32> -> vector<128x512xf32>
    %get3A_74 = arith.constant 0 : index
    %get3A_75 = arith.constant 0 : index
    %get3A_76 = vector.load %arg8[%get3A_74, %get3A_75] : memref<512x512xf32, #tpu.memory_space<vmem>>, vector<512x512xf32>
    %dot_general3A_77 = arith.constant dense<0.000000e+00> : vector<128x512xf32>
    %dot_general3A_78 = tpu.matmul %div3A_68, %get3A_76, %dot_general3A_77 {dimension_numbers = #tpu.dot_dimension_numbers<[1], [0], [0], [1], [0, 0, 1, 1], [], []>, transpose_lhs_hint = false} : vector<128x512xf32>, vector<512x512xf32>, vector<128x512xf32> -> vector<128x512xf32>
    %add3A_79 = arith.addf %dot_general3A_73, %dot_general3A_78 : vector<128x512xf32>
    %get3A_80 = arith.constant 0 : index
    %get3A_81 = arith.constant 0 : index
    %get3A_82 = vector.load %arg10[%get3A_80, %get3A_81] : memref<1x512xf32, #tpu.memory_space<vmem>>, vector<1x512xf32>
    %add3A_83 = vector.broadcast %get3A_82 : vector<1x512xf32> to vector<128x512xf32>
    %add3A_84 = arith.addf %add3A_79, %add3A_83 : vector<128x512xf32>
    %max3A_85 = arith.constant 0.000000e+00 : f32
    %max3A_86 = vector.broadcast %max3A_85 : f32 to vector<128x512xf32>
    %max3A_87 = arith.maximumf %add3A_84, %max3A_86 : vector<128x512xf32>
    %mul3A_88 = arith.mulf %max3A_87, %max3A_87 : vector<128x512xf32>
    %reduce_sum3A_89 = arith.constant dense<0.000000e+00> : vector<128xf32>
    %reduce_sum3A_90 = vector.multi_reduction <add>, %mul3A_88, %reduce_sum3A_89 [1] : vector<128x512xf32> to vector<128xf32>
    %broadcast_in_dim3A_91 = vector.shape_cast %reduce_sum3A_90 : vector<128xf32> to vector<128x1xf32>
    %sqrt3A_92 = math.sqrt %broadcast_in_dim3A_91 : vector<128x1xf32>
    %gt3A_93 = arith.constant 0.000000e+00 : f32
    %gt3A_94 = vector.broadcast %gt3A_93 : f32 to vector<128x1xf32>
    %gt3A_95 = arith.cmpf ogt, %sqrt3A_92, %gt3A_94 : vector<128x1xf32>
    %jit3A_96 = arith.constant 1.000000e+00 : f32
    %broadcast_in_dim3A_97 = vector.broadcast %jit3A_96 : f32 to vector<128x1xf32>
    %select_n3A_98 = arith.select %gt3A_95, %sqrt3A_92, %broadcast_in_dim3A_97 : vector<128x1xi1>, vector<128x1xf32>
    %div3A_99 = vector.broadcast %select_n3A_98 : vector<128x1xf32> to vector<128x512xf32>
    %div3A_100 = arith.divf %max3A_87, %div3A_99 : vector<128x512xf32>
    %swap3A = arith.constant 0 : index
    %swap3A_101 = arith.constant 0 : index
    %swap3A_102 = vector.load %arg11[%swap3A, %swap3A_101] : memref<128x512xf32, #tpu.memory_space<vmem>>, vector<128x512xf32>
    tpu.vector_store %arg11[%swap3A, %swap3A_101], %div3A_100 {strides = array<i32>} : memref<128x512xf32, #tpu.memory_space<vmem>>, vector<128x512xf32>,
    return
  }
  func.func @transform_0(%arg0: i32) -> (i32, i32) {
    %c0_i32 = arith.constant 0 : i32
    %c0_i32_0 = arith.constant 0 : i32
    return %arg0, %c0_i32 : i32, i32
  }
  func.func @transform_1(%arg0: i32) -> (i32, i32) {
    %c0_i32 = arith.constant 0 : i32
    %c0_i32_0 = arith.constant 0 : i32
    return %arg0, %c0_i32 : i32, i32
  }
  func.func @transform_2(%arg0: i32) -> (i32, i32) {
    %c0_i32 = arith.constant 0 : i32
    %c0_i32_0 = arith.constant 0 : i32
    return %arg0, %c0_i32 : i32, i32
  }
  func.func @transform_3(%arg0: i32) -> (i32, i32) {
    %c0_i32 = arith.constant 0 : i32
    %c0_i32_0 = arith.constant 0 : i32
    return %arg0, %c0_i32 : i32, i32
  }
  func.func @transform_4(%arg0: i32) -> (i32, i32) {
    %c0_i32 = arith.constant 0 : i32
    %c0_i32_0 = arith.constant 0 : i32
    %c0_i32_1 = arith.constant 0 : i32
    return %c0_i32, %c0_i32_0 : i32, i32
  }
  func.func @transform_5(%arg0: i32) -> (i32, i32) {
    %c0_i32 = arith.constant 0 : i32
    %c0_i32_0 = arith.constant 0 : i32
    %c0_i32_1 = arith.constant 0 : i32
    return %c0_i32, %c0_i32_0 : i32, i32
  }
  func.func @transform_6(%arg0: i32) -> (i32, i32) {
    %c0_i32 = arith.constant 0 : i32
    %c0_i32_0 = arith.constant 0 : i32
    %c0_i32_1 = arith.constant 0 : i32
    return %c0_i32, %c0_i32_0 : i32, i32
  }
  func.func @transform_7(%arg0: i32) -> (i32, i32) {
    %c0_i32 = arith.constant 0 : i32
    %c0_i32_0 = arith.constant 0 : i32
    %c0_i32_1 = arith.constant 0 : i32
    return %c0_i32, %c0_i32_0 : i32, i32
  }
  func.func @transform_8(%arg0: i32) -> (i32, i32) {
    %c0_i32 = arith.constant 0 : i32
    %c0_i32_0 = arith.constant 0 : i32
    %c0_i32_1 = arith.constant 0 : i32
    return %c0_i32, %c0_i32_0 : i32, i32
  }
  func.func @transform_9(%arg0: i32) -> (i32, i32) {
    %c0_i32 = arith.constant 0 : i32
    %c0_i32_0 = arith.constant 0 : i32
    %c0_i32_1 = arith.constant 0 : i32
    return %c0_i32, %c0_i32_0 : i32, i32
  }
  func.func @transform_10(%arg0: i32) -> (i32, i32) {
    %c0_i32 = arith.constant 0 : i32
    %c0_i32_0 = arith.constant 0 : i32
    return %arg0, %c0_i32 : i32, i32
  }
}

</mosaic_0001>

<sc_bundles>
// kernel: kernel.4.cloned.1.call-start
scs
__scs_entry_jumppad:
0x0: {  	(pc) =	sbr.rel $0x88, $3  }
0x1: {  	(tag) =	ssettag $0x0;
	lr =	simm.s32 $0x1  }
0x2: {  	[smem:$0x3F98] =	sst lr;
	_ =	strace $0xD0000000  }
0x3: {  	_ = 	snop  }
0x4: {  	_ = 	snop  }
0x5: {  	_ = 	snop  }
0x6: {  	_ = 	snop  }
0x7: {  	_ = 	snop  }
__scs_overlays_trampoline_lowered:
0x8: {  	[smem:$0x3FA7] =	sst s0  }
0x9: {  	[smem:$0x3FA8] =	sst s1  }
0xa: {  	[smem:$0x3FA9] =	sst s2  }
0xb: {  	[smem:$0x3FAA] =	sst s3  }
0xc: {  	[smem:$0x3FAB] =	sst s4  }
0xd: {  	[smem:$0x3FAC] =	sst s5  }
0xe: {  	[smem:$0x3FAD] =	sst s6  }
0xf: {  	[smem:$0x3FAE] =	sst s7  }
0x10: {  	[smem:$0x3FAF] =	sst s8  }
0x11: {  	[smem:$0x3FB0] =	sst s9;
	s0 =	simm.s32 @!p0 $0x0  }
0x12: {  	s1 =	sld [smem:$0x3F96];
	s0 =	simm.s32 @p0 $0x1  }
0x13: {  	[smem:$0x3FB1] =	sst s0;
	s0 =	simm.s32 @!p1 $0x0  }
0x14: {  	s2 =	sld [smem:$0x3F95];
	s0 =	simm.s32 @p1 $0x1  }
0x15: {  	[smem:$0x3FB2] =	sst s0;
	s0 =	simm.s32 @!p2 $0x0  }
0x16: {  	s3 =	sld [smem:$0x3FDB];
	s0 =	simm.s32 @p2 $0x1  }
0x17: {  	s4 =	simm.s32 $0x1BF5;
	[smem:$0x3FB4] =	sst s0  }
0x18: {  	s0 =	sld [smem:$0x3F97];
	_ =	swait.ge [sflag:s4], $0x0  }
0x19: {  	s7 =	sld [smem:$0x3F98]  }
0x1a: {  	s8 =	sadd.s32 $0xFFFFE003, lr  }
0x1b: {  	s9 =	sadd.s32 $0xFFFFFEF7, lr;
	s5 =	simm.s32 $0xFFFFFFFF;
	p2 =	slt.u32 s8, $0xFFFFF086  }
0x1c: {  	p1 =	slt.u32 s9, $0xF7A;
	s5 =	simm.s32 @!p2 $0x0  }
0x1d: {  	s5 =	simm.s32 @p1 $0x1;
	p0 =	seq.s32 s7, s2  }
0x1e: {  	s7 =	smul.u32 @!p0 $0xF7A, s2;
	p2 =	seq.s32 @!p0 s5, $0x0  }
0x1f: {  	s9 =	smul.u32 $0xF7A, s1;
	s8 =	simm.s32 @!p0 $0x1BF5;
	p2 =	por !p2, p0  }
0x20: {  	[sflag:s8] =	ssyncset.s32 @!p0 $0xFFFFF086;
	s6 =	sadd.s32 @!p0 s3, s7;
	s7 =	simm.s32 @!p0 $0x108  }
0x21: {  	s3 =	sadd.s32 s3, s9;
	s6 =	sadd.s32 @!p0 $0x88, s6;
	s7 =	simm.s32 @p2 $0x1082  }
0x22: {  	[simem:s7], [sflag:s8] =	dma.local @!p0 [hbm:s6], $0xF7A  }
0x23: {  	s9 =	sor.u32 $0xD0000000, s2;
	s6 =	simm.s32 $0x108;
	_ =	swait.ge @!p0 [sflag:s8], $0x0  }
0x24: {  	s3 =	sadd.s32 $0x88, s3;
	s6 =	simm.s32 @!p1 $0x1082;
	[sflag:s4] =	ssyncset.s32 $0xFFFFF086  }
0x25: {  	[simem:s6], [sflag:s4] =	dma.local [hbm:s3], $0xF7A  }
0x26: {  	[smem:$0x3F98] =	sst s1;
	(tag) =	ssettag s2;
	_ =	strace s9  }
0x27: {  	s1 =	sld [smem:$0x3FA8]  }
0x28: {  	s2 =	sld [smem:$0x3FA9]  }
0x29: {  	s4 =	sld [smem:$0x3FAB]  }
0x2a: {  	p0 =	seq.s32 s5, $0x0;
	s5 =	sld [smem:$0x3FAC]  }
0x2b: {  	s6 =	sld [smem:$0x3FAD]  }
0x2c: {  	s7 =	sld [smem:$0x3FAE]  }
0x2d: {  	s3 =	simm.s32 $0x108;
	s8 =	sld [smem:$0x3FAF]  }
0x2e: {  	s3 =	simm.s32 @!p0 $0x1082;
	s9 =	sld [smem:$0x3FB0]  }
0x2f: {  	lr =	sadd.s32 s0, s3;
	s0 =	sld [smem:$0x3FA7]  }
0x30: {  	s3 =	sld [smem:$0x3FAA]  }
0x31: {  	[smem:$0x3FB3] =	sst s10  }
0x32: {  	s10 =	sld [smem:$0x3FB1];
	_ =	sdelay $0x3  }
0x33: {  	p0 =	seq.s32 s10, $0x1;
	s10 =	sld [smem:$0x3FB3];
	_ =	sdelay $0x3  }
0x34: {  	[smem:$0x3FB3] =	sst s10  }
0x35: {  	s10 =	sld [smem:$0x3FB2];
	_ =	sdelay $0x3  }
0x36: {  	p1 =	seq.s32 s10, $0x1;
	s10 =	sld [smem:$0x3FB3];
	_ =	sdelay $0x3  }
0x37: {  	[smem:$0x3FB3] =	sst s10  }
0x38: {  	s10 =	sld [smem:$0x3FB4]  }
0x39: {  	_ = 	snop;
	(pc) =	sbr.ind lr, $3  }
0x3a: {  	_ = 	snop  }
0x3b: {  	_ = 	snop  }
0x3c: {  	p2 =	seq.s32 s10, $0x1;
	s10 =	sld [smem:$0x3FB3]  }
0x3d: {  	_ =	shalt  }
0x3e: {  	_ =	shalt  }
0x3f: {  	_ =	shalt  }
0x40: {  	_ =	shalt  }
0x41: {  	_ =	shalt  }
0x42: {  	_ =	shalt  }
0x43: {  	_ =	shalt  }
0x44: {  	_ =	shalt  }
0x45: {  	_ =	shalt  }
0x46: {  	_ =	shalt  }
0x47: {  	_ =	shalt  }
0x48: {  	_ =	shalt  }
0x49: {  	_ =	shalt  }
0x4a: {  	_ =	shalt  }
0x4b: {  	_ =	shalt  }
0x4c: {  	_ =	shalt  }
0x4d: {  	_ =	shalt  }
0x4e: {  	_ =	shalt  }
0x4f: {  	_ =	shalt  }
0x50: {  	_ =	shalt  }
0x51: {  	_ =	shalt  }
0x52: {  	_ =	shalt  }
0x53: {  	_ =	shalt  }
0x54: {  	_ =	shalt  }
0x55: {  	_ =	shalt  }
0x56: {  	_ =	shalt  }
0x57: {  	_ =	shalt  }
0x58: {  	_ =	shalt  }
0x59: {  	_ =	shalt  }
0x5a: {  	_ =	shalt  }
0x5b: {  	_ =	shalt  }
0x5c: {  	_ =	shalt  }
0x5d: {  	_ =	shalt  }
0x5e: {  	_ =	shalt  }
0x5f: {  	_ =	shalt  }
0x60: {  	_ =	shalt  }
0x61: {  	_ =	shalt  }
0x62: {  	_ =	shalt  }
0x63: {  	_ =	shalt  }
0x64: {  	_ =	shalt  }
0x65: {  	_ =	shalt  }
0x66: {  	_ =	shalt  }
0x67: {  	_ =	shalt  }
0x68: {  	_ =	shalt  }
0x69: {  	_ =	shalt  }
0x6a: {  	_ =	shalt  }
0x6b: {  	_ =	shalt  }
0x6c: {  	_ =	shalt  }
0x6d: {  	_ =	shalt  }
0x6e: {  	_ =	shalt  }
0x6f: {  	_ =	shalt  }
0x70: {  	_ =	shalt  }
0x71: {  	_ =	shalt  }
0x72: {  	_ =	shalt  }
0x73: {  	_ =	shalt  }
0x74: {  	_ =	shalt  }
0x75: {  	_ =	shalt  }
0x76: {  	_ =	shalt  }
0x77: {  	_ =	shalt  }
0x78: {  	_ =	shalt  }
0x79: {  	_ =	shalt  }
0x7a: {  	_ =	shalt  }
0x7b: {  	_ =	shalt  }
0x7c: {  	_ =	shalt  }
0x7d: {  	_ =	shalt  }
0x7e: {  	_ =	shalt  }
0x7f: {  	_ =	shalt  }
0x80: {  	_ =	shalt  }
0x81: {  	_ =	shalt  }
0x82: {  	_ =	shalt  }
0x83: {  	_ =	shalt  }
0x84: {  	_ =	shalt  }
0x85: {  	_ =	shalt  }
0x86: {  	_ =	shalt  }
0x87: {  	_ =	shalt  }
.Lfunc_end0:
.L_simem_size_0:
called_computation_lowered:
.L_overlay_start_0:
0x88: {  	s2 =	sld [smem:$0x3FD9]  }
0x89: {  	s3 =	sld [smem:$0x3FFE];
	_ =	sdelay $0x1  }
0x8a: {  	s1 =	srdreg.scid  }
0x8b: {  	s0 =	sand.u32 $0x1, s1  }
0x8c: {  	s17 =	sshll.u32 s0, $0xA;
	s2 =	sadd.s32 s3, s2  }
0x8d: {  	s2 =	sadd.s32 s2, s17  }
0x8e: {  	[smem:$0x3FBF] =	sst s2  }
0x8f: {  	_ = 	snop  }
0x90: {  	s2 =	sld [smem:$0x3FC9]  }
0x91: {  	s18 =	sld [smem:$0x3FD0];
	(tm) =	ssettm $0x1  }
0x92: {  	s4 =	sld [smem:$0x3FFB];
	_ =	sdelay $0x3  }
0x93: {  	_ =	strace s4  }
0x94: {  	s4 =	sld [smem:$0x3FFC];
	_ =	sdelay $0x3  }
0x95: {  	_ =	strace s4  }
0x96: {  	s4 =	sld [smem:$0x3FFD];
	_ =	sdelay $0x3  }
0x97: {  	_ =	strace s4  }
0x98: {  	_ =	strace $0x8FFFFFFF  }
0x99: {  	s19 =	sld [smem:$0x3FDB];
	_ =	sdelay $0x1  }
0x9a: {  	s5 =	simm.s32 $_scs_section_size  }
0x9b: {  	s6 =	simm.s32 $_size__tile_overlayer_lowered;
	s7 =	simm.s32 $_tile_overlayer_lowered  }
0x9c: {  	s22 =	simm.s32 $0x1BFF;
	s21 =	sshll.u32 s7, $0x1;
	s4 =	sadd.s32 s5, s19  }
0x9d: {  	s8 =	simm.s32 $0x0;
	s20 =	sshll.u32 s6, $0x1;
	s6 =	sadd.s32 s21, s4  }
0x9e: {  	[timem:s8], [sflag:s22] =	dma.local [hbm:s6], s20  }
0x9f: {  	_ =	swait.ge [sflag:s22], s20  }
0xa0: {  	s5 =	ssub.s32 $0x0, s20;
	[sflag:s22] =	ssyncset.done $0x0  }
0xa1: {  	[sflag:s22] =	ssyncadd.s32 s5;
	_ =	sdelay $0x1  }
0xa2: {  	s23 =	simm.s32 $0x1B8B  }
0xa3: {  	_ =	swait.ge [sflag:s23], $0x1  }
0xa4: {  	[sflag:s23] =	ssyncset.done $0x0  }
0xa5: {  	s25 =	simm.s32 $0x1B8E;
	s24 =	sld [smem:$0x3FFE];
	[sflag:s23] =	ssyncadd.s32 $0xFFFFFFFF  }
0xa6: {  	s26 =	simm.s32 $execute0_lowered;
	[smem:$0x3FD2] =	sst s25  }
0xa7: {  	s6 =	sshll.u32 s26, $0x1;
	_ =	strace $0x80000046;
	[dreg:$0x1] =	wrdreg $0xFFFFFFFF  }
0xa8: {  	s28 =	simm.s32 $_size_execute0_lowered;
	s4 =	sadd.s32 s4, s6;
	[dreg:$0x0] =	wrdreg $0x0  }
0xa9: {  	s6 =	sshll.u32 s28, $0x1;
	[dreg:$0x2] =	wrdreg s4  }
0xaa: {  	[dreg:$0x3] =	wrdreg s6  }
0xab: {  	[dreg:$0x4] =	wrdreg $0xC0  }
0xac: {  	_ =	task [dreg:s8], $0x5FFFF  }
0xad: {  	[dreg:$0x1] =	wrdreg $0xFFFFFFFF  }
0xae: {  	[dreg:$0x0] =	wrdreg $0x60  }
0xaf: {  	[dreg:$0x2] =	wrdreg s2  }
0xb0: {  	[dreg:$0x3] =	wrdreg s24  }
0xb1: {  	[dreg:$0x4] =	wrdreg s18  }
0xb2: {  	[dreg:$0x5] =	wrdreg $0x9  }
0xb3: {  	_ =	task.clear_ibuf [dreg:s8], $0x6FFFF;
	_ =	strace $0x90000046  }
0xb4: {  	s29 =	simm.s32 $0x9;
	_ =	strace $0x80000048  }
0xb5: {  	_ =	swait.ge [sflag:s29], $0x1  }
0xb6: {  	[sflag:s29] =	ssyncadd.s32 $0xFFFFFFFF  }
0xb7: {  	_ =	strace $0x90000048  }
0xb8: {  	_ =	sfence  }
0xb9: {  	s30 =	sld [smem:$0x0];
	_ =	sdelay $0x2  }
0xba: {  	s31 =	sshll.u32 s1, $0xD;
	s1 =	sshrl.u32 s1, $0x2  }
0xbb: {  	s3 =	sand.u32 $0x4000, s31;
	s1 =	sadd.s32 s1, s30  }
0xbc: {  	s0 =	sor.u32 s3, s0;
	s1 =	sshll.u32 s1, $0x11  }
0xbd: {  	s0 =	sor.u32 s1, s0  }
0xbe: {  	s0 =	sadd.s32 $0x8F2B, s0  }
0xbf: {  	[sflag:s0] =	ssyncadd.remote.s32 $0x1  }
0xc0: {  	_ =	sfence.sel $0xFFFF  }
0xc1: {  	[dreg:$0x0] =	wrdreg $0xFFFFFFFF;
	(pc) =	sbr.abs _section_cstart, $3  }
0xc2: {  	[dreg:$0x1] =	wrdreg $0xFFFFFFFF  }
0xc3: {  	_ =	task.clear_ibuf [dreg:s8], $0x2FFFF;
	_ =	strace $0x9FFFFFFF  }
0xc4: {  	(tm) =	ssettm $0x7FFFFFFF  }
0xc5: {  	_ =	shalt  }
tec
execute0_lowered:
.L_overlay_start_1:
0x0: {  	(tag) =	ssettag $0x1  }
0x1: {  	s1 =	rddreg [dreg:$0x0]  }
0x2: {  	s0 =	srdreg.scid;
	s3 =	stileid.u32  }
0x3: {  	s2 =	rddreg [dreg:$0x1];
	s0 =	sand.u32 $0x1, s0;
	s3 =	sshll.u32 s3, $0x1  }
0x4: {  	s6 =	rddreg [dreg:$0x2];
	s7 =	sor.u32 s0, s3  }
0x5: {  	s9 =	sadd.s32 $0x3600, s2;
	s5 =	sadd.s32 $0xB3600, s2;
	s4 =	smul.u32 $0x2C, s7  }
0x6: {  	s3 =	simm.s32 $0x0;
	s0 =	ssub.s32 $0x2, s0;
	s10 =	smul.u32 $0x2C000, s7  }
0x7: {  	[smem:$0x7FF] =	sst s3;
	s24 =	sshrl.u32 s0, $0x1;
	s11 =	smul.u32 $0x478, s7  }
0x8: {  	s25 =	smul.u32 $0x5800, s7;
	s7 =	simm.s32 $0x1;
	_ =	strace $0x80000047  }
0x9: {  	s0 =	ssub.s32 s0, s24;
	s8 =	sadd.s32 s4, s2;
	s6 =	sadd.s32 s6, s11  }
0xa: {  	s26 =	sshrl.u32 s10, $0x3;
	s2 =	sadd.s32 s9, s25;
	[dreg:$0x5] =	wrdreg s6  }
0xb: {  	s0 =	smax.u32 s0, $0x1;
	s8 =	sadd.s32 $0x3000, s8;
	[dreg:$0x6] =	wrdreg s2  }
.Ltmp0:
0xc: {  	s28 =	sadd.s32 s9, s26;
	[dreg:$0xa] =	wrdreg s0;
	(pc) =	sbr.rel .LBB2_1-.Ltmp0, $4  }
0xd: {  	s11 =	simm.s32 $0x2580;
	[dreg:$0x4] =	wrdreg s8;
	s29 =	sadd.s32 $0x1600, s28  }
0xe: {  	v2 =	vlaneseq.u32;
	s10 =	simm.s32 $0x1C580;
	s30 =	sadd.s32 $0x2C00, s28;
	[dreg:$0x7] =	wrdreg s29  }
0xf: {  	vm0 =	vmmov $0xffff;
	v1 =	vshrl.u32 v2, $0x3;
	s9 =	simm.s32 $0x2;
	s31 =	sadd.s32 $0x4200, s28;
	[dreg:$0x8] =	wrdreg s30  }
0x10: {  	v0 =	vand.u32 $0x7, v2;
	v2 =	vor.u32 $0x8, v2;
	v1 =	vmul.u32 $0x8, v1;
	s2 =	simm.s32 $0x0;
	s8 =	sadd.s32 $0x100, s1;
	[dreg:$0x9] =	wrdreg s31  }
.LBB2_23:
0x11: {  	s0 =	simm.s32 $0x3  }
0x12: {  	_ =	swait.ge [sflag:s0], $0x1000  }
0x13: {  	s2 =	rddreg [dreg:$0xb]  }
0x14: {  	s12 =	rddreg [dreg:$0xa];
	s2 =	sadd.s32 $0x1, s2  }
0x15: {  	p0 =	sne.s32 s2, s12  }
.Ltmp1:
0x16: {  	_ = 	snop;
	(pc) =	sbr.rel @!p0 .LBB2_24-.Ltmp1, $3  }
0x17: {  	_ =	sdelay $0x1  }
0x18: {  	[sflag:s0] =	ssyncset.done $0x0  }
0x19: {  	[sflag:s0] =	ssyncadd.s32 $0xFFFFF000  }
.LBB2_1:
0x1a: {  	[dreg:$0xb] =	wrdreg s2  }
0x1b: {  	s12 =	rddreg [dreg:$0x4];
	s13 =	simm.s32 $0x5  }
0x1c: {  	[tilespmem:s3], [sflag:$0x5] =	stream.linear.gather [hbm4b:s12+s3], $0x160, $0x38;
	[tilespmem:$0x1D580] =	vst v63  }
0x1d: {  	_ =	swait.ge [sflag:s13], $0x160  }
0x1e: {  	[sflag:s13] =	ssyncset.done $0x0  }
0x1f: {  	s14 =	simm.s32 $0x180;
	s0 =	rddreg [dreg:$0x5];
	[sflag:s13] =	ssyncadd.s32 $0xFFFFFEA0  }
0x20: {  	[tilespmem:s14], [sflag:$0x5] =	stream.linear.gather [hbm4b:s0+s3], $0x23C0, $0x38;
	[tilespmem:$0x1D580] =	vst v63  }
0x21: {  	_ =	swait.ge [sflag:s13], $0x23C0  }
0x22: {  	[sflag:s13] =	ssyncset.done $0x0  }
0x23: {  	[sflag:s13] =	ssyncadd.s32 $0xFFFFDC40  }
0x24: {  	v3 =	vld [tilespmem:$0x0];
	_ =	sdelay $0x4  }
0x25: {  	v4 =	vshll.u32 v3, $0x2  }
0x26: {  	v3 =	vand.u32 $0x7, v3;
	v4 =	vand.u32 $0xFFFFFFE0, v4  }
0x27: {  	v3 =	vor.u32 v3, v4  }
0x28: {  	v4 =	vperm.xlane v3, v0;
	_ =	sdelay $0x1  }
0x29: {  	v4 =	vadd.s32 v1, v4;
	_ =	sdelay $0x1  }
0x2a: {  	v3 =	vperm.xlane v3, v2;
	_ =	sdelay $0x1  }
0x2b: {  	v3 =	vadd.s32 v1, v3  }
0x2c: {  	[tilespmem:s11], [sflag:$0x1] =	stream.indirect_vreg.gather [hbm4b:s1+s3], $0x80, v4, vm0, $0xb8;
	[tilespmem:$0x1D580] =	vst v63  }
0x2d: {  	s13 =	simm.s32 $0x2D80  }
0x2e: {  	[tilespmem:s13], [sflag:$0x1] =	stream.indirect_vreg.gather [hbm4b:s8+s3], $0x80, v4, vm0, $0xb8;
	[tilespmem:$0x1D580] =	vst v63  }
0x2f: {  	s14 =	simm.s32 $0x3580  }
0x30: {  	[tilespmem:s14], [sflag:$0x1] =	stream.indirect_vreg.gather [hbm4b:s1+s3], $0x80, v3, vm0, $0xb8;
	[tilespmem:$0x1D580] =	vst v63  }
0x31: {  	s17 =	simm.s32 $0x3D80  }
0x32: {  	[tilespmem:s17], [sflag:$0x1] =	stream.indirect_vreg.gather [hbm4b:s8+s3], $0x80, v3, vm0, $0xb8;
	[tilespmem:$0x1D580] =	vst v63  }
0x33: {  	v3 =	vld [tilespmem:$0x10];
	_ =	sdelay $0x4  }
0x34: {  	v27 =	vshll.u32 v3, $0x2  }
0x35: {  	v3 =	vand.u32 $0x7, v3;
	v4 =	vand.u32 $0xFFFFFFE0, v27  }
0x36: {  	v3 =	vor.u32 v3, v4  }
0x37: {  	v4 =	vperm.xlane v3, v0;
	_ =	sdelay $0x1  }
0x38: {  	v4 =	vadd.s32 v1, v4;
	_ =	sdelay $0x1  }
0x39: {  	v3 =	vperm.xlane v3, v2;
	_ =	sdelay $0x1  }
0x3a: {  	s18 =	simm.s32 $0x4580;
	v3 =	vadd.s32 v1, v3  }
0x3b: {  	[tilespmem:s18], [sflag:$0x1] =	stream.indirect_vreg.gather [hbm4b:s1+s3], $0x80, v4, vm0, $0xb8;
	[tilespmem:$0x1D580] =	vst v63  }
0x3c: {  	s19 =	simm.s32 $0x4D80  }
0x3d: {  	[tilespmem:s19], [sflag:$0x1] =	stream.indirect_vreg.gather [hbm4b:s8+s3], $0x80, v4, vm0, $0xb8;
	[tilespmem:$0x1D580] =	vst v63  }
0x3e: {  	s20 =	simm.s32 $0x5580  }
0x3f: {  	[tilespmem:s20], [sflag:$0x1] =	stream.indirect_vreg.gather [hbm4b:s1+s3], $0x80, v3, vm0, $0xb8;
	[tilespmem:$0x1D580] =	vst v63  }
0x40: {  	s21 =	simm.s32 $0x5D80  }
0x41: {  	[tilespmem:s21], [sflag:$0x1] =	stream.indirect_vreg.gather [hbm4b:s8+s3], $0x80, v3, vm0, $0xb8;
	[tilespmem:$0x1D580] =	vst v63  }
0x42: {  	v3 =	vld [tilespmem:$0x20];
	_ =	sdelay $0x4  }
0x43: {  	v28 =	vshll.u32 v3, $0x2  }
0x44: {  	v3 =	vand.u32 $0x7, v3;
	v4 =	vand.u32 $0xFFFFFFE0, v28  }
0x45: {  	v3 =	vor.u32 v3, v4  }
0x46: {  	v4 =	vperm.xlane v3, v0;
	_ =	sdelay $0x1  }
0x47: {  	v4 =	vadd.s32 v1, v4;
	_ =	sdelay $0x1  }
0x48: {  	v3 =	vperm.xlane v3, v2;
	_ =	sdelay $0x1  }
0x49: {  	s22 =	simm.s32 $0x6580;
	v3 =	vadd.s32 v1, v3  }
0x4a: {  	[tilespmem:s22], [sflag:$0x1] =	stream.indirect_vreg.gather [hbm4b:s1+s3], $0x80, v4, vm0, $0xb8;
	[tilespmem:$0x1D580] =	vst v63  }
0x4b: {  	s31 =	simm.s32 $0x6D80  }
0x4c: {  	[tilespmem:s31], [sflag:$0x1] =	stream.indirect_vreg.gather [hbm4b:s8+s3], $0x80, v4, vm0, $0xb8;
	[tilespmem:$0x1D580] =	vst v63  }
0x4d: {  	s6 =	simm.s32 $0x7580  }
0x4e: {  	[tilespmem:s6], [sflag:$0x1] =	stream.indirect_vreg.gather [hbm4b:s1+s3], $0x80, v3, vm0, $0xb8;
	[tilespmem:$0x1D580] =	vst v63  }
0x4f: {  	s0 =	simm.s32 $0x7D80  }
0x50: {  	[tilespmem:s0], [sflag:$0x1] =	stream.indirect_vreg.gather [hbm4b:s8+s3], $0x80, v3, vm0, $0xb8;
	[tilespmem:$0x1D580] =	vst v63  }
0x51: {  	v3 =	vld [tilespmem:$0x30];
	_ =	sdelay $0x4  }
0x52: {  	v29 =	vshll.u32 v3, $0x2  }
0x53: {  	v3 =	vand.u32 $0x7, v3;
	v4 =	vand.u32 $0xFFFFFFE0, v29  }
0x54: {  	v3 =	vor.u32 v3, v4  }
0x55: {  	v4 =	vperm.xlane v3, v0;
	_ =	sdelay $0x1  }
0x56: {  	v4 =	vadd.s32 v1, v4;
	_ =	sdelay $0x1  }
0x57: {  	v3 =	vperm.xlane v3, v2;
	_ =	sdelay $0x1  }
0x58: {  	s15 =	simm.s32 $0x8580;
	v3 =	vadd.s32 v1, v3  }
0x59: {  	[tilespmem:s15], [sflag:$0x1] =	stream.indirect_vreg.gather [hbm4b:s1+s3], $0x80, v4, vm0, $0xb8;
	[tilespmem:$0x1D580] =	vst v63  }
0x5a: {  	s11 =	simm.s32 $0x8D80  }
0x5b: {  	[tilespmem:s11], [sflag:$0x1] =	stream.indirect_vreg.gather [hbm4b:s8+s3], $0x80, v4, vm0, $0xb8;
	[tilespmem:$0x1D580] =	vst v63  }
0x5c: {  	s24 =	simm.s32 $0x9580  }
0x5d: {  	[tilespmem:s24], [sflag:$0x1] =	stream.indirect_vreg.gather [hbm4b:s1+s3], $0x80, v3, vm0, $0xb8;
	[tilespmem:$0x1D580] =	vst v63  }
0x5e: {  	s23 =	simm.s32 $0x9D80  }
0x5f: {  	[tilespmem:s23], [sflag:$0x1] =	stream.indirect_vreg.gather [hbm4b:s8+s3], $0x80, v3, vm0, $0xb8;
	[tilespmem:$0x1D580] =	vst v63  }
0x60: {  	v3 =	vld [tilespmem:$0x40];
	_ =	sdelay $0x4  }
0x61: {  	v30 =	vshll.u32 v3, $0x2  }
0x62: {  	v3 =	vand.u32 $0x7, v3;
	v4 =	vand.u32 $0xFFFFFFE0, v30  }
0x63: {  	v3 =	vor.u32 v3, v4  }
0x64: {  	v4 =	vperm.xlane v3, v0;
	_ =	sdelay $0x1  }
0x65: {  	v4 =	vadd.s32 v1, v4;
	_ =	sdelay $0x1  }
0x66: {  	v3 =	vperm.xlane v3, v2;
	_ =	sdelay $0x1  }
0x67: {  	s26 =	simm.s32 $0xA580;
	v3 =	vadd.s32 v1, v3  }
0x68: {  	[tilespmem:s26], [sflag:$0x1] =	stream.indirect_vreg.gather [hbm4b:s1+s3], $0x80, v4, vm0, $0xb8;
	[tilespmem:$0x1D580] =	vst v63  }
0x69: {  	s25 =	simm.s32 $0xAD80  }
0x6a: {  	[tilespmem:s25], [sflag:$0x1] =	stream.indirect_vreg.gather [hbm4b:s8+s3], $0x80, v4, vm0, $0xb8;
	[tilespmem:$0x1D580] =	vst v63  }
0x6b: {  	s29 =	simm.s32 $0xB580  }
0x6c: {  	[tilespmem:s29], [sflag:$0x1] =	stream.indirect_vreg.gather [hbm4b:s1+s3], $0x80, v3, vm0, $0xb8;
	[tilespmem:$0x1D580] =	vst v63  }
0x6d: {  	s28 =	simm.s32 $0xBD80  }
0x6e: {  	[tilespmem:s28], [sflag:$0x1] =	stream.indirect_vreg.gather [hbm4b:s8+s3], $0x80, v3, vm0, $0xb8;
	[tilespmem:$0x1D580] =	vst v63  }
0x6f: {  	v3 =	vld.msk [tilespmem:$0x50], $0xff;
	_ =	sdelay $0x4  }
0x70: {  	v31 =	vshll.u32 v3, $0x2  }
0x71: {  	v3 =	vand.u32 $0x7, v3;
	v4 =	vand.u32 $0xFFFFFFE0, v31  }
0x72: {  	v3 =	vor.u32 v3, v4  }
0x73: {  	v3 =	vperm.xlane v3, v0;
	_ =	sdelay $0x1  }
0x74: {  	v3 =	vadd.s32 v1, v3;
	_ =	sdelay $0x3  }
0x75: {  	s2 =	simm.s32 $0xC580  }
0x76: {  	[tilespmem:s2], [sflag:$0x1] =	stream.indirect_vreg.gather [hbm4b:s1+s3], $0x80, v3, vm0, $0xb8;
	[tilespmem:$0x1D580] =	vst v63  }
0x77: {  	s30 =	simm.s32 $0xCD80  }
0x78: {  	[tilespmem:s30], [sflag:$0x1] =	stream.indirect_vreg.gather [hbm4b:s8+s3], $0x80, v3, vm0, $0xb8;
	[tilespmem:$0x1D580] =	vst v63  }
0x79: {  	v3 =	vld [tilespmem:$0x58];
	_ =	sdelay $0x4  }
0x7a: {  	v32 =	vshll.u32 v3, $0x2  }
0x7b: {  	v3 =	vand.u32 $0x7, v3;
	v4 =	vand.u32 $0xFFFFFFE0, v32  }
0x7c: {  	v3 =	vor.u32 v3, v4  }
0x7d: {  	v4 =	vperm.xlane v3, v0;
	_ =	sdelay $0x1  }
0x7e: {  	v4 =	vadd.s32 v1, v4;
	_ =	sdelay $0x1  }
0x7f: {  	v3 =	vperm.xlane v3, v2;
	_ =	sdelay $0x1  }
0x80: {  	s2 =	simm.s32 $0xF580;
	v3 =	vadd.s32 v1, v3  }
0x81: {  	[tilespmem:s2], [sflag:$0x2] =	stream.indirect_vreg.gather [hbm4b:s1+s3], $0x80, v4, vm0, $0xb8;
	[tilespmem:$0x1D580] =	vst v63  }
0x82: {  	s12 =	simm.s32 $0xFD80  }
0x83: {  	[tilespmem:s12], [sflag:$0x2] =	stream.indirect_vreg.gather [hbm4b:s8+s3], $0x80, v4, vm0, $0xb8;
	[tilespmem:$0x1D580] =	vst v63  }
0x84: {  	s12 =	simm.s32 $0x10580  }
0x85: {  	[tilespmem:s12], [sflag:$0x2] =	stream.indirect_vreg.gather [hbm4b:s1+s3], $0x80, v3, vm0, $0xb8;
	[tilespmem:$0x1D580] =	vst v63  }
0x86: {  	s12 =	simm.s32 $0x10D80  }
0x87: {  	[tilespmem:s12], [sflag:$0x2] =	stream.indirect_vreg.gather [hbm4b:s8+s3], $0x80, v3, vm0, $0xb8;
	[tilespmem:$0x1D580] =	vst v63  }
0x88: {  	v3 =	vld [tilespmem:$0x68];
	_ =	sdelay $0x4  }
0x89: {  	v33 =	vshll.u32 v3, $0x2  }
0x8a: {  	v3 =	vand.u32 $0x7, v3;
	v4 =	vand.u32 $0xFFFFFFE0, v33  }
0x8b: {  	v3 =	vor.u32 v3, v4  }
0x8c: {  	v4 =	vperm.xlane v3, v0;
	_ =	sdelay $0x1  }
0x8d: {  	v4 =	vadd.s32 v1, v4;
	_ =	sdelay $0x1  }
0x8e: {  	v3 =	vperm.xlane v3, v2;
	_ =	sdelay $0x1  }
0x8f: {  	s12 =	simm.s32 $0x11580;
	v3 =	vadd.s32 v1, v3  }
0x90: {  	[tilespmem:s12], [sflag:$0x2] =	stream.indirect_vreg.gather [hbm4b:s1+s3], $0x80, v4, vm0, $0xb8;
	[tilespmem:$0x1D580] =	vst v63  }
0x91: {  	s12 =	simm.s32 $0x11D80  }
0x92: {  	[tilespmem:s12], [sflag:$0x2] =	stream.indirect_vreg.gather [hbm4b:s8+s3], $0x80, v4, vm0, $0xb8;
	[tilespmem:$0x1D580] =	vst v63  }
0x93: {  	s12 =	simm.s32 $0x12580  }
0x94: {  	[tilespmem:s12], [sflag:$0x2] =	stream.indirect_vreg.gather [hbm4b:s1+s3], $0x80, v3, vm0, $0xb8;
	[tilespmem:$0x1D580] =	vst v63  }
0x95: {  	s12 =	simm.s32 $0x12D80  }
0x96: {  	[tilespmem:s12], [sflag:$0x2] =	stream.indirect_vreg.gather [hbm4b:s8+s3], $0x80, v3, vm0, $0xb8;
	[tilespmem:$0x1D580] =	vst v63  }
0x97: {  	v3 =	vld [tilespmem:$0x78];
	_ =	sdelay $0x4  }
0x98: {  	v34 =	vshll.u32 v3, $0x2  }
0x99: {  	v3 =	vand.u32 $0x7, v3;
	v4 =	vand.u32 $0xFFFFFFE0, v34  }
0x9a: {  	v3 =	vor.u32 v3, v4  }
0x9b: {  	v4 =	vperm.xlane v3, v0;
	_ =	sdelay $0x1  }
0x9c: {  	v4 =	vadd.s32 v1, v4;
	_ =	sdelay $0x1  }
0x9d: {  	v3 =	vperm.xlane v3, v2;
	_ =	sdelay $0x1  }
0x9e: {  	s12 =	simm.s32 $0x13580;
	v3 =	vadd.s32 v1, v3  }
0x9f: {  	[tilespmem:s12], [sflag:$0x2] =	stream.indirect_vreg.gather [hbm4b:s1+s3], $0x80, v4, vm0, $0xb8;
	[tilespmem:$0x1D580] =	vst v63  }
0xa0: {  	s12 =	simm.s32 $0x13D80  }
0xa1: {  	[tilespmem:s12], [sflag:$0x2] =	stream.indirect_vreg.gather [hbm4b:s8+s3], $0x80, v4, vm0, $0xb8;
	[tilespmem:$0x1D580] =	vst v63  }
0xa2: {  	s12 =	simm.s32 $0x14580  }
0xa3: {  	[tilespmem:s12], [sflag:$0x2] =	stream.indirect_vreg.gather [hbm4b:s1+s3], $0x80, v3, vm0, $0xb8;
	[tilespmem:$0x1D580] =	vst v63  }
0xa4: {  	s12 =	simm.s32 $0x14D80  }
0xa5: {  	[tilespmem:s12], [sflag:$0x2] =	stream.indirect_vreg.gather [hbm4b:s8+s3], $0x80, v3, vm0, $0xb8;
	[tilespmem:$0x1D580] =	vst v63  }
0xa6: {  	v3 =	vld [tilespmem:$0x88];
	_ =	sdelay $0x4  }
0xa7: {  	v35 =	vshll.u32 v3, $0x2  }
0xa8: {  	v3 =	vand.u32 $0x7, v3;
	v4 =	vand.u32 $0xFFFFFFE0, v35  }
0xa9: {  	v3 =	vor.u32 v3, v4  }
0xaa: {  	v4 =	vperm.xlane v3, v0;
	_ =	sdelay $0x1  }
0xab: {  	v4 =	vadd.s32 v1, v4;
	_ =	sdelay $0x1  }
0xac: {  	v3 =	vperm.xlane v3, v2;
	_ =	sdelay $0x1  }
0xad: {  	s12 =	simm.s32 $0x15580;
	v3 =	vadd.s32 v1, v3  }
0xae: {  	[tilespmem:s12], [sflag:$0x2] =	stream.indirect_vreg.gather [hbm4b:s1+s3], $0x80, v4, vm0, $0xb8;
	[tilespmem:$0x1D580] =	vst v63  }
0xaf: {  	s12 =	simm.s32 $0x15D80  }
0xb0: {  	[tilespmem:s12], [sflag:$0x2] =	stream.indirect_vreg.gather [hbm4b:s8+s3], $0x80, v4, vm0, $0xb8;
	[tilespmem:$0x1D580] =	vst v63  }
0xb1: {  	s12 =	simm.s32 $0x16580  }
0xb2: {  	[tilespmem:s12], [sflag:$0x2] =	stream.indirect_vreg.gather [hbm4b:s1+s3], $0x80, v3, vm0, $0xb8;
	[tilespmem:$0x1D580] =	vst v63  }
0xb3: {  	s12 =	simm.s32 $0x16D80  }
0xb4: {  	[tilespmem:s12], [sflag:$0x2] =	stream.indirect_vreg.gather [hbm4b:s8+s3], $0x80, v3, vm0, $0xb8;
	[tilespmem:$0x1D580] =	vst v63  }
0xb5: {  	v3 =	vld [tilespmem:$0x98];
	_ =	sdelay $0x4  }
0xb6: {  	v36 =	vshll.u32 v3, $0x2  }
0xb7: {  	v3 =	vand.u32 $0x7, v3;
	v4 =	vand.u32 $0xFFFFFFE0, v36  }
0xb8: {  	v3 =	vor.u32 v3, v4  }
0xb9: {  	v4 =	vperm.xlane v3, v0;
	_ =	sdelay $0x1  }
0xba: {  	v4 =	vadd.s32 v1, v4;
	_ =	sdelay $0x1  }
0xbb: {  	v3 =	vperm.xlane v3, v2;
	_ =	sdelay $0x1  }
0xbc: {  	s12 =	simm.s32 $0x17580;
	v3 =	vadd.s32 v1, v3  }
0xbd: {  	[tilespmem:s12], [sflag:$0x2] =	stream.indirect_vreg.gather [hbm4b:s1+s3], $0x80, v4, vm0, $0xb8;
	[tilespmem:$0x1D580] =	vst v63  }
0xbe: {  	s12 =	simm.s32 $0x17D80  }
0xbf: {  	[tilespmem:s12], [sflag:$0x2] =	stream.indirect_vreg.gather [hbm4b:s8+s3], $0x80, v4, vm0, $0xb8;
	[tilespmem:$0x1D580] =	vst v63  }
0xc0: {  	s12 =	simm.s32 $0x18580  }
0xc1: {  	[tilespmem:s12], [sflag:$0x2] =	stream.indirect_vreg.gather [hbm4b:s1+s3], $0x80, v3, vm0, $0xb8;
	[tilespmem:$0x1D580] =	vst v63  }
0xc2: {  	s12 =	simm.s32 $0x18D80  }
0xc3: {  	[tilespmem:s12], [sflag:$0x2] =	stream.indirect_vreg.gather [hbm4b:s8+s3], $0x80, v3, vm0, $0xb8;
	[tilespmem:$0x1D580] =	vst v63  }
0xc4: {  	v3 =	vld.msk [tilespmem:$0xA8], $0xff;
	_ =	sdelay $0x4  }
0xc5: {  	v37 =	vshll.u32 v3, $0x2  }
0xc6: {  	v3 =	vand.u32 $0x7, v3;
	v4 =	vand.u32 $0xFFFFFFE0, v37  }
0xc7: {  	v3 =	vor.u32 v3, v4  }
0xc8: {  	v3 =	vperm.xlane v3, v0;
	_ =	sdelay $0x1  }
0xc9: {  	v3 =	vadd.s32 v1, v3;
	_ =	sdelay $0x3  }
0xca: {  	s12 =	simm.s32 $0x19580  }
0xcb: {  	[tilespmem:s12], [sflag:$0x2] =	stream.indirect_vreg.gather [hbm4b:s1+s3], $0x80, v3, vm0, $0xb8;
	[tilespmem:$0x1D580] =	vst v63  }
0xcc: {  	s12 =	simm.s32 $0x19D80  }
0xcd: {  	[tilespmem:s12], [sflag:$0x2] =	stream.indirect_vreg.gather [hbm4b:s8+s3], $0x80, v3, vm0, $0xb8;
	[tilespmem:$0x1D580] =	vst v63  }
0xce: {  	_ =	swait.ge [sflag:s7], $0xB000  }
0xcf: {  	[sflag:s7] =	ssyncset.done $0x0  }
0xd0: {  	s16 =	simm.s32 $0x2580;
	s12 =	rddreg [dreg:$0x6];
	[sflag:s7] =	ssyncadd.s32 $0xFFFF5000  }
0xd1: {  	[hbm4b:s12+s3] =	stream.linear.scatter [tilespmem:s16], [sflag:$0x3], $0xB000, $0x38;
	[tilespmem:$0x1D580] =	vst v63  }
0xd2: {  	_ =	swait.ge [sflag:s9], $0xB000  }
0xd3: {  	[sflag:s9] =	ssyncset.done $0x0  }
0xd4: {  	s0 =	simm.s32 $0x3;
	s12 =	rddreg [dreg:$0x7];
	[sflag:s9] =	ssyncadd.s32 $0xFFFF5000  }
0xd5: {  	[hbm4b:s12+s3] =	stream.linear.scatter [tilespmem:s2], [sflag:$0x4], $0xB000, $0x38;
	[tilespmem:$0x1D580] =	vst v63  }
0xd6: {  	_ =	swait.ge [sflag:s0], $0xB000  }
0xd7: {  	[sflag:s0] =	ssyncset.done $0x0  }
0xd8: {  	[sflag:s0] =	ssyncadd.s32 $0xFFFF5000  }
0xd9: {  	v3 =	vld [tilespmem:$0xB0];
	_ =	sdelay $0x4  }
0xda: {  	v38 =	vshll.u32 v3, $0x2  }
0xdb: {  	v3 =	vand.u32 $0x7, v3;
	v4 =	vand.u32 $0xFFFFFFE0, v38  }
0xdc: {  	v3 =	vor.u32 v3, v4  }
0xdd: {  	v4 =	vperm.xlane v3, v0;
	_ =	sdelay $0x1  }
0xde: {  	v4 =	vadd.s32 v1, v4;
	_ =	sdelay $0x1  }
0xdf: {  	v3 =	vperm.xlane v3, v2;
	_ =	sdelay $0x1  }
0xe0: {  	v3 =	vadd.s32 v1, v3  }
0xe1: {  	[tilespmem:s16], [sflag:$0x1] =	stream.indirect_vreg.gather [hbm4b:s1+s3], $0x80, v4, vm0, $0xb8;
	[tilespmem:$0x1D580] =	vst v63  }
0xe2: {  	_ = 	snop  }
0xe3: {  	[tilespmem:s13], [sflag:$0x1] =	stream.indirect_vreg.gather [hbm4b:s8+s3], $0x80, v4, vm0, $0xb8;
	[tilespmem:$0x1D580] =	vst v63  }
0xe4: {  	_ = 	snop  }
0xe5: {  	[tilespmem:s14], [sflag:$0x1] =	stream.indirect_vreg.gather [hbm4b:s1+s3], $0x80, v3, vm0, $0xb8;
	[tilespmem:$0x1D580] =	vst v63  }
0xe6: {  	_ = 	snop  }
0xe7: {  	[tilespmem:s17], [sflag:$0x1] =	stream.indirect_vreg.gather [hbm4b:s8+s3], $0x80, v3, vm0, $0xb8;
	[tilespmem:$0x1D580] =	vst v63  }
0xe8: {  	v3 =	vld [tilespmem:$0xC0];
	_ =	sdelay $0x4  }
0xe9: {  	v39 =	vshll.u32 v3, $0x2  }
0xea: {  	v3 =	vand.u32 $0x7, v3;
	v4 =	vand.u32 $0xFFFFFFE0, v39  }
0xeb: {  	v3 =	vor.u32 v3, v4  }
0xec: {  	v4 =	vperm.xlane v3, v0;
	_ =	sdelay $0x1  }
0xed: {  	v4 =	vadd.s32 v1, v4;
	_ =	sdelay $0x1  }
0xee: {  	v3 =	vperm.xlane v3, v2;
	_ =	sdelay $0x1  }
0xef: {  	v3 =	vadd.s32 v1, v3  }
0xf0: {  	[tilespmem:s18], [sflag:$0x1] =	stream.indirect_vreg.gather [hbm4b:s1+s3], $0x80, v4, vm0, $0xb8;
	[tilespmem:$0x1D580] =	vst v63  }
0xf1: {  	_ = 	snop  }
0xf2: {  	[tilespmem:s19], [sflag:$0x1] =	stream.indirect_vreg.gather [hbm4b:s8+s3], $0x80, v4, vm0, $0xb8;
	[tilespmem:$0x1D580] =	vst v63  }
0xf3: {  	_ = 	snop  }
0xf4: {  	[tilespmem:s20], [sflag:$0x1] =	stream.indirect_vreg.gather [hbm4b:s1+s3], $0x80, v3, vm0, $0xb8;
	[tilespmem:$0x1D580] =	vst v63  }
0xf5: {  	_ = 	snop  }
0xf6: {  	[tilespmem:s21], [sflag:$0x1] =	stream.indirect_vreg.gather [hbm4b:s8+s3], $0x80, v3, vm0, $0xb8;
	[tilespmem:$0x1D580] =	vst v63  }
0xf7: {  	v3 =	vld [tilespmem:$0xD0];
	_ =	sdelay $0x4  }
0xf8: {  	v40 =	vshll.u32 v3, $0x2  }
0xf9: {  	v3 =	vand.u32 $0x7, v3;
	v4 =	vand.u32 $0xFFFFFFE0, v40  }
0xfa: {  	v3 =	vor.u32 v3, v4  }
0xfb: {  	v4 =	vperm.xlane v3, v0;
	_ =	sdelay $0x1  }
0xfc: {  	v4 =	vadd.s32 v1, v4;
	_ =	sdelay $0x1  }
0xfd: {  	v3 =	vperm.xlane v3, v2;
	_ =	sdelay $0x1  }
0xfe: {  	v3 =	vadd.s32 v1, v3  }
0xff: {  	[tilespmem:s22], [sflag:$0x1] =	stream.indirect_vreg.gather [hbm4b:s1+s3], $0x80, v4, vm0, $0xb8;
	[tilespmem:$0x1D580] =	vst v63  }
0x100: {  	_ = 	snop  }
0x101: {  	[tilespmem:s31], [sflag:$0x1] =	stream.indirect_vreg.gather [hbm4b:s8+s3], $0x80, v4, vm0, $0xb8;
	[tilespmem:$0x1D580] =	vst v63  }
0x102: {  	_ = 	snop  }
0x103: {  	[tilespmem:s6], [sflag:$0x1] =	stream.indirect_vreg.gather [hbm4b:s1+s3], $0x80, v3, vm0, $0xb8;
	[tilespmem:$0x1D580] =	vst v63  }
0x104: {  	s12 =	simm.s32 $0x7D80  }
0x105: {  	[tilespmem:s12], [sflag:$0x1] =	stream.indirect_vreg.gather [hbm4b:s8+s3], $0x80, v3, vm0, $0xb8;
	[tilespmem:$0x1D580] =	vst v63  }
0x106: {  	v3 =	vld [tilespmem:$0xE0];
	_ =	sdelay $0x4  }
0x107: {  	v41 =	vshll.u32 v3, $0x2  }
0x108: {  	v3 =	vand.u32 $0x7, v3;
	v4 =	vand.u32 $0xFFFFFFE0, v41  }
0x109: {  	v3 =	vor.u32 v3, v4  }
0x10a: {  	v4 =	vperm.xlane v3, v0;
	_ =	sdelay $0x1  }
0x10b: {  	v4 =	vadd.s32 v1, v4;
	_ =	sdelay $0x1  }
0x10c: {  	v3 =	vperm.xlane v3, v2;
	_ =	sdelay $0x1  }
0x10d: {  	v3 =	vadd.s32 v1, v3  }
0x10e: {  	[tilespmem:s15], [sflag:$0x1] =	stream.indirect_vreg.gather [hbm4b:s1+s3], $0x80, v4, vm0, $0xb8;
	[tilespmem:$0x1D580] =	vst v63  }
0x10f: {  	_ = 	snop  }
0x110: {  	[tilespmem:s11], [sflag:$0x1] =	stream.indirect_vreg.gather [hbm4b:s8+s3], $0x80, v4, vm0, $0xb8;
	[tilespmem:$0x1D580] =	vst v63  }
0x111: {  	_ = 	snop  }
0x112: {  	[tilespmem:s24], [sflag:$0x1] =	stream.indirect_vreg.gather [hbm4b:s1+s3], $0x80, v3, vm0, $0xb8;
	[tilespmem:$0x1D580] =	vst v63  }
0x113: {  	_ = 	snop  }
0x114: {  	[tilespmem:s23], [sflag:$0x1] =	stream.indirect_vreg.gather [hbm4b:s8+s3], $0x80, v3, vm0, $0xb8;
	[tilespmem:$0x1D580] =	vst v63  }
0x115: {  	v3 =	vld [tilespmem:$0xF0];
	_ =	sdelay $0x4  }
0x116: {  	v42 =	vshll.u32 v3, $0x2  }
0x117: {  	v3 =	vand.u32 $0x7, v3;
	v4 =	vand.u32 $0xFFFFFFE0, v42  }
0x118: {  	v3 =	vor.u32 v3, v4  }
0x119: {  	v4 =	vperm.xlane v3, v0;
	_ =	sdelay $0x1  }
0x11a: {  	v4 =	vadd.s32 v1, v4;
	_ =	sdelay $0x1  }
0x11b: {  	v3 =	vperm.xlane v3, v2;
	_ =	sdelay $0x1  }
0x11c: {  	v3 =	vadd.s32 v1, v3  }
0x11d: {  	[tilespmem:s26], [sflag:$0x1] =	stream.indirect_vreg.gather [hbm4b:s1+s3], $0x80, v4, vm0, $0xb8;
	[tilespmem:$0x1D580] =	vst v63  }
0x11e: {  	_ = 	snop  }
0x11f: {  	[tilespmem:s25], [sflag:$0x1] =	stream.indirect_vreg.gather [hbm4b:s8+s3], $0x80, v4, vm0, $0xb8;
	[tilespmem:$0x1D580] =	vst v63  }
0x120: {  	_ = 	snop  }
0x121: {  	[tilespmem:s29], [sflag:$0x1] =	stream.indirect_vreg.gather [hbm4b:s1+s3], $0x80, v3, vm0, $0xb8;
	[tilespmem:$0x1D580] =	vst v63  }
0x122: {  	_ = 	snop  }
0x123: {  	[tilespmem:s28], [sflag:$0x1] =	stream.indirect_vreg.gather [hbm4b:s8+s3], $0x80, v3, vm0, $0xb8;
	[tilespmem:$0x1D580] =	vst v63  }
0x124: {  	v3 =	vld.msk [tilespmem:$0x100], $0xff;
	_ =	sdelay $0x4  }
0x125: {  	v43 =	vshll.u32 v3, $0x2  }
0x126: {  	v3 =	vand.u32 $0x7, v3;
	v4 =	vand.u32 $0xFFFFFFE0, v43  }
0x127: {  	v3 =	vor.u32 v3, v4  }
0x128: {  	v3 =	vperm.xlane v3, v0;
	_ =	sdelay $0x1  }
0x129: {  	v3 =	vadd.s32 v1, v3;
	_ =	sdelay $0x3  }
0x12a: {  	s23 =	simm.s32 $0xC580  }
0x12b: {  	[tilespmem:s23], [sflag:$0x1] =	stream.indirect_vreg.gather [hbm4b:s1+s3], $0x80, v3, vm0, $0xb8;
	[tilespmem:$0x1D580] =	vst v63  }
0x12c: {  	s6 =	simm.s32 $0x4  }
0x12d: {  	[tilespmem:s30], [sflag:$0x1] =	stream.indirect_vreg.gather [hbm4b:s8+s3], $0x80, v3, vm0, $0xb8;
	[tilespmem:$0x1D580] =	vst v63  }
0x12e: {  	_ =	swait.ge [sflag:s6], $0xB000  }
0x12f: {  	[sflag:s6] =	ssyncset.done $0x0  }
0x130: {  	[sflag:s6] =	ssyncadd.s32 $0xFFFF5000  }
0x131: {  	v3 =	vld [tilespmem:$0x108];
	_ =	sdelay $0x4  }
0x132: {  	v44 =	vshll.u32 v3, $0x2  }
0x133: {  	v3 =	vand.u32 $0x7, v3;
	v4 =	vand.u32 $0xFFFFFFE0, v44  }
0x134: {  	v3 =	vor.u32 v3, v4  }
0x135: {  	v4 =	vperm.xlane v3, v0;
	_ =	sdelay $0x1  }
0x136: {  	v4 =	vadd.s32 v1, v4;
	_ =	sdelay $0x1  }
0x137: {  	v3 =	vperm.xlane v3, v2;
	_ =	sdelay $0x1  }
0x138: {  	v3 =	vadd.s32 v1, v3  }
0x139: {  	[tilespmem:s2], [sflag:$0x2] =	stream.indirect_vreg.gather [hbm4b:s1+s3], $0x80, v4, vm0, $0xb8;
	[tilespmem:$0x1D580] =	vst v63  }
0x13a: {  	s25 =	simm.s32 $0xFD80  }
0x13b: {  	[tilespmem:s25], [sflag:$0x2] =	stream.indirect_vreg.gather [hbm4b:s8+s3], $0x80, v4, vm0, $0xb8;
	[tilespmem:$0x1D580] =	vst v63  }
0x13c: {  	s23 =	simm.s32 $0x10580  }
0x13d: {  	[tilespmem:s23], [sflag:$0x2] =	stream.indirect_vreg.gather [hbm4b:s1+s3], $0x80, v3, vm0, $0xb8;
	[tilespmem:$0x1D580] =	vst v63  }
0x13e: {  	s25 =	simm.s32 $0x10D80  }
0x13f: {  	[tilespmem:s25], [sflag:$0x2] =	stream.indirect_vreg.gather [hbm4b:s8+s3], $0x80, v3, vm0, $0xb8;
	[tilespmem:$0x1D580] =	vst v63  }
0x140: {  	v3 =	vld [tilespmem:$0x118];
	_ =	sdelay $0x4  }
0x141: {  	v45 =	vshll.u32 v3, $0x2  }
0x142: {  	v3 =	vand.u32 $0x7, v3;
	v4 =	vand.u32 $0xFFFFFFE0, v45  }
0x143: {  	v3 =	vor.u32 v3, v4  }
0x144: {  	v4 =	vperm.xlane v3, v0;
	_ =	sdelay $0x1  }
0x145: {  	v4 =	vadd.s32 v1, v4;
	_ =	sdelay $0x1  }
0x146: {  	v3 =	vperm.xlane v3, v2;
	_ =	sdelay $0x1  }
0x147: {  	s25 =	simm.s32 $0x11580;
	v3 =	vadd.s32 v1, v3  }
0x148: {  	[tilespmem:s25], [sflag:$0x2] =	stream.indirect_vreg.gather [hbm4b:s1+s3], $0x80, v4, vm0, $0xb8;
	[tilespmem:$0x1D580] =	vst v63  }
0x149: {  	s12 =	simm.s32 $0x11D80  }
0x14a: {  	[tilespmem:s12], [sflag:$0x2] =	stream.indirect_vreg.gather [hbm4b:s8+s3], $0x80, v4, vm0, $0xb8;
	[tilespmem:$0x1D580] =	vst v63  }
0x14b: {  	s12 =	simm.s32 $0x12580  }
0x14c: {  	[tilespmem:s12], [sflag:$0x2] =	stream.indirect_vreg.gather [hbm4b:s1+s3], $0x80, v3, vm0, $0xb8;
	[tilespmem:$0x1D580] =	vst v63  }
0x14d: {  	s12 =	simm.s32 $0x12D80  }
0x14e: {  	[tilespmem:s12], [sflag:$0x2] =	stream.indirect_vreg.gather [hbm4b:s8+s3], $0x80, v3, vm0, $0xb8;
	[tilespmem:$0x1D580] =	vst v63  }
0x14f: {  	v3 =	vld [tilespmem:$0x128];
	_ =	sdelay $0x4  }
0x150: {  	v46 =	vshll.u32 v3, $0x2  }
0x151: {  	v3 =	vand.u32 $0x7, v3;
	v4 =	vand.u32 $0xFFFFFFE0, v46  }
0x152: {  	v3 =	vor.u32 v3, v4  }
0x153: {  	v4 =	vperm.xlane v3, v0;
	_ =	sdelay $0x1  }
0x154: {  	v4 =	vadd.s32 v1, v4;
	_ =	sdelay $0x1  }
0x155: {  	v3 =	vperm.xlane v3, v2;
	_ =	sdelay $0x1  }
0x156: {  	s12 =	simm.s32 $0x13580;
	v3 =	vadd.s32 v1, v3  }
0x157: {  	[tilespmem:s12], [sflag:$0x2] =	stream.indirect_vreg.gather [hbm4b:s1+s3], $0x80, v4, vm0, $0xb8;
	[tilespmem:$0x1D580] =	vst v63  }
0x158: {  	s12 =	simm.s32 $0x13D80  }
0x159: {  	[tilespmem:s12], [sflag:$0x2] =	stream.indirect_vreg.gather [hbm4b:s8+s3], $0x80, v4, vm0, $0xb8;
	[tilespmem:$0x1D580] =	vst v63  }
0x15a: {  	s12 =	simm.s32 $0x14580  }
0x15b: {  	[tilespmem:s12], [sflag:$0x2] =	stream.indirect_vreg.gather [hbm4b:s1+s3], $0x80, v3, vm0, $0xb8;
	[tilespmem:$0x1D580] =	vst v63  }
0x15c: {  	s12 =	simm.s32 $0x14D80  }
0x15d: {  	[tilespmem:s12], [sflag:$0x2] =	stream.indirect_vreg.gather [hbm4b:s8+s3], $0x80, v3, vm0, $0xb8;
	[tilespmem:$0x1D580] =	vst v63  }
0x15e: {  	v3 =	vld [tilespmem:$0x138];
	_ =	sdelay $0x4  }
0x15f: {  	v47 =	vshll.u32 v3, $0x2  }
0x160: {  	v3 =	vand.u32 $0x7, v3;
	v4 =	vand.u32 $0xFFFFFFE0, v47  }
0x161: {  	v3 =	vor.u32 v3, v4  }
0x162: {  	v4 =	vperm.xlane v3, v0;
	_ =	sdelay $0x1  }
0x163: {  	v4 =	vadd.s32 v1, v4;
	_ =	sdelay $0x1  }
0x164: {  	v3 =	vperm.xlane v3, v2;
	_ =	sdelay $0x1  }
0x165: {  	s12 =	simm.s32 $0x15580;
	v3 =	vadd.s32 v1, v3  }
0x166: {  	[tilespmem:s12], [sflag:$0x2] =	stream.indirect_vreg.gather [hbm4b:s1+s3], $0x80, v4, vm0, $0xb8;
	[tilespmem:$0x1D580] =	vst v63  }
0x167: {  	s12 =	simm.s32 $0x15D80  }
0x168: {  	[tilespmem:s12], [sflag:$0x2] =	stream.indirect_vreg.gather [hbm4b:s8+s3], $0x80, v4, vm0, $0xb8;
	[tilespmem:$0x1D580] =	vst v63  }
0x169: {  	s12 =	simm.s32 $0x16580  }
0x16a: {  	[tilespmem:s12], [sflag:$0x2] =	stream.indirect_vreg.gather [hbm4b:s1+s3], $0x80, v3, vm0, $0xb8;
	[tilespmem:$0x1D580] =	vst v63  }
0x16b: {  	s12 =	simm.s32 $0x16D80  }
0x16c: {  	[tilespmem:s12], [sflag:$0x2] =	stream.indirect_vreg.gather [hbm4b:s8+s3], $0x80, v3, vm0, $0xb8;
	[tilespmem:$0x1D580] =	vst v63  }
0x16d: {  	v3 =	vld [tilespmem:$0x148];
	_ =	sdelay $0x4  }
0x16e: {  	v48 =	vshll.u32 v3, $0x2  }
0x16f: {  	v3 =	vand.u32 $0x7, v3;
	v4 =	vand.u32 $0xFFFFFFE0, v48  }
0x170: {  	v3 =	vor.u32 v3, v4  }
0x171: {  	v4 =	vperm.xlane v3, v0;
	_ =	sdelay $0x1  }
0x172: {  	v4 =	vadd.s32 v1, v4;
	_ =	sdelay $0x1  }
0x173: {  	v3 =	vperm.xlane v3, v2;
	_ =	sdelay $0x1  }
0x174: {  	s12 =	simm.s32 $0x17580;
	v3 =	vadd.s32 v1, v3  }
0x175: {  	[tilespmem:s12], [sflag:$0x2] =	stream.indirect_vreg.gather [hbm4b:s1+s3], $0x80, v4, vm0, $0xb8;
	[tilespmem:$0x1D580] =	vst v63  }
0x176: {  	s12 =	simm.s32 $0x17D80  }
0x177: {  	[tilespmem:s12], [sflag:$0x2] =	stream.indirect_vreg.gather [hbm4b:s8+s3], $0x80, v4, vm0, $0xb8;
	[tilespmem:$0x1D580] =	vst v63  }
0x178: {  	s12 =	simm.s32 $0x18580  }
0x179: {  	[tilespmem:s12], [sflag:$0x2] =	stream.indirect_vreg.gather [hbm4b:s1+s3], $0x80, v3, vm0, $0xb8;
	[tilespmem:$0x1D580] =	vst v63  }
0x17a: {  	s12 =	simm.s32 $0x18D80  }
0x17b: {  	[tilespmem:s12], [sflag:$0x2] =	stream.indirect_vreg.gather [hbm4b:s8+s3], $0x80, v3, vm0, $0xb8;
	[tilespmem:$0x1D580] =	vst v63  }
0x17c: {  	v3 =	vld.msk [tilespmem:$0x158], $0xff;
	_ =	sdelay $0x4  }
0x17d: {  	v49 =	vshll.u32 v3, $0x2  }
0x17e: {  	v3 =	vand.u32 $0x7, v3;
	v4 =	vand.u32 $0xFFFFFFE0, v49  }
0x17f: {  	v3 =	vor.u32 v3, v4  }
0x180: {  	v3 =	vperm.xlane v3, v0;
	_ =	sdelay $0x1  }
0x181: {  	v3 =	vadd.s32 v1, v3;
	_ =	sdelay $0x3  }
0x182: {  	s12 =	simm.s32 $0x19580  }
0x183: {  	[tilespmem:s12], [sflag:$0x2] =	stream.indirect_vreg.gather [hbm4b:s1+s3], $0x80, v3, vm0, $0xb8;
	[tilespmem:$0x1D580] =	vst v63  }
0x184: {  	s12 =	simm.s32 $0x19D80  }
0x185: {  	[tilespmem:s12], [sflag:$0x2] =	stream.indirect_vreg.gather [hbm4b:s8+s3], $0x80, v3, vm0, $0xb8;
	[tilespmem:$0x1D580] =	vst v63  }
0x186: {  	_ =	swait.ge [sflag:s7], $0xB000  }
0x187: {  	[sflag:s7] =	ssyncset.done $0x0  }
0x188: {  	s12 =	rddreg [dreg:$0x8];
	[sflag:s7] =	ssyncadd.s32 $0xFFFF5000  }
0x189: {  	[hbm4b:s12+s3] =	stream.linear.scatter [tilespmem:s16], [sflag:$0x3], $0xB000, $0x38;
	[tilespmem:$0x1D580] =	vst v63  }
0x18a: {  	_ =	swait.ge [sflag:s9], $0xB000  }
0x18b: {  	[sflag:s9] =	ssyncset.done $0x0  }
0x18c: {  	s12 =	rddreg [dreg:$0x9];
	[sflag:s9] =	ssyncadd.s32 $0xFFFF5000  }
0x18d: {  	[hbm4b:s12+s3] =	stream.linear.scatter [tilespmem:s2], [sflag:$0x4], $0xB000, $0x38;
	[tilespmem:$0x1D580] =	vst v63  }
0x18e: {  	_ =	swait.ge [sflag:s0], $0xB000  }
0x18f: {  	[sflag:s0] =	ssyncset.done $0x0  }
0x190: {  	[sflag:s0] =	ssyncadd.s32 $0xFFFF5000  }
0x191: {  	_ =	swait.ge [sflag:s6], $0xB000  }
0x192: {  	[sflag:s6] =	ssyncset.done $0x0  }
0x193: {  	[sflag:s6] =	ssyncadd.s32 $0xFFFF5000  }
0x194: {  	v3 =	vld [tilespmem:$0x180];
	_ =	sdelay $0x4  }
0x195: {  	v50 =	vshll.u32 v3, $0x2  }
0x196: {  	v3 =	vand.u32 $0x7, v3;
	v4 =	vand.u32 $0xFFFFFFE0, v50  }
0x197: {  	v3 =	vor.u32 v3, v4  }
0x198: {  	v4 =	vperm.xlane v3, v0;
	_ =	sdelay $0x1  }
0x199: {  	v4 =	vadd.s32 v1, v4;
	_ =	sdelay $0x1  }
0x19a: {  	v3 =	vperm.xlane v3, v2;
	_ =	sdelay $0x1  }
0x19b: {  	v3 =	vadd.s32 v1, v3  }
0x19c: {  	[tilespmem:s16], [sflag:$0x1] =	stream.indirect_vreg.gather [hbm4b:s1+s3], $0x80, v4, vm0, $0xb8;
	[tilespmem:$0x1D580] =	vst v63  }
0x19d: {  	_ = 	snop  }
0x19e: {  	[tilespmem:s13], [sflag:$0x1] =	stream.indirect_vreg.gather [hbm4b:s8+s3], $0x80, v4, vm0, $0xb8;
	[tilespmem:$0x1D580] =	vst v63  }
0x19f: {  	_ = 	snop  }
0x1a0: {  	[tilespmem:s14], [sflag:$0x1] =	stream.indirect_vreg.gather [hbm4b:s1+s3], $0x80, v3, vm0, $0xb8;
	[tilespmem:$0x1D580] =	vst v63  }
0x1a1: {  	_ = 	snop  }
0x1a2: {  	[tilespmem:s17], [sflag:$0x1] =	stream.indirect_vreg.gather [hbm4b:s8+s3], $0x80, v3, vm0, $0xb8;
	[tilespmem:$0x1D580] =	vst v63  }
0x1a3: {  	v3 =	vld [tilespmem:$0x190];
	_ =	sdelay $0x4  }
0x1a4: {  	v51 =	vshll.u32 v3, $0x2  }
0x1a5: {  	v3 =	vand.u32 $0x7, v3;
	v4 =	vand.u32 $0xFFFFFFE0, v51  }
0x1a6: {  	v3 =	vor.u32 v3, v4  }
0x1a7: {  	v4 =	vperm.xlane v3, v0;
	_ =	sdelay $0x1  }
0x1a8: {  	v4 =	vadd.s32 v1, v4;
	_ =	sdelay $0x1  }
0x1a9: {  	v3 =	vperm.xlane v3, v2;
	_ =	sdelay $0x1  }
0x1aa: {  	v3 =	vadd.s32 v1, v3  }
0x1ab: {  	[tilespmem:s18], [sflag:$0x1] =	stream.indirect_vreg.gather [hbm4b:s1+s3], $0x80, v4, vm0, $0xb8;
	[tilespmem:$0x1D580] =	vst v63  }
0x1ac: {  	_ = 	snop  }
0x1ad: {  	[tilespmem:s19], [sflag:$0x1] =	stream.indirect_vreg.gather [hbm4b:s8+s3], $0x80, v4, vm0, $0xb8;
	[tilespmem:$0x1D580] =	vst v63  }
0x1ae: {  	_ = 	snop  }
0x1af: {  	[tilespmem:s20], [sflag:$0x1] =	stream.indirect_vreg.gather [hbm4b:s1+s3], $0x80, v3, vm0, $0xb8;
	[tilespmem:$0x1D580] =	vst v63  }
0x1b0: {  	_ = 	snop  }
0x1b1: {  	[tilespmem:s21], [sflag:$0x1] =	stream.indirect_vreg.gather [hbm4b:s8+s3], $0x80, v3, vm0, $0xb8;
	[tilespmem:$0x1D580] =	vst v63  }
0x1b2: {  	v3 =	vld [tilespmem:$0x1A0];
	_ =	sdelay $0x4  }
0x1b3: {  	v52 =	vshll.u32 v3, $0x2  }
0x1b4: {  	v3 =	vand.u32 $0x7, v3;
	v4 =	vand.u32 $0xFFFFFFE0, v52  }
0x1b5: {  	v3 =	vor.u32 v3, v4  }
0x1b6: {  	v4 =	vperm.xlane v3, v0;
	_ =	sdelay $0x1  }
0x1b7: {  	v4 =	vadd.s32 v1, v4;
	_ =	sdelay $0x1  }
0x1b8: {  	v3 =	vperm.xlane v3, v2;
	_ =	sdelay $0x1  }
0x1b9: {  	v3 =	vadd.s32 v1, v3  }
0x1ba: {  	[tilespmem:s22], [sflag:$0x1] =	stream.indirect_vreg.gather [hbm4b:s1+s3], $0x80, v4, vm0, $0xb8;
	[tilespmem:$0x1D580] =	vst v63  }
0x1bb: {  	_ = 	snop  }
0x1bc: {  	[tilespmem:s31], [sflag:$0x1] =	stream.indirect_vreg.gather [hbm4b:s8+s3], $0x80, v4, vm0, $0xb8;
	[tilespmem:$0x1D580] =	vst v63  }
0x1bd: {  	s20 =	simm.s32 $0x7580  }
0x1be: {  	[tilespmem:s20], [sflag:$0x1] =	stream.indirect_vreg.gather [hbm4b:s1+s3], $0x80, v3, vm0, $0xb8;
	[tilespmem:$0x1D580] =	vst v63  }
0x1bf: {  	s21 =	simm.s32 $0x7D80  }
0x1c0: {  	[tilespmem:s21], [sflag:$0x1] =	stream.indirect_vreg.gather [hbm4b:s8+s3], $0x80, v3, vm0, $0xb8;
	[tilespmem:$0x1D580] =	vst v63  }
0x1c1: {  	v3 =	vld [tilespmem:$0x1B0];
	_ =	sdelay $0x4  }
0x1c2: {  	v53 =	vshll.u32 v3, $0x2  }
0x1c3: {  	v3 =	vand.u32 $0x7, v3;
	v4 =	vand.u32 $0xFFFFFFE0, v53  }
0x1c4: {  	v3 =	vor.u32 v3, v4  }
0x1c5: {  	v4 =	vperm.xlane v3, v0;
	_ =	sdelay $0x1  }
0x1c6: {  	v4 =	vadd.s32 v1, v4;
	_ =	sdelay $0x1  }
0x1c7: {  	v3 =	vperm.xlane v3, v2;
	_ =	sdelay $0x1  }
0x1c8: {  	s22 =	simm.s32 $0x8580;
	v3 =	vadd.s32 v1, v3  }
0x1c9: {  	[tilespmem:s22], [sflag:$0x1] =	stream.indirect_vreg.gather [hbm4b:s1+s3], $0x80, v4, vm0, $0xb8;
	[tilespmem:$0x1D580] =	vst v63  }
0x1ca: {  	_ = 	snop  }
0x1cb: {  	[tilespmem:s11], [sflag:$0x1] =	stream.indirect_vreg.gather [hbm4b:s8+s3], $0x80, v4, vm0, $0xb8;
	[tilespmem:$0x1D580] =	vst v63  }
0x1cc: {  	_ = 	snop  }
0x1cd: {  	[tilespmem:s24], [sflag:$0x1] =	stream.indirect_vreg.gather [hbm4b:s1+s3], $0x80, v3, vm0, $0xb8;
	[tilespmem:$0x1D580] =	vst v63  }
0x1ce: {  	s6 =	simm.s32 $0x9D80  }
0x1cf: {  	[tilespmem:s6], [sflag:$0x1] =	stream.indirect_vreg.gather [hbm4b:s8+s3], $0x80, v3, vm0, $0xb8;
	[tilespmem:$0x1D580] =	vst v63  }
0x1d0: {  	v3 =	vld [tilespmem:$0x1C0];
	_ =	sdelay $0x4  }
0x1d1: {  	v54 =	vshll.u32 v3, $0x2  }
0x1d2: {  	v3 =	vand.u32 $0x7, v3;
	v4 =	vand.u32 $0xFFFFFFE0, v54  }
0x1d3: {  	v3 =	vor.u32 v3, v4  }
0x1d4: {  	v4 =	vperm.xlane v3, v0;
	_ =	sdelay $0x1  }
0x1d5: {  	v4 =	vadd.s32 v1, v4;
	_ =	sdelay $0x1  }
0x1d6: {  	v3 =	vperm.xlane v3, v2;
	_ =	sdelay $0x1  }
0x1d7: {  	v3 =	vadd.s32 v1, v3  }
0x1d8: {  	[tilespmem:s26], [sflag:$0x1] =	stream.indirect_vreg.gather [hbm4b:s1+s3], $0x80, v4, vm0, $0xb8;
	[tilespmem:$0x1D580] =	vst v63  }
0x1d9: {  	s26 =	simm.s32 $0xAD80  }
0x1da: {  	[tilespmem:s26], [sflag:$0x1] =	stream.indirect_vreg.gather [hbm4b:s8+s3], $0x80, v4, vm0, $0xb8;
	[tilespmem:$0x1D580] =	vst v63  }
0x1db: {  	_ = 	snop  }
0x1dc: {  	[tilespmem:s29], [sflag:$0x1] =	stream.indirect_vreg.gather [hbm4b:s1+s3], $0x80, v3, vm0, $0xb8;
	[tilespmem:$0x1D580] =	vst v63  }
0x1dd: {  	s29 =	simm.s32 $0xBD80  }
0x1de: {  	[tilespmem:s29], [sflag:$0x1] =	stream.indirect_vreg.gather [hbm4b:s8+s3], $0x80, v3, vm0, $0xb8;
	[tilespmem:$0x1D580] =	vst v63  }
0x1df: {  	v3 =	vld [tilespmem:$0x1D0];
	_ =	sdelay $0x4  }
0x1e0: {  	v55 =	vshll.u32 v3, $0x2  }
0x1e1: {  	v3 =	vand.u32 $0x7, v3;
	v4 =	vand.u32 $0xFFFFFFE0, v55  }
0x1e2: {  	v3 =	vor.u32 v3, v4  }
0x1e3: {  	v4 =	vperm.xlane v3, v0;
	_ =	sdelay $0x1  }
0x1e4: {  	v4 =	vadd.s32 v1, v4;
	_ =	sdelay $0x1  }
0x1e5: {  	v3 =	vperm.xlane v3, v2;
	_ =	sdelay $0x1  }
0x1e6: {  	s15 =	simm.s32 $0xC580;
	v3 =	vadd.s32 v1, v3  }
0x1e7: {  	[tilespmem:s15], [sflag:$0x1] =	stream.indirect_vreg.gather [hbm4b:s1+s3], $0x80, v4, vm0, $0xb8;
	[tilespmem:$0x1D580] =	vst v63  }
0x1e8: {  	s31 =	simm.s32 $0xCD80  }
0x1e9: {  	[tilespmem:s31], [sflag:$0x1] =	stream.indirect_vreg.gather [hbm4b:s8+s3], $0x80, v4, vm0, $0xb8;
	[tilespmem:$0x1D580] =	vst v63  }
0x1ea: {  	s12 =	simm.s32 $0xD580  }
0x1eb: {  	[tilespmem:s12], [sflag:$0x1] =	stream.indirect_vreg.gather [hbm4b:s1+s3], $0x80, v3, vm0, $0xb8;
	[tilespmem:$0x1D580] =	vst v63  }
0x1ec: {  	s13 =	simm.s32 $0xDD80  }
0x1ed: {  	[tilespmem:s13], [sflag:$0x1] =	stream.indirect_vreg.gather [hbm4b:s8+s3], $0x80, v3, vm0, $0xb8;
	[tilespmem:$0x1D580] =	vst v63  }
0x1ee: {  	v3 =	vld.msk [tilespmem:$0x1E0], $0xff;
	_ =	sdelay $0x4  }
0x1ef: {  	v56 =	vshll.u32 v3, $0x2  }
0x1f0: {  	v3 =	vand.u32 $0x7, v3;
	v4 =	vand.u32 $0xFFFFFFE0, v56  }
0x1f1: {  	v3 =	vor.u32 v3, v4  }
0x1f2: {  	v3 =	vperm.xlane v3, v0;
	_ =	sdelay $0x1  }
0x1f3: {  	v3 =	vadd.s32 v1, v3;
	_ =	sdelay $0x3  }
0x1f4: {  	s14 =	simm.s32 $0xE580  }
0x1f5: {  	[tilespmem:s14], [sflag:$0x1] =	stream.indirect_vreg.gather [hbm4b:s1+s3], $0x80, v3, vm0, $0xb8;
	[tilespmem:$0x1D580] =	vst v63  }
0x1f6: {  	s15 =	simm.s32 $0xED80  }
0x1f7: {  	[tilespmem:s15], [sflag:$0x1] =	stream.indirect_vreg.gather [hbm4b:s8+s3], $0x80, v3, vm0, $0xb8;
	[tilespmem:$0x1D580] =	vst v63  }
0x1f8: {  	v3 =	vld [tilespmem:$0x1E8];
	_ =	sdelay $0x4  }
0x1f9: {  	v57 =	vshll.u32 v3, $0x2  }
0x1fa: {  	v3 =	vand.u32 $0x7, v3;
	v4 =	vand.u32 $0xFFFFFFE0, v57  }
0x1fb: {  	v3 =	vor.u32 v3, v4  }
0x1fc: {  	v4 =	vperm.xlane v3, v0;
	_ =	sdelay $0x1  }
0x1fd: {  	v4 =	vadd.s32 v1, v4;
	_ =	sdelay $0x1  }
0x1fe: {  	v3 =	vperm.xlane v3, v2;
	_ =	sdelay $0x1  }
0x1ff: {  	v3 =	vadd.s32 v1, v3  }
0x200: {  	[tilespmem:s2], [sflag:$0x2] =	stream.indirect_vreg.gather [hbm4b:s1+s3], $0x80, v4, vm0, $0xb8;
	[tilespmem:$0x1D580] =	vst v63  }
0x201: {  	s16 =	simm.s32 $0xFD80  }
0x202: {  	[tilespmem:s16], [sflag:$0x2] =	stream.indirect_vreg.gather [hbm4b:s8+s3], $0x80, v4, vm0, $0xb8;
	[tilespmem:$0x1D580] =	vst v63  }
0x203: {  	s23 =	simm.s32 $0x10580  }
0x204: {  	[tilespmem:s23], [sflag:$0x2] =	stream.indirect_vreg.gather [hbm4b:s1+s3], $0x80, v3, vm0, $0xb8;
	[tilespmem:$0x1D580] =	vst v63  }
0x205: {  	s17 =	simm.s32 $0x10D80  }
0x206: {  	[tilespmem:s17], [sflag:$0x2] =	stream.indirect_vreg.gather [hbm4b:s8+s3], $0x80, v3, vm0, $0xb8;
	[tilespmem:$0x1D580] =	vst v63  }
0x207: {  	v3 =	vld [tilespmem:$0x1F8];
	_ =	sdelay $0x4  }
0x208: {  	v58 =	vshll.u32 v3, $0x2  }
0x209: {  	v3 =	vand.u32 $0x7, v3;
	v4 =	vand.u32 $0xFFFFFFE0, v58  }
0x20a: {  	v3 =	vor.u32 v3, v4  }
0x20b: {  	v4 =	vperm.xlane v3, v0;
	_ =	sdelay $0x1  }
0x20c: {  	v4 =	vadd.s32 v1, v4;
	_ =	sdelay $0x1  }
0x20d: {  	v3 =	vperm.xlane v3, v2;
	_ =	sdelay $0x1  }
0x20e: {  	s25 =	simm.s32 $0x11580;
	v3 =	vadd.s32 v1, v3  }
0x20f: {  	[tilespmem:s25], [sflag:$0x2] =	stream.indirect_vreg.gather [hbm4b:s1+s3], $0x80, v4, vm0, $0xb8;
	[tilespmem:$0x1D580] =	vst v63  }
0x210: {  	s28 =	simm.s32 $0x11D80  }
0x211: {  	[tilespmem:s28], [sflag:$0x2] =	stream.indirect_vreg.gather [hbm4b:s8+s3], $0x80, v4, vm0, $0xb8;
	[tilespmem:$0x1D580] =	vst v63  }
0x212: {  	s30 =	simm.s32 $0x12580  }
0x213: {  	[tilespmem:s30], [sflag:$0x2] =	stream.indirect_vreg.gather [hbm4b:s1+s3], $0x80, v3, vm0, $0xb8;
	[tilespmem:$0x1D580] =	vst v63  }
0x214: {  	s18 =	simm.s32 $0x12D80  }
0x215: {  	[tilespmem:s18], [sflag:$0x2] =	stream.indirect_vreg.gather [hbm4b:s8+s3], $0x80, v3, vm0, $0xb8;
	[tilespmem:$0x1D580] =	vst v63  }
0x216: {  	v3 =	vld [tilespmem:$0x208];
	_ =	sdelay $0x4  }
0x217: {  	v59 =	vshll.u32 v3, $0x2  }
0x218: {  	v3 =	vand.u32 $0x7, v3;
	v4 =	vand.u32 $0xFFFFFFE0, v59  }
0x219: {  	v3 =	vor.u32 v3, v4  }
0x21a: {  	v4 =	vperm.xlane v3, v0;
	_ =	sdelay $0x1  }
0x21b: {  	v4 =	vadd.s32 v1, v4;
	_ =	sdelay $0x1  }
0x21c: {  	v3 =	vperm.xlane v3, v2;
	_ =	sdelay $0x1  }
0x21d: {  	s19 =	simm.s32 $0x13580;
	v3 =	vadd.s32 v1, v3  }
0x21e: {  	[tilespmem:s19], [sflag:$0x2] =	stream.indirect_vreg.gather [hbm4b:s1+s3], $0x80, v4, vm0, $0xb8;
	[tilespmem:$0x1D580] =	vst v63  }
0x21f: {  	s20 =	simm.s32 $0x13D80  }
0x220: {  	[tilespmem:s20], [sflag:$0x2] =	stream.indirect_vreg.gather [hbm4b:s8+s3], $0x80, v4, vm0, $0xb8;
	[tilespmem:$0x1D580] =	vst v63  }
0x221: {  	s21 =	simm.s32 $0x14580  }
0x222: {  	[tilespmem:s21], [sflag:$0x2] =	stream.indirect_vreg.gather [hbm4b:s1+s3], $0x80, v3, vm0, $0xb8;
	[tilespmem:$0x1D580] =	vst v63  }
0x223: {  	s22 =	simm.s32 $0x14D80  }
0x224: {  	[tilespmem:s22], [sflag:$0x2] =	stream.indirect_vreg.gather [hbm4b:s8+s3], $0x80, v3, vm0, $0xb8;
	[tilespmem:$0x1D580] =	vst v63  }
0x225: {  	v3 =	vld [tilespmem:$0x218];
	_ =	sdelay $0x4  }
0x226: {  	v60 =	vshll.u32 v3, $0x2  }
0x227: {  	v3 =	vand.u32 $0x7, v3;
	v4 =	vand.u32 $0xFFFFFFE0, v60  }
0x228: {  	v3 =	vor.u32 v3, v4  }
0x229: {  	v4 =	vperm.xlane v3, v0;
	_ =	sdelay $0x1  }
0x22a: {  	v4 =	vadd.s32 v1, v4;
	_ =	sdelay $0x1  }
0x22b: {  	v3 =	vperm.xlane v3, v2;
	_ =	sdelay $0x1  }
0x22c: {  	s23 =	simm.s32 $0x15580;
	v3 =	vadd.s32 v1, v3  }
0x22d: {  	[tilespmem:s23], [sflag:$0x2] =	stream.indirect_vreg.gather [hbm4b:s1+s3], $0x80, v4, vm0, $0xb8;
	[tilespmem:$0x1D580] =	vst v63  }
0x22e: {  	s24 =	simm.s32 $0x15D80  }
0x22f: {  	[tilespmem:s24], [sflag:$0x2] =	stream.indirect_vreg.gather [hbm4b:s8+s3], $0x80, v4, vm0, $0xb8;
	[tilespmem:$0x1D580] =	vst v63  }
0x230: {  	s25 =	simm.s32 $0x16580  }
0x231: {  	[tilespmem:s25], [sflag:$0x2] =	stream.indirect_vreg.gather [hbm4b:s1+s3], $0x80, v3, vm0, $0xb8;
	[tilespmem:$0x1D580] =	vst v63  }
0x232: {  	s2 =	simm.s32 $0x16D80  }
0x233: {  	[tilespmem:s2], [sflag:$0x2] =	stream.indirect_vreg.gather [hbm4b:s8+s3], $0x80, v3, vm0, $0xb8;
	[tilespmem:$0x1D580] =	vst v63  }
0x234: {  	v3 =	vld [tilespmem:$0x228];
	_ =	sdelay $0x4  }
0x235: {  	v61 =	vshll.u32 v3, $0x2  }
0x236: {  	v3 =	vand.u32 $0x7, v3;
	v4 =	vand.u32 $0xFFFFFFE0, v61  }
0x237: {  	v3 =	vor.u32 v3, v4  }
0x238: {  	v4 =	vperm.xlane v3, v0;
	_ =	sdelay $0x1  }
0x239: {  	v4 =	vadd.s32 v1, v4;
	_ =	sdelay $0x1  }
0x23a: {  	v3 =	vperm.xlane v3, v2;
	_ =	sdelay $0x1  }
0x23b: {  	s6 =	simm.s32 $0x17580;
	v3 =	vadd.s32 v1, v3  }
0x23c: {  	[tilespmem:s6], [sflag:$0x2] =	stream.indirect_vreg.gather [hbm4b:s1+s3], $0x80, v4, vm0, $0xb8;
	[tilespmem:$0x1D580] =	vst v63  }
0x23d: {  	s12 =	simm.s32 $0x17D80  }
0x23e: {  	[tilespmem:s12], [sflag:$0x2] =	stream.indirect_vreg.gather [hbm4b:s8+s3], $0x80, v4, vm0, $0xb8;
	[tilespmem:$0x1D580] =	vst v63  }
0x23f: {  	s13 =	simm.s32 $0x18580  }
0x240: {  	[tilespmem:s13], [sflag:$0x2] =	stream.indirect_vreg.gather [hbm4b:s1+s3], $0x80, v3, vm0, $0xb8;
	[tilespmem:$0x1D580] =	vst v63  }
0x241: {  	s14 =	simm.s32 $0x18D80  }
0x242: {  	[tilespmem:s14], [sflag:$0x2] =	stream.indirect_vreg.gather [hbm4b:s8+s3], $0x80, v3, vm0, $0xb8;
	[tilespmem:$0x1D580] =	vst v63  }
0x243: {  	v3 =	vld [tilespmem:$0x238];
	_ =	sdelay $0x4  }
0x244: {  	v62 =	vshll.u32 v3, $0x2  }
0x245: {  	v3 =	vand.u32 $0x7, v3;
	v4 =	vand.u32 $0xFFFFFFE0, v62  }
0x246: {  	v3 =	vor.u32 v3, v4  }
0x247: {  	v4 =	vperm.xlane v3, v0;
	_ =	sdelay $0x1  }
0x248: {  	v4 =	vadd.s32 v1, v4;
	_ =	sdelay $0x1  }
0x249: {  	v3 =	vperm.xlane v3, v2;
	_ =	sdelay $0x1  }
0x24a: {  	s17 =	simm.s32 $0x19580;
	v3 =	vadd.s32 v1, v3  }
0x24b: {  	[tilespmem:s17], [sflag:$0x2] =	stream.indirect_vreg.gather [hbm4b:s1+s3], $0x80, v4, vm0, $0xb8;
	[tilespmem:$0x1D580] =	vst v63  }
0x24c: {  	s18 =	simm.s32 $0x19D80  }
0x24d: {  	[tilespmem:s18], [sflag:$0x2] =	stream.indirect_vreg.gather [hbm4b:s8+s3], $0x80, v4, vm0, $0xb8;
	[tilespmem:$0x1D580] =	vst v63  }
0x24e: {  	s19 =	simm.s32 $0x1A580  }
0x24f: {  	[tilespmem:s19], [sflag:$0x2] =	stream.indirect_vreg.gather [hbm4b:s1+s3], $0x80, v3, vm0, $0xb8;
	[tilespmem:$0x1D580] =	vst v63  }
0x250: {  	s20 =	simm.s32 $0x1AD80  }
0x251: {  	[tilespmem:s20], [sflag:$0x2] =	stream.indirect_vreg.gather [hbm4b:s8+s3], $0x80, v3, vm0, $0xb8;
	[tilespmem:$0x1D580] =	vst v63  }
0x252: {  	v3 =	vld.msk [tilespmem:$0x248], $0xff;
	_ =	sdelay $0x4  }
0x253: {  	v63 =	vshll.u32 v3, $0x2  }
0x254: {  	v3 =	vand.u32 $0x7, v3;
	v4 =	vand.u32 $0xFFFFFFE0, v63  }
0x255: {  	v3 =	vor.u32 v3, v4  }
0x256: {  	v3 =	vperm.xlane v3, v0;
	_ =	sdelay $0x1  }
0x257: {  	v3 =	vadd.s32 v1, v3  }
0x258: {  	s11 =	simm.s32 $0x2580;
	s15 =	simm.s32 $0x16580  }
0x259: {  	s16 =	simm.s32 $0x15D80;
	s28 =	simm.s32 $0x18580;
	s30 =	simm.s32 $0x18D80  }
.Ltmp2:
0x25a: {  	s21 =	simm.s32 $0x1B580;
	s22 =	simm.s32 $0x1BD80;
	(pc) =	sbr.rel .LBB2_2-.Ltmp2, $4  }
0x25b: {  	s23 =	simm.s32 $0x16D80;
	s24 =	simm.s32 $0x19580;
	s25 =	simm.s32 $0x17580  }
0x25c: {  	[tilespmem:s21], [sflag:$0x2] =	stream.indirect_vreg.gather [hbm4b:s1+s3], $0x80, v3, vm0, $0xb8;
	[tilespmem:$0x1D580] =	vst v63  }
0x25d: {  	s2 =	simm.s32 $0x19D80;
	s6 =	simm.s32 $0x17D80;
	s12 =	simm.s32 $0x0  }
0x25e: {  	[tilespmem:s22], [sflag:$0x2] =	stream.indirect_vreg.gather [hbm4b:s8+s3], $0x80, v3, vm0, $0xb8;
	[tilespmem:$0x1D580] =	vst v63  }
.LBB2_22:
0x25f: {  	s13 =	sadd.s32 s4, s12;
	s12 =	sadd.s32 $0x1, s12  }
0x260: {  	p0 =	sne.s32 s12, $0x2C  }
.Ltmp3:
0x261: {  	_ = 	snop;
	(pc) =	sbr.rel @!p0 .LBB2_23-.Ltmp3, $4  }
0x262: {  	_ = 	snop  }
0x263: {  	s13 =	sshll.u32 s13, $0x9  }
0x264: {  	s13 =	sadd.s32 s5, s13  }
0x265: {  	[hbm4b:s13+s3] =	stream.linear.scatter [tilespmem:s10], [sflag:$0x3], $0x1000, $0x38;
	[tilespmem:$0x1D580] =	vst v63  }
.LBB2_2:
0x266: {  	_ =	swait.ge [sflag:s7], $0xD000  }
0x267: {  	p0 =	seq.s32 s12, $0x0;
	[sflag:s7] =	ssyncset.done $0x0  }
0x268: {  	s13 =	simm.s32 @!p0 $0x3;
	[sflag:s7] =	ssyncadd.s32 $0xFFFF3000  }
0x269: {  	s14 =	simm.s32 $0x0;
	_ =	swait.ge @!p0 [sflag:s13], $0x1000  }
0x26a: {  	s17 =	sand.u32 $0x70, s14;
	s18 =	sand.u32 $0xC00, s14;
	[sflag:s13] =	ssyncset.done @!p0 $0x0  }
0x26b: {  	[sflag:s13] =	ssyncadd.s32 @!p0 $0xFFFFF000;
	s13 =	sor.u32 s17, s18  }
0x26c: {  	v6 =	vld [tilespmem:s13+$0x4880]  }
0x26d: {  	v4 =	vld [tilespmem:s13+$0x2780]  }
0x26e: {  	v3 =	vld [tilespmem:s13+$0x3600]  }
0x26f: {  	v10 =	vld [tilespmem:s13+$0x4780]  }
0x270: {  	v11 =	vld [tilespmem:s13+$0x4800]  }
0x271: {  	v7 =	vld [tilespmem:s13+$0x2700]  }
0x272: {  	v5 =	vld [tilespmem:s13+$0x3580]  }
0x273: {  	v8 =	vld [tilespmem:s13+$0x2680]  }
0x274: {  	v9 =	vld [tilespmem:s13+$0x3780]  }
0x275: {  	v15 =	vld [tilespmem:s13+$0x2580]  }
0x276: {  	v12 =	vld [tilespmem:s13+$0x2800]  }
0x277: {  	v14 =	vld [tilespmem:s13+$0x3680]  }
0x278: {  	v13 =	vld [tilespmem:s13+$0x3900]  }
0x279: {  	s20 =	simm.s32 $0x10;
	v17 =	vld [tilespmem:s13+$0x2600]  }
0x27a: {  	s19 =	simm.s32 $0x0;
	s18 =	simm.s32 $0x0;
	v16 =	vld [tilespmem:s13+$0x2880];
	s17 =	smov.u32 s13  }
.LBB2_3:
0x27b: {  	p0 =	sne.s32 s20, $0x1F0;
	v18 =	vld [tilespmem:s17+$0x3700]  }
0x27c: {  	s21 =	sor.u32 s19, s18;
	s18 =	smov.u32 s20;
	v19 =	vld [tilespmem:s17+$0x4580]  }
0x27d: {  	s21 =	sor.u32 $0x380, s21;
	v20 =	vld [tilespmem:s17+$0x4600]  }
0x27e: {  	v21 =	vld [tilespmem:s21+$0x2580]  }
0x27f: {  	v10 =	vadd.f32 v11, v10;
	v15 =	vadd.f32 v17, v15;
	v11 =	vld [tilespmem:s17+$0x3800]  }
0x280: {  	v12 =	vadd.f32 v16, v12;
	v14 =	vadd.f32 v18, v14;
	v16 =	vld [tilespmem:s17+$0x4680]  }
0x281: {  	v17 =	vadd.f32 v6, v10;
	v13 =	vadd.f32 v19, v13;
	v10 =	vld [tilespmem:s17+$0x3880]  }
0x282: {  	s19 =	sadd.s32 $0x80, s19;
	v6 =	vadd.f32 v8, v15;
	v8 =	vadd.f32 v9, v14;
	v9 =	vld [tilespmem:s17+$0x4700]  }
0x283: {  	s22 =	sand.u32 $0xC00, s19;
	s21 =	sand.u32 $0x70, s20;
	v12 =	vadd.f32 v21, v12;
	v13 =	vadd.f32 v20, v13;
	v14 =	vld [tilespmem:s17+$0x4900]  }
0x284: {  	s21 =	sor.u32 s21, s22;
	v7 =	vadd.f32 v7, v6;
	v8 =	vadd.f32 v11, v8;
	v15 =	vld [tilespmem:s17+$0x5580]  }
0x285: {  	v6 =	vld [tilespmem:s21+$0x4880];
	v5 =	vadd.f32 v5, v12;
	v11 =	vadd.f32 v16, v13  }
0x286: {  	v7 =	vadd.f32 v4, v7;
	v4 =	vld [tilespmem:s21+$0x2780];
	v8 =	vadd.f32 v10, v8  }
0x287: {  	v5 =	vadd.f32 v3, v5;
	v3 =	vld [tilespmem:s21+$0x3600];
	v9 =	vadd.f32 v9, v11  }
0x288: {  	v10 =	vld [tilespmem:s21+$0x4780];
	v12 =	vadd.f32 v14, v17  }
0x289: {  	v11 =	vld [tilespmem:s21+$0x4800];
	v13 =	vadd.f32 v5, v7;
	v8 =	vadd.f32 v9, v8  }
0x28a: {  	v7 =	vld [tilespmem:s21+$0x2700]  }
0x28b: {  	v12 =	vadd.f32 v15, v12;
	v5 =	vld [tilespmem:s21+$0x3580];
	v13 =	vadd.f32 v8, v13  }
0x28c: {  	v8 =	vld [tilespmem:s21+$0x2680]  }
0x28d: {  	v9 =	vld [tilespmem:s21+$0x3780];
	v13 =	vadd.f32 v13, v12  }
0x28e: {  	v15 =	vld [tilespmem:s21+$0x2580]  }
.Ltmp4:
0x28f: {  	v12 =	vld [tilespmem:s21+$0x2800];
	[tilespmem:s17+$0x1C580] =	vst v13;
	s17 =	smov.u32 s21;
	(pc) =	sbr.rel @p0 .LBB2_3-.Ltmp4, $4  }
0x290: {  	v14 =	vld [tilespmem:s17+$0x3680]  }
0x291: {  	v13 =	vld [tilespmem:s17+$0x3900]  }
0x292: {  	v17 =	vld [tilespmem:s17+$0x2600]  }
0x293: {  	s20 =	sadd.s32 $0x10, s20;
	v16 =	vld [tilespmem:s17+$0x2880]  }
0x294: {  	v18 =	vld [tilespmem:s17+$0x3700]  }
0x295: {  	v19 =	vld [tilespmem:s17+$0x4580];
	s18 =	sor.u32 s19, s18  }
0x296: {  	v20 =	vld [tilespmem:s17+$0x4600];
	s18 =	sor.u32 $0x380, s18  }
0x297: {  	v21 =	vld [tilespmem:s18+$0x2580]  }
0x298: {  	v10 =	vadd.f32 v11, v10;
	v11 =	vld [tilespmem:s17+$0x3800];
	v15 =	vadd.f32 v17, v15  }
0x299: {  	v12 =	vadd.f32 v16, v12;
	v16 =	vld [tilespmem:s17+$0x4680];
	v14 =	vadd.f32 v18, v14  }
0x29a: {  	v6 =	vadd.f32 v6, v10;
	v10 =	vld [tilespmem:s17+$0x3880];
	v13 =	vadd.f32 v19, v13  }
0x29b: {  	v8 =	vadd.f32 v8, v15;
	v9 =	vadd.f32 v9, v14;
	v14 =	vld [tilespmem:s17+$0x4700]  }
0x29c: {  	v15 =	vld [tilespmem:s17+$0x4900];
	v12 =	vadd.f32 v21, v12;
	v13 =	vadd.f32 v20, v13  }
0x29d: {  	v7 =	vadd.f32 v7, v8;
	v8 =	vadd.f32 v11, v9  }
0x29e: {  	v5 =	vadd.f32 v5, v12;
	v9 =	vadd.f32 v16, v13  }
0x29f: {  	v11 =	vld [tilespmem:s17+$0x5580];
	v4 =	vadd.f32 v4, v7;
	v7 =	vadd.f32 v10, v8  }
0x2a0: {  	v3 =	vadd.f32 v3, v5;
	v5 =	vadd.f32 v14, v9  }
0x2a1: {  	v6 =	vadd.f32 v15, v6  }
0x2a2: {  	v3 =	vadd.f32 v3, v4;
	v4 =	vadd.f32 v5, v7;
	_ =	sdelay $0x1  }
0x2a3: {  	v5 =	vadd.f32 v11, v6;
	v3 =	vadd.f32 v4, v3;
	_ =	sdelay $0x1  }
0x2a4: {  	v3 =	vadd.f32 v3, v5;
	_ =	sdelay $0x1  }
0x2a5: {  	[tilespmem:s17+$0x1C580] =	vst v3  }
0x2a6: {  	v5 =	vld [tilespmem:s13+$0x7900]  }
0x2a7: {  	v3 =	vld [tilespmem:s13+$0x5800]  }
0x2a8: {  	v4 =	vld [tilespmem:s13+$0x6680]  }
0x2a9: {  	v10 =	vld [tilespmem:s13+$0x7800]  }
0x2aa: {  	v11 =	vld [tilespmem:s13+$0x7880]  }
0x2ab: {  	v6 =	vld [tilespmem:s13+$0x5780]  }
0x2ac: {  	v7 =	vld [tilespmem:s13+$0x6600]  }
0x2ad: {  	v8 =	vld [tilespmem:s13+$0x5700]  }
0x2ae: {  	v9 =	vld [tilespmem:s13+$0x6580]  }
0x2af: {  	v15 =	vld [tilespmem:s13+$0x5600]  }
0x2b0: {  	v12 =	vld [tilespmem:s13+$0x5880]  }
0x2b1: {  	v14 =	vld [tilespmem:s13+$0x6700]  }
0x2b2: {  	v13 =	vld [tilespmem:s13+$0x7580]  }
0x2b3: {  	v17 =	vld [tilespmem:s13+$0x5680]  }
0x2b4: {  	s17 =	simm.s32 $0x10;
	v16 =	vld [tilespmem:s13+$0x5900]  }
.LBB2_5:
0x2b5: {  	p0 =	sne.s32 s17, $0x1F0;
	v18 =	vld [tilespmem:s13+$0x6780]  }
0x2b6: {  	v19 =	vld [tilespmem:s13+$0x7600]  }
0x2b7: {  	v20 =	vld [tilespmem:s13+$0x6800]  }
0x2b8: {  	v21 =	vld [tilespmem:s13+$0x7680]  }
0x2b9: {  	v10 =	vadd.f32 v11, v10;
	v15 =	vadd.f32 v17, v15;
	v11 =	vld [tilespmem:s13+$0x6880]  }
0x2ba: {  	v12 =	vadd.f32 v16, v12;
	v14 =	vadd.f32 v18, v14;
	v16 =	vld [tilespmem:s13+$0x7700]  }
0x2bb: {  	v17 =	vadd.f32 v5, v10;
	v13 =	vadd.f32 v19, v13;
	v10 =	vld [tilespmem:s13+$0x6900]  }
0x2bc: {  	s14 =	sadd.s32 $0x80, s14;
	v5 =	vadd.f32 v8, v15;
	v8 =	vadd.f32 v9, v12;
	v9 =	vld [tilespmem:s13+$0x7780]  }
0x2bd: {  	s18 =	sand.u32 $0x70, s17;
	s19 =	sand.u32 $0xC00, s14;
	v12 =	vadd.f32 v20, v14;
	v13 =	vadd.f32 v21, v13;
	v14 =	vld [tilespmem:s13+$0x8580]  }
0x2be: {  	s18 =	sor.u32 s18, s19;
	v6 =	vadd.f32 v6, v5;
	v7 =	vadd.f32 v7, v8;
	v8 =	vld [tilespmem:s13+$0x8600]  }
0x2bf: {  	v11 =	vadd.f32 v11, v12;
	v5 =	vld [tilespmem:s18+$0x7900];
	v12 =	vadd.f32 v16, v13  }
0x2c0: {  	v6 =	vadd.f32 v3, v6;
	v7 =	vadd.f32 v4, v7;
	v3 =	vld [tilespmem:s18+$0x5800]  }
0x2c1: {  	v13 =	vadd.f32 v10, v11;
	v4 =	vld [tilespmem:s18+$0x6680];
	v9 =	vadd.f32 v9, v12  }
0x2c2: {  	v10 =	vld [tilespmem:s18+$0x7800];
	v12 =	vadd.f32 v14, v17  }
0x2c3: {  	v14 =	vadd.f32 v7, v6;
	v11 =	vld [tilespmem:s18+$0x7880];
	v9 =	vadd.f32 v9, v13  }
0x2c4: {  	v6 =	vld [tilespmem:s18+$0x5780]  }
0x2c5: {  	v12 =	vadd.f32 v8, v12;
	v7 =	vld [tilespmem:s18+$0x6600];
	v13 =	vadd.f32 v9, v14  }
0x2c6: {  	v8 =	vld [tilespmem:s18+$0x5700]  }
0x2c7: {  	v9 =	vld [tilespmem:s18+$0x6580];
	v13 =	vadd.f32 v13, v12  }
0x2c8: {  	v15 =	vld [tilespmem:s18+$0x5600]  }
.Ltmp5:
0x2c9: {  	v12 =	vld [tilespmem:s18+$0x5880];
	[tilespmem:s13+$0x1C600] =	vst v13;
	s13 =	smov.u32 s18;
	(pc) =	sbr.rel @p0 .LBB2_5-.Ltmp5, $4  }
0x2ca: {  	v14 =	vld [tilespmem:s13+$0x6700]  }
0x2cb: {  	v13 =	vld [tilespmem:s13+$0x7580]  }
0x2cc: {  	v17 =	vld [tilespmem:s13+$0x5680]  }
0x2cd: {  	s17 =	sadd.s32 $0x10, s17;
	v16 =	vld [tilespmem:s13+$0x5900]  }
0x2ce: {  	v18 =	vld [tilespmem:s13+$0x6780]  }
0x2cf: {  	v19 =	vld [tilespmem:s13+$0x7600]  }
0x2d0: {  	v20 =	vld [tilespmem:s13+$0x6800];
	v10 =	vadd.f32 v11, v10  }
0x2d1: {  	v21 =	vld [tilespmem:s13+$0x7680]  }
0x2d2: {  	v11 =	vld [tilespmem:s13+$0x6880];
	v5 =	vadd.f32 v5, v10  }
0x2d3: {  	v15 =	vadd.f32 v17, v15;
	v12 =	vadd.f32 v16, v12;
	v16 =	vld [tilespmem:s13+$0x7700]  }
0x2d4: {  	v10 =	vld [tilespmem:s13+$0x6900];
	v14 =	vadd.f32 v18, v14;
	v13 =	vadd.f32 v19, v13  }
0x2d5: {  	v8 =	vadd.f32 v8, v15;
	v9 =	vadd.f32 v9, v12;
	v12 =	vld [tilespmem:s13+$0x7780]  }
0x2d6: {  	v15 =	vld [tilespmem:s13+$0x8580];
	v14 =	vadd.f32 v20, v14;
	v13 =	vadd.f32 v21, v13  }
0x2d7: {  	v6 =	vadd.f32 v6, v8;
	v7 =	vadd.f32 v7, v9  }
0x2d8: {  	v8 =	vadd.f32 v11, v14;
	v9 =	vadd.f32 v16, v13  }
0x2d9: {  	v11 =	vld [tilespmem:s13+$0x8600];
	v3 =	vadd.f32 v3, v6;
	v4 =	vadd.f32 v4, v7  }
0x2da: {  	v6 =	vadd.f32 v10, v8;
	v7 =	vadd.f32 v12, v9  }
0x2db: {  	v5 =	vadd.f32 v15, v5  }
0x2dc: {  	v3 =	vadd.f32 v4, v3;
	v4 =	vadd.f32 v7, v6;
	_ =	sdelay $0x1  }
0x2dd: {  	v5 =	vadd.f32 v11, v5;
	v3 =	vadd.f32 v4, v3;
	_ =	sdelay $0x1  }
0x2de: {  	s14 =	simm.s32 $0x0;
	v3 =	vadd.f32 v3, v5  }
0x2df: {  	s17 =	sand.u32 $0x70, s14;
	s18 =	sand.u32 $0xC00, s14  }
0x2e0: {  	[tilespmem:s13+$0x1C600] =	vst v3;
	s13 =	sor.u32 s17, s18  }
0x2e1: {  	v5 =	vld [tilespmem:s13+$0xB580]  }
0x2e2: {  	v3 =	vld [tilespmem:s13+$0x8880]  }
0x2e3: {  	v4 =	vld [tilespmem:s13+$0x9700]  }
0x2e4: {  	v10 =	vld [tilespmem:s13+$0xA880]  }
0x2e5: {  	v11 =	vld [tilespmem:s13+$0xA900]  }
0x2e6: {  	v6 =	vld [tilespmem:s13+$0x8800]  }
0x2e7: {  	v7 =	vld [tilespmem:s13+$0x9680]  }
0x2e8: {  	v8 =	vld [tilespmem:s13+$0x8780]  }
0x2e9: {  	v9 =	vld [tilespmem:s13+$0x9600]  }
0x2ea: {  	v15 =	vld [tilespmem:s13+$0x8680]  }
0x2eb: {  	v12 =	vld [tilespmem:s13+$0x8900]  }
0x2ec: {  	v14 =	vld [tilespmem:s13+$0x9780]  }
0x2ed: {  	v13 =	vld [tilespmem:s13+$0xA600]  }
0x2ee: {  	v17 =	vld [tilespmem:s13+$0x8700]  }
0x2ef: {  	s19 =	simm.s32 $0x0;
	s18 =	simm.s32 $0x10;
	v16 =	vld [tilespmem:s13+$0x9580];
	s17 =	smov.u32 s13  }
.LBB2_7:
0x2f0: {  	p0 =	sne.s32 s18, $0x1F0;
	v18 =	vld [tilespmem:s17+$0x9800]  }
0x2f1: {  	v19 =	vld [tilespmem:s17+$0xA680]  }
0x2f2: {  	v20 =	vld [tilespmem:s17+$0x9880]  }
0x2f3: {  	v21 =	vld [tilespmem:s17+$0xA700]  }
0x2f4: {  	v10 =	vadd.f32 v11, v10;
	v15 =	vadd.f32 v17, v15;
	v11 =	vld [tilespmem:s17+$0x9900]  }
0x2f5: {  	v12 =	vadd.f32 v16, v12;
	v14 =	vadd.f32 v18, v14;
	v16 =	vld [tilespmem:s17+$0xA780]  }
0x2f6: {  	v17 =	vadd.f32 v5, v10;
	v13 =	vadd.f32 v19, v13;
	v10 =	vld [tilespmem:s17+$0xA580]  }
0x2f7: {  	s19 =	sadd.s32 $0x80, s19;
	v5 =	vadd.f32 v8, v15;
	v8 =	vadd.f32 v9, v12;
	v9 =	vld [tilespmem:s17+$0xA800]  }
0x2f8: {  	s20 =	sand.u32 $0x70, s18;
	s21 =	sand.u32 $0xC00, s19;
	v12 =	vadd.f32 v20, v14;
	v13 =	vadd.f32 v21, v13;
	v14 =	vld [tilespmem:s17+$0xB600]  }
0x2f9: {  	s20 =	sor.u32 s20, s21;
	v6 =	vadd.f32 v6, v5;
	v7 =	vadd.f32 v7, v8;
	v8 =	vld [tilespmem:s17+$0xB680]  }
0x2fa: {  	v11 =	vadd.f32 v11, v12;
	v5 =	vld [tilespmem:s20+$0xB580];
	v12 =	vadd.f32 v16, v13  }
0x2fb: {  	v6 =	vadd.f32 v3, v6;
	v7 =	vadd.f32 v4, v7;
	v3 =	vld [tilespmem:s20+$0x8880]  }
0x2fc: {  	v13 =	vadd.f32 v10, v11;
	v4 =	vld [tilespmem:s20+$0x9700];
	v9 =	vadd.f32 v9, v12  }
0x2fd: {  	v10 =	vld [tilespmem:s20+$0xA880];
	v12 =	vadd.f32 v14, v17  }
0x2fe: {  	v14 =	vadd.f32 v7, v6;
	v11 =	vld [tilespmem:s20+$0xA900];
	v9 =	vadd.f32 v9, v13  }
0x2ff: {  	v6 =	vld [tilespmem:s20+$0x8800]  }
0x300: {  	v12 =	vadd.f32 v8, v12;
	v7 =	vld [tilespmem:s20+$0x9680];
	v13 =	vadd.f32 v9, v14  }
0x301: {  	v8 =	vld [tilespmem:s20+$0x8780]  }
0x302: {  	v9 =	vld [tilespmem:s20+$0x9600];
	v13 =	vadd.f32 v13, v12  }
0x303: {  	v15 =	vld [tilespmem:s20+$0x8680]  }
.Ltmp6:
0x304: {  	v12 =	vld [tilespmem:s20+$0x8900];
	[tilespmem:s17+$0x1C680] =	vst v13;
	s17 =	smov.u32 s20;
	(pc) =	sbr.rel @p0 .LBB2_7-.Ltmp6, $4  }
0x305: {  	v14 =	vld [tilespmem:s17+$0x9780]  }
0x306: {  	v13 =	vld [tilespmem:s17+$0xA600]  }
0x307: {  	v17 =	vld [tilespmem:s17+$0x8700]  }
0x308: {  	s18 =	sadd.s32 $0x10, s18;
	v16 =	vld [tilespmem:s17+$0x9580]  }
0x309: {  	v18 =	vld [tilespmem:s17+$0x9800]  }
0x30a: {  	v19 =	vld [tilespmem:s17+$0xA680]  }
0x30b: {  	v20 =	vld [tilespmem:s17+$0x9880];
	v10 =	vadd.f32 v11, v10  }
0x30c: {  	v21 =	vld [tilespmem:s17+$0xA700]  }
0x30d: {  	v11 =	vld [tilespmem:s17+$0x9900];
	v5 =	vadd.f32 v5, v10  }
0x30e: {  	v15 =	vadd.f32 v17, v15;
	v12 =	vadd.f32 v16, v12;
	v16 =	vld [tilespmem:s17+$0xA780]  }
0x30f: {  	v10 =	vld [tilespmem:s17+$0xA580];
	v14 =	vadd.f32 v18, v14;
	v13 =	vadd.f32 v19, v13  }
0x310: {  	v8 =	vadd.f32 v8, v15;
	v9 =	vadd.f32 v9, v12;
	v12 =	vld [tilespmem:s17+$0xA800]  }
0x311: {  	v15 =	vld [tilespmem:s17+$0xB600];
	v14 =	vadd.f32 v20, v14;
	v13 =	vadd.f32 v21, v13  }
0x312: {  	v6 =	vadd.f32 v6, v8;
	v7 =	vadd.f32 v7, v9  }
0x313: {  	v8 =	vadd.f32 v11, v14;
	v9 =	vadd.f32 v16, v13  }
0x314: {  	v11 =	vld [tilespmem:s17+$0xB680];
	v3 =	vadd.f32 v3, v6;
	v4 =	vadd.f32 v4, v7  }
0x315: {  	v6 =	vadd.f32 v10, v8;
	v7 =	vadd.f32 v12, v9  }
0x316: {  	v5 =	vadd.f32 v15, v5  }
0x317: {  	v3 =	vadd.f32 v4, v3;
	v4 =	vadd.f32 v7, v6;
	_ =	sdelay $0x1  }
0x318: {  	v5 =	vadd.f32 v11, v5;
	v3 =	vadd.f32 v4, v3;
	_ =	sdelay $0x1  }
0x319: {  	v3 =	vadd.f32 v3, v5;
	_ =	sdelay $0x1  }
0x31a: {  	[tilespmem:s17+$0x1C680] =	vst v3  }
0x31b: {  	v5 =	vld [tilespmem:s13+$0xE600]  }
0x31c: {  	v3 =	vld [tilespmem:s13+$0xB900]  }
0x31d: {  	v4 =	vld [tilespmem:s13+$0xC780]  }
0x31e: {  	v10 =	vld [tilespmem:s13+$0xD900]  }
0x31f: {  	v11 =	vld [tilespmem:s13+$0xE580]  }
0x320: {  	v6 =	vld [tilespmem:s13+$0xB880]  }
0x321: {  	v7 =	vld [tilespmem:s13+$0xC700]  }
0x322: {  	v8 =	vld [tilespmem:s13+$0xB800]  }
0x323: {  	v9 =	vld [tilespmem:s13+$0xC680]  }
0x324: {  	v15 =	vld [tilespmem:s13+$0xB700]  }
0x325: {  	v12 =	vld [tilespmem:s13+$0xC580]  }
0x326: {  	v14 =	vld [tilespmem:s13+$0xC800]  }
0x327: {  	v13 =	vld [tilespmem:s13+$0xD680]  }
0x328: {  	v17 =	vld [tilespmem:s13+$0xB780]  }
0x329: {  	s17 =	simm.s32 $0x10;
	v16 =	vld [tilespmem:s13+$0xC600]  }
.LBB2_9:
0x32a: {  	p0 =	sne.s32 s17, $0x1F0;
	v18 =	vld [tilespmem:s13+$0xC880]  }
0x32b: {  	v19 =	vld [tilespmem:s13+$0xD700]  }
0x32c: {  	v20 =	vld [tilespmem:s13+$0xC900]  }
0x32d: {  	v21 =	vld [tilespmem:s13+$0xD780]  }
0x32e: {  	v10 =	vadd.f32 v11, v10;
	v15 =	vadd.f32 v17, v15;
	v11 =	vld [tilespmem:s13+$0xD580]  }
0x32f: {  	v12 =	vadd.f32 v16, v12;
	v14 =	vadd.f32 v18, v14;
	v16 =	vld [tilespmem:s13+$0xD800]  }
0x330: {  	v17 =	vadd.f32 v5, v10;
	v13 =	vadd.f32 v19, v13;
	v10 =	vld [tilespmem:s13+$0xD600]  }
0x331: {  	s14 =	sadd.s32 $0x80, s14;
	v5 =	vadd.f32 v8, v15;
	v8 =	vadd.f32 v9, v12;
	v9 =	vld [tilespmem:s13+$0xD880]  }
0x332: {  	s18 =	sand.u32 $0x70, s17;
	s19 =	sand.u32 $0xC00, s14;
	v12 =	vadd.f32 v20, v14;
	v13 =	vadd.f32 v21, v13;
	v14 =	vld [tilespmem:s13+$0xE680]  }
0x333: {  	s18 =	sor.u32 s18, s19;
	v6 =	vadd.f32 v6, v5;
	v7 =	vadd.f32 v7, v8;
	v8 =	vld [tilespmem:s13+$0xE700]  }
0x334: {  	v11 =	vadd.f32 v11, v12;
	v5 =	vld [tilespmem:s18+$0xE600];
	v12 =	vadd.f32 v16, v13  }
0x335: {  	v6 =	vadd.f32 v3, v6;
	v7 =	vadd.f32 v4, v7;
	v3 =	vld [tilespmem:s18+$0xB900]  }
0x336: {  	v13 =	vadd.f32 v10, v11;
	v4 =	vld [tilespmem:s18+$0xC780];
	v9 =	vadd.f32 v9, v12  }
0x337: {  	v10 =	vld [tilespmem:s18+$0xD900];
	v12 =	vadd.f32 v14, v17  }
0x338: {  	v14 =	vadd.f32 v7, v6;
	v11 =	vld [tilespmem:s18+$0xE580];
	v9 =	vadd.f32 v9, v13  }
0x339: {  	v6 =	vld [tilespmem:s18+$0xB880]  }
0x33a: {  	v12 =	vadd.f32 v8, v12;
	v7 =	vld [tilespmem:s18+$0xC700];
	v13 =	vadd.f32 v9, v14  }
0x33b: {  	v8 =	vld [tilespmem:s18+$0xB800]  }
0x33c: {  	v9 =	vld [tilespmem:s18+$0xC680];
	v13 =	vadd.f32 v13, v12  }
0x33d: {  	v15 =	vld [tilespmem:s18+$0xB700]  }
.Ltmp7:
0x33e: {  	v12 =	vld [tilespmem:s18+$0xC580];
	[tilespmem:s13+$0x1C700] =	vst v13;
	s13 =	smov.u32 s18;
	(pc) =	sbr.rel @p0 .LBB2_9-.Ltmp7, $4  }
0x33f: {  	v14 =	vld [tilespmem:s13+$0xC800]  }
0x340: {  	v13 =	vld [tilespmem:s13+$0xD680]  }
0x341: {  	v17 =	vld [tilespmem:s13+$0xB780]  }
0x342: {  	s17 =	sadd.s32 $0x10, s17;
	v16 =	vld [tilespmem:s13+$0xC600]  }
0x343: {  	v18 =	vld [tilespmem:s13+$0xC880]  }
0x344: {  	v19 =	vld [tilespmem:s13+$0xD700]  }
0x345: {  	v20 =	vld [tilespmem:s13+$0xC900];
	v10 =	vadd.f32 v11, v10  }
0x346: {  	v21 =	vld [tilespmem:s13+$0xD780]  }
0x347: {  	v53 =	vld [tilespmem:s13+$0xD580];
	v5 =	vadd.f32 v5, v10  }
0x348: {  	v54 =	vld [tilespmem:s13+$0xD800];
	v15 =	vadd.f32 v17, v15;
	v12 =	vadd.f32 v16, v12  }
0x349: {  	v55 =	vld [tilespmem:s13+$0xD600];
	v14 =	vadd.f32 v18, v14;
	v13 =	vadd.f32 v19, v13  }
0x34a: {  	v56 =	vld [tilespmem:s13+$0xD880];
	v8 =	vadd.f32 v8, v15;
	v9 =	vadd.f32 v9, v12  }
0x34b: {  	v57 =	vld [tilespmem:s13+$0xE680];
	v14 =	vadd.f32 v20, v14;
	v13 =	vadd.f32 v21, v13  }
0x34c: {  	v6 =	vadd.f32 v6, v8;
	v7 =	vadd.f32 v7, v9  }
0x34d: {  	v58 =	vadd.f32 v53, v14;
	v59 =	vadd.f32 v54, v13  }
0x34e: {  	v60 =	vld [tilespmem:s13+$0xE700];
	v3 =	vadd.f32 v3, v6;
	v4 =	vadd.f32 v4, v7  }
0x34f: {  	v61 =	vadd.f32 v55, v58;
	v62 =	vadd.f32 v56, v59  }
0x350: {  	v5 =	vadd.f32 v57, v5  }
0x351: {  	v3 =	vadd.f32 v4, v3;
	v63 =	vadd.f32 v62, v61  }
0x352: {  	p0 =	seq.s32 s12, $0x2B  }
.Ltmp8:
0x353: {  	v5 =	vadd.f32 v60, v5;
	v3 =	vadd.f32 v63, v3;
	(pc) =	sbr.rel @p0 .LBB2_12-.Ltmp8, $3  }
0x354: {  	_ = 	snop  }
0x355: {  	v3 =	vadd.f32 v3, v5;
	_ =	sdelay $0x1  }
0x356: {  	[tilespmem:s13+$0x1C700] =	vst v3  }
0x357: {  	s13 =	smul.u32 $0x340, s12;
	_ =	sdelay $0x1  }
0x358: {  	s13 =	sshra.s32 s13, $0x2  }
0x359: {  	v3 =	vld [tilespmem:s13+$0x250];
	_ =	sdelay $0x4  }
0x35a: {  	v4 =	vshll.u32 v3, $0x2  }
0x35b: {  	v3 =	vand.u32 $0x7, v3;
	v4 =	vand.u32 $0xFFFFFFE0, v4  }
0x35c: {  	v3 =	vor.u32 v3, v4  }
0x35d: {  	v4 =	vperm.xlane v3, v0;
	_ =	sdelay $0x1  }
0x35e: {  	v4 =	vadd.s32 v1, v4;
	_ =	sdelay $0x1  }
0x35f: {  	v3 =	vperm.xlane v3, v2;
	_ =	sdelay $0x1  }
0x360: {  	v3 =	vadd.s32 v1, v3  }
0x361: {  	[tilespmem:s11], [sflag:$0x1] =	stream.indirect_vreg.gather [hbm4b:s1+s3], $0x80, v4, vm0, $0xb8;
	[tilespmem:$0x1D580] =	vst v63  }
0x362: {  	s14 =	simm.s32 $0x2D80  }
0x363: {  	[tilespmem:s14], [sflag:$0x1] =	stream.indirect_vreg.gather [hbm4b:s8+s3], $0x80, v4, vm0, $0xb8;
	[tilespmem:$0x1D580] =	vst v63  }
0x364: {  	s17 =	simm.s32 $0x3580  }
0x365: {  	[tilespmem:s17], [sflag:$0x1] =	stream.indirect_vreg.gather [hbm4b:s1+s3], $0x80, v3, vm0, $0xb8;
	[tilespmem:$0x1D580] =	vst v63  }
0x366: {  	s18 =	simm.s32 $0x3D80  }
0x367: {  	[tilespmem:s18], [sflag:$0x1] =	stream.indirect_vreg.gather [hbm4b:s8+s3], $0x80, v3, vm0, $0xb8;
	[tilespmem:$0x1D580] =	vst v63  }
0x368: {  	v3 =	vld [tilespmem:s13+$0x260];
	_ =	sdelay $0x4  }
0x369: {  	v58 =	vshll.u32 v3, $0x2  }
0x36a: {  	v3 =	vand.u32 $0x7, v3;
	v4 =	vand.u32 $0xFFFFFFE0, v58  }
0x36b: {  	v3 =	vor.u32 v3, v4  }
0x36c: {  	v4 =	vperm.xlane v3, v0;
	_ =	sdelay $0x1  }
0x36d: {  	v4 =	vadd.s32 v1, v4;
	_ =	sdelay $0x1  }
0x36e: {  	v3 =	vperm.xlane v3, v2;
	_ =	sdelay $0x1  }
0x36f: {  	s19 =	simm.s32 $0x4580;
	v3 =	vadd.s32 v1, v3  }
0x370: {  	[tilespmem:s19], [sflag:$0x1] =	stream.indirect_vreg.gather [hbm4b:s1+s3], $0x80, v4, vm0, $0xb8;
	[tilespmem:$0x1D580] =	vst v63  }
0x371: {  	s20 =	simm.s32 $0x4D80  }
0x372: {  	[tilespmem:s20], [sflag:$0x1] =	stream.indirect_vreg.gather [hbm4b:s8+s3], $0x80, v4, vm0, $0xb8;
	[tilespmem:$0x1D580] =	vst v63  }
0x373: {  	s21 =	simm.s32 $0x5580  }
0x374: {  	[tilespmem:s21], [sflag:$0x1] =	stream.indirect_vreg.gather [hbm4b:s1+s3], $0x80, v3, vm0, $0xb8;
	[tilespmem:$0x1D580] =	vst v63  }
0x375: {  	s22 =	simm.s32 $0x5D80  }
0x376: {  	[tilespmem:s22], [sflag:$0x1] =	stream.indirect_vreg.gather [hbm4b:s8+s3], $0x80, v3, vm0, $0xb8;
	[tilespmem:$0x1D580] =	vst v63  }
0x377: {  	v3 =	vld [tilespmem:s13+$0x270];
	_ =	sdelay $0x4  }
0x378: {  	v59 =	vshll.u32 v3, $0x2  }
0x379: {  	v3 =	vand.u32 $0x7, v3;
	v4 =	vand.u32 $0xFFFFFFE0, v59  }
0x37a: {  	v3 =	vor.u32 v3, v4  }
0x37b: {  	v4 =	vperm.xlane v3, v0;
	_ =	sdelay $0x1  }
0x37c: {  	v4 =	vadd.s32 v1, v4;
	_ =	sdelay $0x1  }
0x37d: {  	v3 =	vperm.xlane v3, v2;
	_ =	sdelay $0x1  }
0x37e: {  	s0 =	simm.s32 $0x6580;
	v3 =	vadd.s32 v1, v3  }
0x37f: {  	[tilespmem:s0], [sflag:$0x1] =	stream.indirect_vreg.gather [hbm4b:s1+s3], $0x80, v4, vm0, $0xb8;
	[tilespmem:$0x1D580] =	vst v63  }
0x380: {  	s0 =	simm.s32 $0x6D80  }
0x381: {  	[tilespmem:s0], [sflag:$0x1] =	stream.indirect_vreg.gather [hbm4b:s8+s3], $0x80, v4, vm0, $0xb8;
	[tilespmem:$0x1D580] =	vst v63  }
0x382: {  	s17 =	simm.s32 $0x7580  }
0x383: {  	[tilespmem:s17], [sflag:$0x1] =	stream.indirect_vreg.gather [hbm4b:s1+s3], $0x80, v3, vm0, $0xb8;
	[tilespmem:$0x1D580] =	vst v63  }
0x384: {  	s18 =	simm.s32 $0x7D80  }
0x385: {  	[tilespmem:s18], [sflag:$0x1] =	stream.indirect_vreg.gather [hbm4b:s8+s3], $0x80, v3, vm0, $0xb8;
	[tilespmem:$0x1D580] =	vst v63  }
0x386: {  	v3 =	vld [tilespmem:s13+$0x280];
	_ =	sdelay $0x4  }
0x387: {  	v60 =	vshll.u32 v3, $0x2  }
0x388: {  	v3 =	vand.u32 $0x7, v3;
	v4 =	vand.u32 $0xFFFFFFE0, v60  }
0x389: {  	v3 =	vor.u32 v3, v4  }
0x38a: {  	v4 =	vperm.xlane v3, v0;
	_ =	sdelay $0x1  }
0x38b: {  	v4 =	vadd.s32 v1, v4;
	_ =	sdelay $0x1  }
0x38c: {  	v3 =	vperm.xlane v3, v2;
	_ =	sdelay $0x1  }
0x38d: {  	s19 =	simm.s32 $0x8580;
	v3 =	vadd.s32 v1, v3  }
0x38e: {  	[tilespmem:s19], [sflag:$0x1] =	stream.indirect_vreg.gather [hbm4b:s1+s3], $0x80, v4, vm0, $0xb8;
	[tilespmem:$0x1D580] =	vst v63  }
0x38f: {  	s20 =	simm.s32 $0x8D80  }
0x390: {  	[tilespmem:s20], [sflag:$0x1] =	stream.indirect_vreg.gather [hbm4b:s8+s3], $0x80, v4, vm0, $0xb8;
	[tilespmem:$0x1D580] =	vst v63  }
0x391: {  	s21 =	simm.s32 $0x9580  }
0x392: {  	[tilespmem:s21], [sflag:$0x1] =	stream.indirect_vreg.gather [hbm4b:s1+s3], $0x80, v3, vm0, $0xb8;
	[tilespmem:$0x1D580] =	vst v63  }
0x393: {  	s22 =	simm.s32 $0x9D80  }
0x394: {  	[tilespmem:s22], [sflag:$0x1] =	stream.indirect_vreg.gather [hbm4b:s8+s3], $0x80, v3, vm0, $0xb8;
	[tilespmem:$0x1D580] =	vst v63  }
0x395: {  	v3 =	vld [tilespmem:s13+$0x290];
	_ =	sdelay $0x4  }
0x396: {  	v61 =	vshll.u32 v3, $0x2  }
0x397: {  	v3 =	vand.u32 $0x7, v3;
	v4 =	vand.u32 $0xFFFFFFE0, v61  }
0x398: {  	v3 =	vor.u32 v3, v4  }
0x399: {  	v4 =	vperm.xlane v3, v0;
	_ =	sdelay $0x1  }
0x39a: {  	v4 =	vadd.s32 v1, v4;
	_ =	sdelay $0x1  }
0x39b: {  	v3 =	vperm.xlane v3, v2;
	_ =	sdelay $0x1  }
0x39c: {  	s14 =	simm.s32 $0xA580;
	v3 =	vadd.s32 v1, v3  }
0x39d: {  	[tilespmem:s14], [sflag:$0x1] =	stream.indirect_vreg.gather [hbm4b:s1+s3], $0x80, v4, vm0, $0xb8;
	[tilespmem:$0x1D580] =	vst v63  }
0x39e: {  	_ = 	snop  }
0x39f: {  	[tilespmem:s26], [sflag:$0x1] =	stream.indirect_vreg.gather [hbm4b:s8+s3], $0x80, v4, vm0, $0xb8;
	[tilespmem:$0x1D580] =	vst v63  }
0x3a0: {  	s17 =	simm.s32 $0xB580  }
0x3a1: {  	[tilespmem:s17], [sflag:$0x1] =	stream.indirect_vreg.gather [hbm4b:s1+s3], $0x80, v3, vm0, $0xb8;
	[tilespmem:$0x1D580] =	vst v63  }
0x3a2: {  	_ = 	snop  }
0x3a3: {  	[tilespmem:s29], [sflag:$0x1] =	stream.indirect_vreg.gather [hbm4b:s8+s3], $0x80, v3, vm0, $0xb8;
	[tilespmem:$0x1D580] =	vst v63  }
0x3a4: {  	v3 =	vld [tilespmem:s13+$0x2A0];
	_ =	sdelay $0x4  }
0x3a5: {  	v62 =	vshll.u32 v3, $0x2  }
0x3a6: {  	v3 =	vand.u32 $0x7, v3;
	v4 =	vand.u32 $0xFFFFFFE0, v62  }
0x3a7: {  	v3 =	vor.u32 v3, v4  }
0x3a8: {  	v4 =	vperm.xlane v3, v0;
	_ =	sdelay $0x1  }
0x3a9: {  	v4 =	vadd.s32 v1, v4;
	_ =	sdelay $0x1  }
0x3aa: {  	v3 =	vperm.xlane v3, v2;
	_ =	sdelay $0x1  }
0x3ab: {  	s18 =	simm.s32 $0xC580;
	v3 =	vadd.s32 v1, v3  }
0x3ac: {  	[tilespmem:s18], [sflag:$0x1] =	stream.indirect_vreg.gather [hbm4b:s1+s3], $0x80, v4, vm0, $0xb8;
	[tilespmem:$0x1D580] =	vst v63  }
0x3ad: {  	_ = 	snop  }
0x3ae: {  	[tilespmem:s31], [sflag:$0x1] =	stream.indirect_vreg.gather [hbm4b:s8+s3], $0x80, v4, vm0, $0xb8;
	[tilespmem:$0x1D580] =	vst v63  }
0x3af: {  	s19 =	simm.s32 $0xD580  }
0x3b0: {  	[tilespmem:s19], [sflag:$0x1] =	stream.indirect_vreg.gather [hbm4b:s1+s3], $0x80, v3, vm0, $0xb8;
	[tilespmem:$0x1D580] =	vst v63  }
0x3b1: {  	s20 =	simm.s32 $0xDD80  }
0x3b2: {  	[tilespmem:s20], [sflag:$0x1] =	stream.indirect_vreg.gather [hbm4b:s8+s3], $0x80, v3, vm0, $0xb8;
	[tilespmem:$0x1D580] =	vst v63  }
0x3b3: {  	v3 =	vld.msk [tilespmem:s13+$0x2B0], $0xff;
	_ =	sdelay $0x4  }
0x3b4: {  	v63 =	vshll.u32 v3, $0x2  }
0x3b5: {  	v3 =	vand.u32 $0x7, v3;
	v4 =	vand.u32 $0xFFFFFFE0, v63  }
0x3b6: {  	v3 =	vor.u32 v3, v4  }
0x3b7: {  	v3 =	vperm.xlane v3, v0;
	_ =	sdelay $0x1  }
0x3b8: {  	v3 =	vadd.s32 v1, v3;
	_ =	sdelay $0x3  }
0x3b9: {  	s21 =	simm.s32 $0xE580  }
0x3ba: {  	[tilespmem:s21], [sflag:$0x1] =	stream.indirect_vreg.gather [hbm4b:s1+s3], $0x80, v3, vm0, $0xb8;
	[tilespmem:$0x1D580] =	vst v63  }
0x3bb: {  	s22 =	simm.s32 $0xED80  }
0x3bc: {  	[tilespmem:s22], [sflag:$0x1] =	stream.indirect_vreg.gather [hbm4b:s8+s3], $0x80, v3, vm0, $0xb8;
	[tilespmem:$0x1D580] =	vst v63  }
.LBB2_12:
0x3bd: {  	_ =	swait.ge [sflag:s9], $0xD000;
	s13 =	simm.s32 $0x0  }
0x3be: {  	[sflag:s9] =	ssyncset.done $0x0;
	s14 =	sand.u32 $0x70, s13;
	s17 =	sand.u32 $0xC00, s13  }
0x3bf: {  	[sflag:s9] =	ssyncadd.s32 $0xFFFF3000;
	s14 =	sor.u32 s14, s17  }
0x3c0: {  	v6 =	vld [tilespmem:s14+$0x11880]  }
0x3c1: {  	v4 =	vld [tilespmem:s14+$0xF780]  }
0x3c2: {  	v3 =	vld [tilespmem:s14+$0x10600]  }
0x3c3: {  	v10 =	vld [tilespmem:s14+$0x11780]  }
0x3c4: {  	v11 =	vld [tilespmem:s14+$0x11800]  }
0x3c5: {  	v7 =	vld [tilespmem:s14+$0xF700]  }
0x3c6: {  	v5 =	vld [tilespmem:s14+$0x10580]  }
0x3c7: {  	v8 =	vld [tilespmem:s14+$0xF680]  }
0x3c8: {  	v9 =	vld [tilespmem:s14+$0x10780]  }
0x3c9: {  	v15 =	vld [tilespmem:s14+$0xF580]  }
0x3ca: {  	v12 =	vld [tilespmem:s14+$0xF800]  }
0x3cb: {  	v14 =	vld [tilespmem:s14+$0x10680]  }
0x3cc: {  	v13 =	vld [tilespmem:s14+$0x10900]  }
0x3cd: {  	s20 =	simm.s32 $0x10;
	v17 =	vld [tilespmem:s14+$0xF600]  }
0x3ce: {  	s18 =	simm.s32 $0x0;
	s19 =	simm.s32 $0x0;
	v16 =	vld [tilespmem:s14+$0xF880];
	s17 =	smov.u32 s14  }
.LBB2_13:
0x3cf: {  	p1 =	sne.s32 s20, $0x1F0;
	v18 =	vld [tilespmem:s17+$0x10700]  }
0x3d0: {  	s21 =	sor.u32 s19, s18;
	s18 =	smov.u32 s20;
	v19 =	vld [tilespmem:s17+$0x11580]  }
0x3d1: {  	s21 =	sor.u32 $0x380, s21;
	v20 =	vld [tilespmem:s17+$0x11600]  }
0x3d2: {  	v21 =	vld [tilespmem:s21+$0xF580]  }
0x3d3: {  	v10 =	vadd.f32 v11, v10;
	v15 =	vadd.f32 v17, v15;
	v11 =	vld [tilespmem:s17+$0x10800]  }
0x3d4: {  	v12 =	vadd.f32 v16, v12;
	v14 =	vadd.f32 v18, v14;
	v16 =	vld [tilespmem:s17+$0x11680]  }
0x3d5: {  	v17 =	vadd.f32 v6, v10;
	v13 =	vadd.f32 v19, v13;
	v10 =	vld [tilespmem:s17+$0x10880]  }
0x3d6: {  	s19 =	sadd.s32 $0x80, s19;
	v6 =	vadd.f32 v8, v15;
	v8 =	vadd.f32 v9, v14;
	v9 =	vld [tilespmem:s17+$0x11700]  }
0x3d7: {  	s22 =	sand.u32 $0xC00, s19;
	s21 =	sand.u32 $0x70, s20;
	v12 =	vadd.f32 v21, v12;
	v13 =	vadd.f32 v20, v13;
	v14 =	vld [tilespmem:s17+$0x11900]  }
0x3d8: {  	s21 =	sor.u32 s21, s22;
	v7 =	vadd.f32 v7, v6;
	v8 =	vadd.f32 v11, v8;
	v15 =	vld [tilespmem:s17+$0x12580]  }
0x3d9: {  	v6 =	vld [tilespmem:s21+$0x11880];
	v5 =	vadd.f32 v5, v12;
	v11 =	vadd.f32 v16, v13  }
0x3da: {  	v7 =	vadd.f32 v4, v7;
	v4 =	vld [tilespmem:s21+$0xF780];
	v8 =	vadd.f32 v10, v8  }
0x3db: {  	v5 =	vadd.f32 v3, v5;
	v3 =	vld [tilespmem:s21+$0x10600];
	v9 =	vadd.f32 v9, v11  }
0x3dc: {  	v10 =	vld [tilespmem:s21+$0x11780];
	v12 =	vadd.f32 v14, v17  }
0x3dd: {  	v11 =	vld [tilespmem:s21+$0x11800];
	v13 =	vadd.f32 v5, v7;
	v8 =	vadd.f32 v9, v8  }
0x3de: {  	v7 =	vld [tilespmem:s21+$0xF700]  }
0x3df: {  	v12 =	vadd.f32 v15, v12;
	v5 =	vld [tilespmem:s21+$0x10580];
	v13 =	vadd.f32 v8, v13  }
0x3e0: {  	v8 =	vld [tilespmem:s21+$0xF680]  }
0x3e1: {  	v9 =	vld [tilespmem:s21+$0x10780];
	v13 =	vadd.f32 v13, v12  }
0x3e2: {  	v15 =	vld [tilespmem:s21+$0xF580]  }
.Ltmp9:
0x3e3: {  	v12 =	vld [tilespmem:s21+$0xF800];
	[tilespmem:s17+$0x1C780] =	vst v13;
	s17 =	smov.u32 s21;
	(pc) =	sbr.rel @p1 .LBB2_13-.Ltmp9, $4  }
0x3e4: {  	v14 =	vld [tilespmem:s17+$0x10680]  }
0x3e5: {  	v13 =	vld [tilespmem:s17+$0x10900]  }
0x3e6: {  	v17 =	vld [tilespmem:s17+$0xF600]  }
0x3e7: {  	s20 =	sadd.s32 $0x10, s20;
	v16 =	vld [tilespmem:s17+$0xF880]  }
0x3e8: {  	v18 =	vld [tilespmem:s17+$0x10700]  }
0x3e9: {  	v19 =	vld [tilespmem:s17+$0x11580];
	s18 =	sor.u32 s19, s18  }
0x3ea: {  	v20 =	vld [tilespmem:s17+$0x11600];
	s18 =	sor.u32 $0x380, s18  }
0x3eb: {  	v21 =	vld [tilespmem:s18+$0xF580]  }
0x3ec: {  	v10 =	vadd.f32 v11, v10;
	v11 =	vld [tilespmem:s17+$0x10800];
	v15 =	vadd.f32 v17, v15  }
0x3ed: {  	v12 =	vadd.f32 v16, v12;
	v16 =	vld [tilespmem:s17+$0x11680];
	v14 =	vadd.f32 v18, v14  }
0x3ee: {  	v6 =	vadd.f32 v6, v10;
	v10 =	vld [tilespmem:s17+$0x10880];
	v13 =	vadd.f32 v19, v13  }
0x3ef: {  	v8 =	vadd.f32 v8, v15;
	v9 =	vadd.f32 v9, v14;
	v14 =	vld [tilespmem:s17+$0x11700]  }
0x3f0: {  	v15 =	vld [tilespmem:s17+$0x11900];
	v12 =	vadd.f32 v21, v12;
	v13 =	vadd.f32 v20, v13  }
0x3f1: {  	v7 =	vadd.f32 v7, v8;
	v8 =	vadd.f32 v11, v9  }
0x3f2: {  	v5 =	vadd.f32 v5, v12;
	v9 =	vadd.f32 v16, v13  }
0x3f3: {  	v11 =	vld [tilespmem:s17+$0x12580];
	v4 =	vadd.f32 v4, v7;
	v7 =	vadd.f32 v10, v8  }
0x3f4: {  	v3 =	vadd.f32 v3, v5;
	v5 =	vadd.f32 v14, v9  }
0x3f5: {  	v6 =	vadd.f32 v15, v6  }
0x3f6: {  	v3 =	vadd.f32 v3, v4;
	v4 =	vadd.f32 v5, v7;
	_ =	sdelay $0x1  }
0x3f7: {  	v5 =	vadd.f32 v11, v6;
	v3 =	vadd.f32 v4, v3;
	_ =	sdelay $0x1  }
0x3f8: {  	v3 =	vadd.f32 v3, v5;
	_ =	sdelay $0x1  }
0x3f9: {  	[tilespmem:s17+$0x1C780] =	vst v3  }
0x3fa: {  	v5 =	vld [tilespmem:s14+$0x14900]  }
0x3fb: {  	v3 =	vld [tilespmem:s14+$0x12800]  }
0x3fc: {  	v4 =	vld [tilespmem:s14+$0x13680]  }
0x3fd: {  	v10 =	vld [tilespmem:s14+$0x14800]  }
0x3fe: {  	v11 =	vld [tilespmem:s14+$0x14880]  }
0x3ff: {  	v6 =	vld [tilespmem:s14+$0x12780]  }
0x400: {  	v7 =	vld [tilespmem:s14+$0x13600]  }
0x401: {  	v8 =	vld [tilespmem:s14+$0x12700]  }
0x402: {  	v9 =	vld [tilespmem:s14+$0x13580]  }
0x403: {  	v15 =	vld [tilespmem:s14+$0x12600]  }
0x404: {  	v12 =	vld [tilespmem:s14+$0x12880]  }
0x405: {  	v14 =	vld [tilespmem:s14+$0x13700]  }
0x406: {  	v13 =	vld [tilespmem:s14+$0x14580]  }
0x407: {  	v17 =	vld [tilespmem:s14+$0x12680]  }
0x408: {  	s17 =	simm.s32 $0x10;
	v16 =	vld [tilespmem:s14+$0x12900]  }
.LBB2_15:
0x409: {  	p1 =	sne.s32 s17, $0x1F0;
	v18 =	vld [tilespmem:s14+$0x13780]  }
0x40a: {  	v19 =	vld [tilespmem:s14+$0x14600]  }
0x40b: {  	v20 =	vld [tilespmem:s14+$0x13800]  }
0x40c: {  	v21 =	vld [tilespmem:s14+$0x14680]  }
0x40d: {  	v10 =	vadd.f32 v11, v10;
	v15 =	vadd.f32 v17, v15;
	v11 =	vld [tilespmem:s14+$0x13880]  }
0x40e: {  	v12 =	vadd.f32 v16, v12;
	v14 =	vadd.f32 v18, v14;
	v16 =	vld [tilespmem:s14+$0x14700]  }
0x40f: {  	v17 =	vadd.f32 v5, v10;
	v13 =	vadd.f32 v19, v13;
	v10 =	vld [tilespmem:s14+$0x13900]  }
0x410: {  	s13 =	sadd.s32 $0x80, s13;
	v5 =	vadd.f32 v8, v15;
	v8 =	vadd.f32 v9, v12;
	v9 =	vld [tilespmem:s14+$0x14780]  }
0x411: {  	s18 =	sand.u32 $0x70, s17;
	s19 =	sand.u32 $0xC00, s13;
	v12 =	vadd.f32 v20, v14;
	v13 =	vadd.f32 v21, v13;
	v14 =	vld [tilespmem:s14+$0x15580]  }
0x412: {  	s18 =	sor.u32 s18, s19;
	v6 =	vadd.f32 v6, v5;
	v7 =	vadd.f32 v7, v8;
	v8 =	vld [tilespmem:s14+$0x15600]  }
0x413: {  	v11 =	vadd.f32 v11, v12;
	v5 =	vld [tilespmem:s18+$0x14900];
	v12 =	vadd.f32 v16, v13  }
0x414: {  	v6 =	vadd.f32 v3, v6;
	v7 =	vadd.f32 v4, v7;
	v3 =	vld [tilespmem:s18+$0x12800]  }
0x415: {  	v13 =	vadd.f32 v10, v11;
	v4 =	vld [tilespmem:s18+$0x13680];
	v9 =	vadd.f32 v9, v12  }
0x416: {  	v10 =	vld [tilespmem:s18+$0x14800];
	v12 =	vadd.f32 v14, v17  }
0x417: {  	v14 =	vadd.f32 v7, v6;
	v11 =	vld [tilespmem:s18+$0x14880];
	v9 =	vadd.f32 v9, v13  }
0x418: {  	v6 =	vld [tilespmem:s18+$0x12780]  }
0x419: {  	v12 =	vadd.f32 v8, v12;
	v7 =	vld [tilespmem:s18+$0x13600];
	v13 =	vadd.f32 v9, v14  }
0x41a: {  	v8 =	vld [tilespmem:s18+$0x12700]  }
0x41b: {  	v9 =	vld [tilespmem:s18+$0x13580];
	v13 =	vadd.f32 v13, v12  }
0x41c: {  	v15 =	vld [tilespmem:s18+$0x12600]  }
.Ltmp10:
0x41d: {  	v12 =	vld [tilespmem:s18+$0x12880];
	[tilespmem:s14+$0x1C800] =	vst v13;
	s14 =	smov.u32 s18;
	(pc) =	sbr.rel @p1 .LBB2_15-.Ltmp10, $4  }
0x41e: {  	v14 =	vld [tilespmem:s14+$0x13700]  }
0x41f: {  	v13 =	vld [tilespmem:s14+$0x14580]  }
0x420: {  	v17 =	vld [tilespmem:s14+$0x12680]  }
0x421: {  	s17 =	sadd.s32 $0x10, s17;
	v16 =	vld [tilespmem:s14+$0x12900]  }
0x422: {  	v18 =	vld [tilespmem:s14+$0x13780]  }
0x423: {  	v19 =	vld [tilespmem:s14+$0x14600]  }
0x424: {  	v20 =	vld [tilespmem:s14+$0x13800];
	v10 =	vadd.f32 v11, v10  }
0x425: {  	v21 =	vld [tilespmem:s14+$0x14680]  }
0x426: {  	v11 =	vld [tilespmem:s14+$0x13880];
	v5 =	vadd.f32 v5, v10  }
0x427: {  	v15 =	vadd.f32 v17, v15;
	v12 =	vadd.f32 v16, v12;
	v16 =	vld [tilespmem:s14+$0x14700]  }
0x428: {  	v10 =	vld [tilespmem:s14+$0x13900];
	v14 =	vadd.f32 v18, v14;
	v13 =	vadd.f32 v19, v13  }
0x429: {  	v8 =	vadd.f32 v8, v15;
	v9 =	vadd.f32 v9, v12;
	v12 =	vld [tilespmem:s14+$0x14780]  }
0x42a: {  	v15 =	vld [tilespmem:s14+$0x15580];
	v14 =	vadd.f32 v20, v14;
	v13 =	vadd.f32 v21, v13  }
0x42b: {  	v6 =	vadd.f32 v6, v8;
	v7 =	vadd.f32 v7, v9  }
0x42c: {  	v8 =	vadd.f32 v11, v14;
	v9 =	vadd.f32 v16, v13  }
0x42d: {  	v11 =	vld [tilespmem:s14+$0x15600];
	v3 =	vadd.f32 v3, v6;
	v4 =	vadd.f32 v4, v7  }
0x42e: {  	v6 =	vadd.f32 v10, v8;
	v7 =	vadd.f32 v12, v9  }
0x42f: {  	v5 =	vadd.f32 v15, v5  }
0x430: {  	v3 =	vadd.f32 v4, v3;
	v4 =	vadd.f32 v7, v6;
	_ =	sdelay $0x1  }
0x431: {  	v5 =	vadd.f32 v11, v5;
	v3 =	vadd.f32 v4, v3;
	_ =	sdelay $0x1  }
0x432: {  	s13 =	simm.s32 $0x0;
	v3 =	vadd.f32 v3, v5  }
0x433: {  	s17 =	sand.u32 $0x70, s13;
	s18 =	sand.u32 $0xC00, s13  }
0x434: {  	[tilespmem:s14+$0x1C800] =	vst v3;
	s14 =	sor.u32 s17, s18  }
0x435: {  	v5 =	vld [tilespmem:s14+$0x18580]  }
0x436: {  	v3 =	vld [tilespmem:s14+$0x15880]  }
0x437: {  	v4 =	vld [tilespmem:s14+$0x16700]  }
0x438: {  	v10 =	vld [tilespmem:s14+$0x17880]  }
0x439: {  	v11 =	vld [tilespmem:s14+$0x17900]  }
0x43a: {  	v6 =	vld [tilespmem:s14+$0x15800]  }
0x43b: {  	v7 =	vld [tilespmem:s14+$0x16680]  }
0x43c: {  	v8 =	vld [tilespmem:s14+$0x15780]  }
0x43d: {  	v9 =	vld [tilespmem:s14+$0x16600]  }
0x43e: {  	v15 =	vld [tilespmem:s14+$0x15680]  }
0x43f: {  	v12 =	vld [tilespmem:s14+$0x15900]  }
0x440: {  	v14 =	vld [tilespmem:s14+$0x16780]  }
0x441: {  	v13 =	vld [tilespmem:s14+$0x17600]  }
0x442: {  	v17 =	vld [tilespmem:s14+$0x15700]  }
0x443: {  	s19 =	simm.s32 $0x0;
	s18 =	simm.s32 $0x10;
	v16 =	vld [tilespmem:s14+$0x16580];
	s17 =	smov.u32 s14  }
.LBB2_17:
0x444: {  	p1 =	sne.s32 s18, $0x1F0;
	v18 =	vld [tilespmem:s17+$0x16800]  }
0x445: {  	v19 =	vld [tilespmem:s17+$0x17680]  }
0x446: {  	v20 =	vld [tilespmem:s17+$0x16880]  }
0x447: {  	v21 =	vld [tilespmem:s17+$0x17700]  }
0x448: {  	v10 =	vadd.f32 v11, v10;
	v15 =	vadd.f32 v17, v15;
	v11 =	vld [tilespmem:s17+$0x16900]  }
0x449: {  	v12 =	vadd.f32 v16, v12;
	v14 =	vadd.f32 v18, v14;
	v16 =	vld [tilespmem:s17+$0x17780]  }
0x44a: {  	v17 =	vadd.f32 v5, v10;
	v13 =	vadd.f32 v19, v13;
	v10 =	vld [tilespmem:s17+$0x17580]  }
0x44b: {  	s19 =	sadd.s32 $0x80, s19;
	v5 =	vadd.f32 v8, v15;
	v8 =	vadd.f32 v9, v12;
	v9 =	vld [tilespmem:s17+$0x17800]  }
0x44c: {  	s20 =	sand.u32 $0x70, s18;
	s21 =	sand.u32 $0xC00, s19;
	v12 =	vadd.f32 v20, v14;
	v13 =	vadd.f32 v21, v13;
	v14 =	vld [tilespmem:s17+$0x18600]  }
0x44d: {  	s20 =	sor.u32 s20, s21;
	v6 =	vadd.f32 v6, v5;
	v7 =	vadd.f32 v7, v8;
	v8 =	vld [tilespmem:s17+$0x18680]  }
0x44e: {  	v11 =	vadd.f32 v11, v12;
	v5 =	vld [tilespmem:s20+$0x18580];
	v12 =	vadd.f32 v16, v13  }
0x44f: {  	v6 =	vadd.f32 v3, v6;
	v7 =	vadd.f32 v4, v7;
	v3 =	vld [tilespmem:s20+$0x15880]  }
0x450: {  	v13 =	vadd.f32 v10, v11;
	v4 =	vld [tilespmem:s20+$0x16700];
	v9 =	vadd.f32 v9, v12  }
0x451: {  	v10 =	vld [tilespmem:s20+$0x17880];
	v12 =	vadd.f32 v14, v17  }
0x452: {  	v14 =	vadd.f32 v7, v6;
	v11 =	vld [tilespmem:s20+$0x17900];
	v9 =	vadd.f32 v9, v13  }
0x453: {  	v6 =	vld [tilespmem:s20+$0x15800]  }
0x454: {  	v12 =	vadd.f32 v8, v12;
	v7 =	vld [tilespmem:s20+$0x16680];
	v13 =	vadd.f32 v9, v14  }
0x455: {  	v8 =	vld [tilespmem:s20+$0x15780]  }
0x456: {  	v9 =	vld [tilespmem:s20+$0x16600];
	v13 =	vadd.f32 v13, v12  }
0x457: {  	v15 =	vld [tilespmem:s20+$0x15680]  }
.Ltmp11:
0x458: {  	v12 =	vld [tilespmem:s20+$0x15900];
	[tilespmem:s17+$0x1C880] =	vst v13;
	s17 =	smov.u32 s20;
	(pc) =	sbr.rel @p1 .LBB2_17-.Ltmp11, $4  }
0x459: {  	v14 =	vld [tilespmem:s17+$0x16780]  }
0x45a: {  	v13 =	vld [tilespmem:s17+$0x17600]  }
0x45b: {  	v17 =	vld [tilespmem:s17+$0x15700]  }
0x45c: {  	s18 =	sadd.s32 $0x10, s18;
	v16 =	vld [tilespmem:s17+$0x16580]  }
0x45d: {  	v18 =	vld [tilespmem:s17+$0x16800]  }
0x45e: {  	v19 =	vld [tilespmem:s17+$0x17680]  }
0x45f: {  	v20 =	vld [tilespmem:s17+$0x16880];
	v10 =	vadd.f32 v11, v10  }
0x460: {  	v21 =	vld [tilespmem:s17+$0x17700]  }
0x461: {  	v11 =	vld [tilespmem:s17+$0x16900];
	v5 =	vadd.f32 v5, v10  }
0x462: {  	v15 =	vadd.f32 v17, v15;
	v12 =	vadd.f32 v16, v12;
	v16 =	vld [tilespmem:s17+$0x17780]  }
0x463: {  	v10 =	vld [tilespmem:s17+$0x17580];
	v14 =	vadd.f32 v18, v14;
	v13 =	vadd.f32 v19, v13  }
0x464: {  	v8 =	vadd.f32 v8, v15;
	v9 =	vadd.f32 v9, v12;
	v12 =	vld [tilespmem:s17+$0x17800]  }
0x465: {  	v15 =	vld [tilespmem:s17+$0x18600];
	v14 =	vadd.f32 v20, v14;
	v13 =	vadd.f32 v21, v13  }
0x466: {  	v6 =	vadd.f32 v6, v8;
	v7 =	vadd.f32 v7, v9  }
0x467: {  	v8 =	vadd.f32 v11, v14;
	v9 =	vadd.f32 v16, v13  }
0x468: {  	v11 =	vld [tilespmem:s17+$0x18680];
	v3 =	vadd.f32 v3, v6;
	v4 =	vadd.f32 v4, v7  }
0x469: {  	v6 =	vadd.f32 v10, v8;
	v7 =	vadd.f32 v12, v9  }
0x46a: {  	v5 =	vadd.f32 v15, v5  }
0x46b: {  	v3 =	vadd.f32 v4, v3;
	v4 =	vadd.f32 v7, v6;
	_ =	sdelay $0x1  }
0x46c: {  	v5 =	vadd.f32 v11, v5;
	v3 =	vadd.f32 v4, v3;
	_ =	sdelay $0x1  }
0x46d: {  	v3 =	vadd.f32 v3, v5;
	_ =	sdelay $0x1  }
0x46e: {  	[tilespmem:s17+$0x1C880] =	vst v3  }
0x46f: {  	v7 =	vld [tilespmem:s14+$0x1B600]  }
0x470: {  	v3 =	vld [tilespmem:s14+$0x18900]  }
0x471: {  	v4 =	vld [tilespmem:s14+$0x19780]  }
0x472: {  	v10 =	vld [tilespmem:s14+$0x1A900]  }
0x473: {  	v11 =	vld [tilespmem:s14+$0x1B580]  }
0x474: {  	v5 =	vld [tilespmem:s14+$0x18880]  }
0x475: {  	v6 =	vld [tilespmem:s14+$0x19700]  }
0x476: {  	v8 =	vld [tilespmem:s14+$0x18800]  }
0x477: {  	v9 =	vld [tilespmem:s14+$0x19680]  }
0x478: {  	v12 =	vld [tilespmem:s14+$0x18780]  }
0x479: {  	v13 =	vld [tilespmem:s14+$0x18700]  }
0x47a: {  	v14 =	vld [tilespmem:s14+$0x19580]  }
0x47b: {  	v16 =	vld [tilespmem:s14+$0x19600]  }
0x47c: {  	v15 =	vld [tilespmem:s14+$0x19800]  }
0x47d: {  	s18 =	simm.s32 $0x10;
	s17 =	simm.s32 $0x0;
	v17 =	vld [tilespmem:s14+$0x19880]  }
.LBB2_19:
0x47e: {  	p1 =	sne.s32 s18, $0x1F0;
	v18 =	vld [tilespmem:s14+$0x1A680]  }
0x47f: {  	v19 =	vld [tilespmem:s14+$0x1A700]  }
0x480: {  	v10 =	vadd.f32 v11, v10;
	v11 =	vld [tilespmem:s14+$0x19900]  }
0x481: {  	v20 =	vld [tilespmem:s14+$0x1A780]  }
0x482: {  	v7 =	vadd.f32 v7, v10;
	v10 =	vld [tilespmem:s14+$0x1A580]  }
0x483: {  	v12 =	vadd.f32 v12, v13;
	v13 =	vadd.f32 v16, v14;
	v14 =	vld [tilespmem:s14+$0x1A800]  }
0x484: {  	v15 =	vadd.f32 v17, v15;
	v16 =	vadd.f32 v19, v18;
	v17 =	vld [tilespmem:s14+$0x1A600]  }
0x485: {  	v8 =	vadd.f32 v8, v12;
	v9 =	vadd.f32 v9, v13;
	v12 =	vld [tilespmem:s14+$0x1A880]  }
0x486: {  	v11 =	vadd.f32 v11, v15;
	v13 =	vadd.f32 v20, v16;
	v15 =	vld [tilespmem:s14+$0x1B680]  }
0x487: {  	v5 =	vadd.f32 v5, v8;
	v6 =	vadd.f32 v6, v9  }
0x488: {  	v8 =	vadd.f32 v10, v11;
	v9 =	vadd.f32 v14, v13  }
0x489: {  	v3 =	vadd.f32 v3, v5;
	v4 =	vadd.f32 v4, v6;
	v5 =	vld [tilespmem:s14+$0x1B700]  }
0x48a: {  	v6 =	vadd.f32 v17, v8;
	v8 =	vadd.f32 v12, v9  }
0x48b: {  	v7 =	vadd.f32 v15, v7  }
0x48c: {  	v3 =	vadd.f32 v4, v3;
	v4 =	vadd.f32 v8, v6;
	_ =	sdelay $0x1  }
0x48d: {  	v5 =	vadd.f32 v5, v7;
	v3 =	vadd.f32 v4, v3;
	_ =	sdelay $0x1  }
0x48e: {  	s14 =	sor.u32 s17, s13;
	s17 =	sadd.s32 $0x80, s17;
	s13 =	smov.u32 s18;
	v3 =	vadd.f32 v3, v5  }
0x48f: {  	s19 =	sand.u32 $0x70, s18;
	s20 =	sand.u32 $0xC00, s17;
	s21 =	sor.u32 $0x380, s14  }
0x490: {  	s14 =	sor.u32 s19, s20;
	[tilespmem:s21+$0x1C580] =	vst v3  }
0x491: {  	v7 =	vld [tilespmem:s14+$0x1B600]  }
0x492: {  	v3 =	vld [tilespmem:s14+$0x18900]  }
0x493: {  	v4 =	vld [tilespmem:s14+$0x19780]  }
0x494: {  	v10 =	vld [tilespmem:s14+$0x1A900]  }
0x495: {  	v11 =	vld [tilespmem:s14+$0x1B580]  }
0x496: {  	v5 =	vld [tilespmem:s14+$0x18880]  }
0x497: {  	v6 =	vld [tilespmem:s14+$0x19700]  }
0x498: {  	v8 =	vld [tilespmem:s14+$0x18800]  }
0x499: {  	v9 =	vld [tilespmem:s14+$0x19680]  }
0x49a: {  	v12 =	vld [tilespmem:s14+$0x18780]  }
.Ltmp12:
0x49b: {  	v13 =	vld [tilespmem:s14+$0x18700];
	(pc) =	sbr.rel @p1 .LBB2_19-.Ltmp12, $4  }
0x49c: {  	v14 =	vld [tilespmem:s14+$0x19580]  }
0x49d: {  	v16 =	vld [tilespmem:s14+$0x19600]  }
0x49e: {  	v15 =	vld [tilespmem:s14+$0x19800]  }
0x49f: {  	s18 =	sadd.s32 $0x10, s18;
	v17 =	vld [tilespmem:s14+$0x19880]  }
0x4a0: {  	v18 =	vld [tilespmem:s14+$0x1A680]  }
0x4a1: {  	v19 =	vld [tilespmem:s14+$0x1A700]  }
0x4a2: {  	v49 =	vld [tilespmem:s14+$0x19900]  }
0x4a3: {  	v10 =	vadd.f32 v11, v10;
	v20 =	vld [tilespmem:s14+$0x1A780]  }
0x4a4: {  	v50 =	vld [tilespmem:s14+$0x1A580];
	v12 =	vadd.f32 v12, v13  }
0x4a5: {  	v52 =	vld [tilespmem:s14+$0x1A800];
	v7 =	vadd.f32 v7, v10;
	v51 =	vadd.f32 v16, v14  }
0x4a6: {  	v54 =	vld [tilespmem:s14+$0x1A600];
	v15 =	vadd.f32 v17, v15;
	v53 =	vadd.f32 v19, v18  }
0x4a7: {  	v55 =	vld [tilespmem:s14+$0x1A880];
	v8 =	vadd.f32 v8, v12;
	v9 =	vadd.f32 v9, v51  }
0x4a8: {  	v57 =	vld [tilespmem:s14+$0x1B680];
	v11 =	vadd.f32 v49, v15;
	v56 =	vadd.f32 v20, v53  }
0x4a9: {  	v5 =	vadd.f32 v5, v8;
	v6 =	vadd.f32 v6, v9  }
0x4aa: {  	v58 =	vadd.f32 v50, v11;
	v59 =	vadd.f32 v52, v56  }
0x4ab: {  	v60 =	vld [tilespmem:s14+$0x1B700];
	v3 =	vadd.f32 v3, v5;
	v4 =	vadd.f32 v4, v6  }
0x4ac: {  	v61 =	vadd.f32 v54, v58;
	v62 =	vadd.f32 v55, v59  }
0x4ad: {  	v7 =	vadd.f32 v57, v7  }
0x4ae: {  	v3 =	vadd.f32 v4, v3;
	v63 =	vadd.f32 v62, v61;
	_ =	sdelay $0x1  }
.Ltmp13:
0x4af: {  	v5 =	vadd.f32 v60, v7;
	v3 =	vadd.f32 v63, v3;
	(pc) =	sbr.rel @p0 .LBB2_22-.Ltmp13, $4  }
0x4b0: {  	_ = 	snop  }
0x4b1: {  	s13 =	sor.u32 s17, s13;
	v3 =	vadd.f32 v3, v5  }
0x4b2: {  	s13 =	sor.u32 $0x380, s13  }
0x4b3: {  	[tilespmem:s13+$0x1C580] =	vst v3  }
0x4b4: {  	s13 =	smul.u32 $0x340, s12;
	_ =	sdelay $0x1  }
0x4b5: {  	s13 =	sshra.s32 s13, $0x2  }
0x4b6: {  	v3 =	vld [tilespmem:s13+$0x2B8];
	_ =	sdelay $0x4  }
0x4b7: {  	v4 =	vshll.u32 v3, $0x2  }
0x4b8: {  	v3 =	vand.u32 $0x7, v3;
	v4 =	vand.u32 $0xFFFFFFE0, v4  }
0x4b9: {  	v3 =	vor.u32 v3, v4  }
0x4ba: {  	v4 =	vperm.xlane v3, v0;
	_ =	sdelay $0x1  }
0x4bb: {  	v4 =	vadd.s32 v1, v4;
	_ =	sdelay $0x1  }
0x4bc: {  	v3 =	vperm.xlane v3, v2;
	_ =	sdelay $0x1  }
0x4bd: {  	s0 =	simm.s32 $0xF580;
	v3 =	vadd.s32 v1, v3  }
0x4be: {  	[tilespmem:s0], [sflag:$0x2] =	stream.indirect_vreg.gather [hbm4b:s1+s3], $0x80, v4, vm0, $0xb8;
	[tilespmem:$0x1D580] =	vst v63  }
0x4bf: {  	s21 =	simm.s32 $0xFD80  }
0x4c0: {  	[tilespmem:s21], [sflag:$0x2] =	stream.indirect_vreg.gather [hbm4b:s8+s3], $0x80, v4, vm0, $0xb8;
	[tilespmem:$0x1D580] =	vst v63  }
0x4c1: {  	s22 =	simm.s32 $0x10580  }
0x4c2: {  	[tilespmem:s22], [sflag:$0x2] =	stream.indirect_vreg.gather [hbm4b:s1+s3], $0x80, v3, vm0, $0xb8;
	[tilespmem:$0x1D580] =	vst v63  }
0x4c3: {  	s14 =	simm.s32 $0x10D80  }
0x4c4: {  	[tilespmem:s14], [sflag:$0x2] =	stream.indirect_vreg.gather [hbm4b:s8+s3], $0x80, v3, vm0, $0xb8;
	[tilespmem:$0x1D580] =	vst v63  }
0x4c5: {  	v3 =	vld [tilespmem:s13+$0x2C8];
	_ =	sdelay $0x4  }
0x4c6: {  	v58 =	vshll.u32 v3, $0x2  }
0x4c7: {  	v3 =	vand.u32 $0x7, v3;
	v4 =	vand.u32 $0xFFFFFFE0, v58  }
0x4c8: {  	v3 =	vor.u32 v3, v4  }
0x4c9: {  	v4 =	vperm.xlane v3, v0;
	_ =	sdelay $0x1  }
0x4ca: {  	v4 =	vadd.s32 v1, v4;
	_ =	sdelay $0x1  }
0x4cb: {  	v3 =	vperm.xlane v3, v2;
	_ =	sdelay $0x1  }
0x4cc: {  	s17 =	simm.s32 $0x11580;
	v3 =	vadd.s32 v1, v3  }
0x4cd: {  	[tilespmem:s17], [sflag:$0x2] =	stream.indirect_vreg.gather [hbm4b:s1+s3], $0x80, v4, vm0, $0xb8;
	[tilespmem:$0x1D580] =	vst v63  }
0x4ce: {  	s18 =	simm.s32 $0x11D80  }
0x4cf: {  	[tilespmem:s18], [sflag:$0x2] =	stream.indirect_vreg.gather [hbm4b:s8+s3], $0x80, v4, vm0, $0xb8;
	[tilespmem:$0x1D580] =	vst v63  }
0x4d0: {  	s19 =	simm.s32 $0x12580  }
0x4d1: {  	[tilespmem:s19], [sflag:$0x2] =	stream.indirect_vreg.gather [hbm4b:s1+s3], $0x80, v3, vm0, $0xb8;
	[tilespmem:$0x1D580] =	vst v63  }
0x4d2: {  	s20 =	simm.s32 $0x12D80  }
0x4d3: {  	[tilespmem:s20], [sflag:$0x2] =	stream.indirect_vreg.gather [hbm4b:s8+s3], $0x80, v3, vm0, $0xb8;
	[tilespmem:$0x1D580] =	vst v63  }
0x4d4: {  	v3 =	vld [tilespmem:s13+$0x2D8];
	_ =	sdelay $0x4  }
0x4d5: {  	v59 =	vshll.u32 v3, $0x2  }
0x4d6: {  	v3 =	vand.u32 $0x7, v3;
	v4 =	vand.u32 $0xFFFFFFE0, v59  }
0x4d7: {  	v3 =	vor.u32 v3, v4  }
0x4d8: {  	v4 =	vperm.xlane v3, v0;
	_ =	sdelay $0x1  }
0x4d9: {  	v4 =	vadd.s32 v1, v4;
	_ =	sdelay $0x1  }
0x4da: {  	v3 =	vperm.xlane v3, v2;
	_ =	sdelay $0x1  }
0x4db: {  	s21 =	simm.s32 $0x13580;
	v3 =	vadd.s32 v1, v3  }
0x4dc: {  	[tilespmem:s21], [sflag:$0x2] =	stream.indirect_vreg.gather [hbm4b:s1+s3], $0x80, v4, vm0, $0xb8;
	[tilespmem:$0x1D580] =	vst v63  }
0x4dd: {  	s22 =	simm.s32 $0x13D80  }
0x4de: {  	[tilespmem:s22], [sflag:$0x2] =	stream.indirect_vreg.gather [hbm4b:s8+s3], $0x80, v4, vm0, $0xb8;
	[tilespmem:$0x1D580] =	vst v63  }
0x4df: {  	s14 =	simm.s32 $0x14580  }
0x4e0: {  	[tilespmem:s14], [sflag:$0x2] =	stream.indirect_vreg.gather [hbm4b:s1+s3], $0x80, v3, vm0, $0xb8;
	[tilespmem:$0x1D580] =	vst v63  }
0x4e1: {  	s17 =	simm.s32 $0x14D80  }
0x4e2: {  	[tilespmem:s17], [sflag:$0x2] =	stream.indirect_vreg.gather [hbm4b:s8+s3], $0x80, v3, vm0, $0xb8;
	[tilespmem:$0x1D580] =	vst v63  }
0x4e3: {  	v3 =	vld [tilespmem:s13+$0x2E8];
	_ =	sdelay $0x4  }
0x4e4: {  	v60 =	vshll.u32 v3, $0x2  }
0x4e5: {  	v3 =	vand.u32 $0x7, v3;
	v4 =	vand.u32 $0xFFFFFFE0, v60  }
0x4e6: {  	v3 =	vor.u32 v3, v4  }
0x4e7: {  	v4 =	vperm.xlane v3, v0;
	_ =	sdelay $0x1  }
0x4e8: {  	v4 =	vadd.s32 v1, v4;
	_ =	sdelay $0x1  }
0x4e9: {  	v3 =	vperm.xlane v3, v2;
	_ =	sdelay $0x1  }
0x4ea: {  	s18 =	simm.s32 $0x15580;
	v3 =	vadd.s32 v1, v3  }
0x4eb: {  	[tilespmem:s18], [sflag:$0x2] =	stream.indirect_vreg.gather [hbm4b:s1+s3], $0x80, v4, vm0, $0xb8;
	[tilespmem:$0x1D580] =	vst v63  }
0x4ec: {  	_ = 	snop  }
0x4ed: {  	[tilespmem:s16], [sflag:$0x2] =	stream.indirect_vreg.gather [hbm4b:s8+s3], $0x80, v4, vm0, $0xb8;
	[tilespmem:$0x1D580] =	vst v63  }
0x4ee: {  	_ = 	snop  }
0x4ef: {  	[tilespmem:s15], [sflag:$0x2] =	stream.indirect_vreg.gather [hbm4b:s1+s3], $0x80, v3, vm0, $0xb8;
	[tilespmem:$0x1D580] =	vst v63  }
0x4f0: {  	_ = 	snop  }
0x4f1: {  	[tilespmem:s23], [sflag:$0x2] =	stream.indirect_vreg.gather [hbm4b:s8+s3], $0x80, v3, vm0, $0xb8;
	[tilespmem:$0x1D580] =	vst v63  }
0x4f2: {  	v3 =	vld [tilespmem:s13+$0x2F8];
	_ =	sdelay $0x4  }
0x4f3: {  	v61 =	vshll.u32 v3, $0x2  }
0x4f4: {  	v3 =	vand.u32 $0x7, v3;
	v4 =	vand.u32 $0xFFFFFFE0, v61  }
0x4f5: {  	v3 =	vor.u32 v3, v4  }
0x4f6: {  	v4 =	vperm.xlane v3, v0;
	_ =	sdelay $0x1  }
0x4f7: {  	v4 =	vadd.s32 v1, v4;
	_ =	sdelay $0x1  }
0x4f8: {  	v3 =	vperm.xlane v3, v2;
	_ =	sdelay $0x1  }
0x4f9: {  	v3 =	vadd.s32 v1, v3  }
0x4fa: {  	[tilespmem:s25], [sflag:$0x2] =	stream.indirect_vreg.gather [hbm4b:s1+s3], $0x80, v4, vm0, $0xb8;
	[tilespmem:$0x1D580] =	vst v63  }
0x4fb: {  	_ = 	snop  }
0x4fc: {  	[tilespmem:s6], [sflag:$0x2] =	stream.indirect_vreg.gather [hbm4b:s8+s3], $0x80, v4, vm0, $0xb8;
	[tilespmem:$0x1D580] =	vst v63  }
0x4fd: {  	_ = 	snop  }
0x4fe: {  	[tilespmem:s28], [sflag:$0x2] =	stream.indirect_vreg.gather [hbm4b:s1+s3], $0x80, v3, vm0, $0xb8;
	[tilespmem:$0x1D580] =	vst v63  }
0x4ff: {  	_ = 	snop  }
0x500: {  	[tilespmem:s30], [sflag:$0x2] =	stream.indirect_vreg.gather [hbm4b:s8+s3], $0x80, v3, vm0, $0xb8;
	[tilespmem:$0x1D580] =	vst v63  }
0x501: {  	v3 =	vld [tilespmem:s13+$0x308];
	_ =	sdelay $0x4  }
0x502: {  	v62 =	vshll.u32 v3, $0x2  }
0x503: {  	v3 =	vand.u32 $0x7, v3;
	v4 =	vand.u32 $0xFFFFFFE0, v62  }
0x504: {  	v3 =	vor.u32 v3, v4  }
0x505: {  	v4 =	vperm.xlane v3, v0;
	_ =	sdelay $0x1  }
0x506: {  	v4 =	vadd.s32 v1, v4;
	_ =	sdelay $0x1  }
0x507: {  	v3 =	vperm.xlane v3, v2;
	_ =	sdelay $0x1  }
0x508: {  	v3 =	vadd.s32 v1, v3  }
0x509: {  	[tilespmem:s24], [sflag:$0x2] =	stream.indirect_vreg.gather [hbm4b:s1+s3], $0x80, v4, vm0, $0xb8;
	[tilespmem:$0x1D580] =	vst v63  }
0x50a: {  	_ = 	snop  }
0x50b: {  	[tilespmem:s2], [sflag:$0x2] =	stream.indirect_vreg.gather [hbm4b:s8+s3], $0x80, v4, vm0, $0xb8;
	[tilespmem:$0x1D580] =	vst v63  }
0x50c: {  	s19 =	simm.s32 $0x1A580  }
0x50d: {  	[tilespmem:s19], [sflag:$0x2] =	stream.indirect_vreg.gather [hbm4b:s1+s3], $0x80, v3, vm0, $0xb8;
	[tilespmem:$0x1D580] =	vst v63  }
0x50e: {  	s20 =	simm.s32 $0x1AD80  }
0x50f: {  	[tilespmem:s20], [sflag:$0x2] =	stream.indirect_vreg.gather [hbm4b:s8+s3], $0x80, v3, vm0, $0xb8;
	[tilespmem:$0x1D580] =	vst v63  }
0x510: {  	v3 =	vld.msk [tilespmem:s13+$0x318], $0xff;
	_ =	sdelay $0x4  }
0x511: {  	v63 =	vshll.u32 v3, $0x2  }
0x512: {  	v3 =	vand.u32 $0x7, v3;
	v4 =	vand.u32 $0xFFFFFFE0, v63  }
0x513: {  	v3 =	vor.u32 v3, v4  }
0x514: {  	v3 =	vperm.xlane v3, v0;
	_ =	sdelay $0x1  }
0x515: {  	v3 =	vadd.s32 v1, v3;
	_ =	sdelay $0x2  }
.Ltmp14:
0x516: {  	_ = 	snop;
	(pc) =	sbr.rel .LBB2_22-.Ltmp14, $4  }
0x517: {  	s21 =	simm.s32 $0x1B580  }
0x518: {  	[tilespmem:s21], [sflag:$0x2] =	stream.indirect_vreg.gather [hbm4b:s1+s3], $0x80, v3, vm0, $0xb8;
	[tilespmem:$0x1D580] =	vst v63  }
0x519: {  	s22 =	simm.s32 $0x1BD80  }
0x51a: {  	[tilespmem:s22], [sflag:$0x2] =	stream.indirect_vreg.gather [hbm4b:s8+s3], $0x80, v3, vm0, $0xb8;
	[tilespmem:$0x1D580] =	vst v63  }
.LBB2_24:
0x51b: {  	_ =	sfence.sel $0x180000  }
0x51c: {  	[bflag:$0x0] =	sbarrier.arrive $0xFFFF  }
0x51d: {  	_ =	strace $0x90000047  }
0x51e: {  	s0 =	stileid.u32;
	[bflag:$0x2] =	sbarrier.arrive $0xFFFF  }
0x51f: {  	p0 =	sne.s32 s0, $0x0;
	s0 =	rddreg [dreg:$0x3]  }
0x520: {  	s0 =	sadd.s32 @!p0 $0x100000, s0  }
0x521: {  	[sflag:s0] =	ssyncadd.tile.s32 @!p0 $0x1;
	_ =	shalt  }
.Lfunc_end2:
_tile_overlayer_lowered:
.L_overlay_start_2:
0x522: {  	(tag) =	ssettag $0x2  }
0x523: {  	s0 =	rddreg [dreg:$0x0];
	s2 =	stileid.u32  }
0x524: {  	s1 =	rddreg [dreg:$0x1];
	p0 =	sne.s32 s2, $0x0  }
0x525: {  	s3 =	rddreg [dreg:$0x2];
	[bflag:$0x3] =	sbarrier.arrive $0xFFFF;
	s2 =	simm.s32 @!p0 $0x1C05  }
0x526: {  	[timem:s3], [sflag:s2] =	dma.local @!p0 [hbm:s0], s1  }
0x527: {  	s0 =	simm.s32 @!p0 $0x5  }
0x528: {  	_ =	swait.ge @!p0 [sflag:s0], s1  }
0x529: {  	s1 =	ssub.s32 @!p0 $0x0, s1;
	[sflag:s0] =	ssyncset.done @!p0 $0x0  }
0x52a: {  	[sflag:s0] =	ssyncadd.s32 @!p0 s1  }
0x52b: {  	[bflag:$0x3] =	sbarrier.arrive $0xFFFF  }
0x52c: {  	_ =	shalt  }

</sc_bundles>
